<compile_context>
chip_gen: v7x
topology: tpu7x:2x2x1
jax: 0.10.2.dev20260603
libtpu: 0.0.44.dev20260713+nightly
codegen_flags: <defaults>
</compile_context>

<pallas_src>
import functools

import jax
import jax.numpy as jnp
from jax import lax
from jax.experimental import pallas as pl
from jax.experimental.pallas import tpu as pltpu
from jax.experimental.pallas import tpu_sc as plsc

H = 1024
H2 = H // 2
F = 2048
E = 8
K = 2
T = 2048

TB = 256
NTB = T // TB
BLK = 256
P = 6144
NB = P // BLK

_NTILES = 32
_RPT = P // _NTILES
_GCH = _RPT // 2
_TPT = T // _NTILES
_CCH = _TPT // 2

_mesh = functools.partial(
    plsc.VectorSubcoreMesh, core_axis_name="c", subcore_axis_name="s")
_sc_params = pltpu.CompilerParams(needs_layout_passes=False)



def _router_body(x_ref, wgt_ref, e1_ref, e2_ref, r1_ref, r2_ref,
                 wa_ref, wb_ref, cnt_ref, carry_ref):
    tb = pl.program_id(0)
    logits = lax.dot_general(
        x_ref[...].astype(jnp.bfloat16), wgt_ref[...].astype(jnp.bfloat16),
        (((1,), (0,)), ((), ())),
        preferred_element_type=jnp.float32)
    lane = lax.broadcasted_iota(jnp.int32, (TB, E), 1)
    big = jnp.int32(E)
    l1 = jnp.max(logits, axis=1, keepdims=True)
    i1 = jnp.min(jnp.where(logits == l1, lane, big), axis=1, keepdims=True)
    masked = jnp.where(lane == i1, -jnp.inf, logits)
    l2 = jnp.max(masked, axis=1, keepdims=True)
    i2 = jnp.min(jnp.where(masked == l2, lane, big), axis=1, keepdims=True)
    wb = 1.0 / (1.0 + jnp.exp(l1 - l2))
    wa = 1.0 - wb

    mask = ((lane == i1) | (lane == i2)).astype(jnp.bfloat16)
    row_i = lax.broadcasted_iota(jnp.int32, (TB, TB), 0)
    col_i = lax.broadcasted_iota(jnp.int32, (TB, TB), 1)
    tri = (col_i < row_i).astype(jnp.bfloat16)
    rank = lax.dot_general(tri, mask, (((1,), (0,)), ((), ())),
                           preferred_element_type=jnp.float32)

    @pl.when(tb == 0)
    def _():
        carry_ref[...] = jnp.zeros_like(carry_ref)

    carry = carry_ref[0:1, 0:E]
    rank = rank + carry
    new_carry = carry + jnp.sum(mask.astype(jnp.float32), axis=0,
                                keepdims=True)
    carry_ref[0:1, 0:E] = new_carry

    e1_ref[...] = i1
    e2_ref[...] = i2
    r1_ref[...] = jnp.sum(jnp.where(lane == i1, rank, 0.0), axis=1,
                          keepdims=True).astype(jnp.int32)
    r2_ref[...] = jnp.sum(jnp.where(lane == i2, rank, 0.0), axis=1,
                          keepdims=True).astype(jnp.int32)
    wa_ref[...] = wa
    wb_ref[...] = wb

    @pl.when(tb == NTB - 1)
    def _():
        cnt_ref[...] = jnp.broadcast_to(new_carry, (E, E))


def _router(x, Wg):
    out_shapes = [
        jax.ShapeDtypeStruct((T, 1), jnp.int32),
        jax.ShapeDtypeStruct((T, 1), jnp.int32),
        jax.ShapeDtypeStruct((T, 1), jnp.int32),
        jax.ShapeDtypeStruct((T, 1), jnp.int32),
        jax.ShapeDtypeStruct((T, 1), jnp.float32),
        jax.ShapeDtypeStruct((T, 1), jnp.float32),
        jax.ShapeDtypeStruct((E, E), jnp.float32),
    ]
    tok_spec = lambda: pl.BlockSpec((TB, 1), lambda tb: (tb, 0))
    return pl.pallas_call(
        _router_body,
        grid=(NTB,),
        in_specs=[
            pl.BlockSpec((TB, H), lambda tb: (tb, 0)),
            pl.BlockSpec((H, E), lambda tb: (0, 0)),
        ],
        out_specs=[
            tok_spec(), tok_spec(), tok_spec(), tok_spec(),
            tok_spec(), tok_spec(),
            pl.BlockSpec((E, E), lambda tb: (0, 0)),
        ],
        out_shape=out_shapes,
        scratch_shapes=[pltpu.VMEM((8, 128), jnp.float32)],
    )(x, Wg.T)



def _scatter_body(e1_ref, e2_ref, r1_ref, r2_ref, wa_ref, wb_ref, off_ref,
                  st_ref, cwp_ref, pos0_ref, pos1_ref,
                  e1_v, e2_v, r1_v, r2_v, wa_v, wb_v, off_v,
                  st_v, cw_v, p0_v, p1_v):
    wid = lax.axis_index("s") * 2 + lax.axis_index("c")

    @pl.when(wid == 0)
    def _():
        pltpu.sync_copy(e1_ref, e1_v)
        pltpu.sync_copy(e2_ref, e2_v)
        pltpu.sync_copy(r1_ref, r1_v)
        pltpu.sync_copy(r2_ref, r2_v)
        pltpu.sync_copy(wa_ref, wa_v)
        pltpu.sync_copy(wb_ref, wb_v)
        pltpu.sync_copy(off_ref, off_v)

        def zero_body(i, _):
            st_v[pl.ds(i * 16, 16)] = jnp.zeros((16,), jnp.int32)
            cw_v[pl.ds(i * 16, 16)] = jnp.zeros((16,), jnp.float32)
            return 0
        lax.fori_loop(0, P // 16, zero_body, 0)

        def chunk_body(j, _):
            sl = pl.ds(j * 16, 16)
            tok = lax.iota(jnp.int32, 16) + j * 16
            pos = plsc.load_gather(off_v, [e1_v[sl]]) + r1_v[sl]
            plsc.store_scatter(st_v, [pos], tok)
            plsc.store_scatter(cw_v, [pos], wa_v[sl])
            p0_v[sl] = pos
            pos2 = plsc.load_gather(off_v, [e2_v[sl]]) + r2_v[sl]
            plsc.store_scatter(st_v, [pos2], tok)
            plsc.store_scatter(cw_v, [pos2], wb_v[sl])
            p1_v[sl] = pos2
            return 0
        lax.fori_loop(0, T // 16, chunk_body, 0)

        pltpu.sync_copy(st_v, st_ref)
        pltpu.sync_copy(cw_v, cwp_ref)
        pltpu.sync_copy(p0_v, pos0_ref)
        pltpu.sync_copy(p1_v, pos1_ref)


def _scatter(e1, e2, r1, r2, wa, wb, off16):
    return pl.kernel(
        _scatter_body,
        mesh=_mesh(),
        compiler_params=_sc_params,
        out_type=[
            jax.ShapeDtypeStruct((P,), jnp.int32),
            jax.ShapeDtypeStruct((P,), jnp.float32),
            jax.ShapeDtypeStruct((T,), jnp.int32),
            jax.ShapeDtypeStruct((T,), jnp.int32),
        ],
        scratch_types=[
            pltpu.VMEM((T,), jnp.int32), pltpu.VMEM((T,), jnp.int32),
            pltpu.VMEM((T,), jnp.int32), pltpu.VMEM((T,), jnp.int32),
            pltpu.VMEM((T,), jnp.float32), pltpu.VMEM((T,), jnp.float32),
            pltpu.VMEM((16,), jnp.int32),
            pltpu.VMEM((P,), jnp.int32), pltpu.VMEM((P,), jnp.float32),
            pltpu.VMEM((T,), jnp.int32), pltpu.VMEM((T,), jnp.int32),
        ],
    )(e1, e2, r1, r2, wa, wb, off16)



def _gather_body(xb_ref, st_ref, xs_ref, idx_v, rows_v, sem):
    wid = lax.axis_index("s") * 2 + lax.axis_index("c")
    for c in range(_RPT // _GCH):
        base = wid * _RPT + c * _GCH
        pltpu.sync_copy(st_ref.at[pl.ds(base, _GCH)], idx_v)
        pltpu.async_copy(xb_ref.at[idx_v], rows_v, sem).wait()
        pltpu.sync_copy(rows_v, xs_ref.at[pl.ds(base, _GCH), :])


def _gather(xb32, st):
    return pl.kernel(
        _gather_body,
        mesh=_mesh(),
        compiler_params=_sc_params,
        out_type=jax.ShapeDtypeStruct((P, H2), jnp.int32),
        scratch_types=[
            pltpu.VMEM((_GCH,), jnp.int32),
            pltpu.VMEM((_GCH, H2), jnp.int32),
            pltpu.SemaphoreType.DMA,
        ],
    )(xb32, st)



def _ffn_body(be_ref, xs_ref, w1_ref, w3_ref, w2_ref, cwp_ref, ys_ref):
    xb = xs_ref[...]
    h = jnp.dot(xb, w1_ref[0], preferred_element_type=jnp.float32)
    g = jnp.dot(xb, w3_ref[0], preferred_element_type=jnp.float32)
    a = (h * lax.logistic(h) * g).astype(jnp.bfloat16)
    y = jnp.dot(a, w2_ref[0], preferred_element_type=jnp.float32)
    ys_ref[...] = y * cwp_ref[...]


def _ffn(xs, be, W1T, W3T, W2T, cwp):
    grid_spec = pltpu.PrefetchScalarGridSpec(
        num_scalar_prefetch=1,
        grid=(NB,),
        in_specs=[
            pl.BlockSpec((BLK, H), lambda b, be: (b, 0)),
            pl.BlockSpec((1, H, F), lambda b, be: (be[b], 0, 0)),
            pl.BlockSpec((1, H, F), lambda b, be: (be[b], 0, 0)),
            pl.BlockSpec((1, F, H), lambda b, be: (be[b], 0, 0)),
            pl.BlockSpec((BLK, 1), lambda b, be: (b, 0)),
        ],
        out_specs=pl.BlockSpec((BLK, H), lambda b, be: (b, 0)),
    )
    return pl.pallas_call(
        _ffn_body,
        grid_spec=grid_spec,
        out_shape=jax.ShapeDtypeStruct((P, H), jnp.float32),
        compiler_params=pltpu.CompilerParams(
            dimension_semantics=("arbitrary",)),
    )(be, xs, W1T, W3T, W2T, cwp)



def _combine_body(ys_ref, pos0_ref, pos1_ref, out_ref,
                  idxa_v, idxb_v, rows_a, rows_b, obuf, sema, semb):
    wid = lax.axis_index("s") * 2 + lax.axis_index("c")
    for c in range(_TPT // _CCH):
        base = wid * _TPT + c * _CCH
        pltpu.sync_copy(pos0_ref.at[pl.ds(base, _CCH)], idxa_v)
        pltpu.sync_copy(pos1_ref.at[pl.ds(base, _CCH)], idxb_v)
        cpa = pltpu.async_copy(ys_ref.at[idxa_v], rows_a, sema)
        cpb = pltpu.async_copy(ys_ref.at[idxb_v], rows_b, semb)
        cpa.wait()
        cpb.wait()

        def tok_body(i, _):
            for q in range(H // 16):
                sl = pl.ds(q * 16, 16)
                obuf[i, sl] = rows_a[i, sl] + rows_b[i, sl]
            return 0
        lax.fori_loop(0, _CCH, tok_body, 0)

        pltpu.sync_copy(obuf, out_ref.at[pl.ds(base, _CCH), :])


def _combine(ys, pos0, pos1):
    return pl.kernel(
        _combine_body,
        mesh=_mesh(),
        compiler_params=_sc_params,
        out_type=jax.ShapeDtypeStruct((T, H), jnp.float32),
        scratch_types=[
            pltpu.VMEM((_CCH,), jnp.int32), pltpu.VMEM((_CCH,), jnp.int32),
            pltpu.VMEM((_CCH, H), jnp.float32),
            pltpu.VMEM((_CCH, H), jnp.float32),
            pltpu.VMEM((_CCH, H), jnp.float32),
            pltpu.SemaphoreType.DMA, pltpu.SemaphoreType.DMA,
        ],
    )(ys, pos0, pos1)



def kernel(x, Wg, W1, W2, W3):
    W1T = jnp.transpose(W1, (0, 2, 1)).astype(jnp.bfloat16)
    W3T = jnp.transpose(W3, (0, 2, 1)).astype(jnp.bfloat16)
    W2T = jnp.transpose(W2, (0, 2, 1)).astype(jnp.bfloat16)
    xb32 = lax.bitcast_convert_type(
        x.astype(jnp.bfloat16).reshape(T, H2, 2), jnp.int32)

    e1, e2, r1, r2, wa, wb, cnt = _router(x, Wg)
    counts = cnt[0].astype(jnp.int32)
    cap = ((counts + (BLK - 1)) // BLK) * BLK
    inc = jnp.cumsum(cap)
    off = (inc - cap).astype(jnp.int32)
    off16 = jnp.concatenate([off, jnp.zeros((8,), jnp.int32)])
    bvec = jnp.arange(NB, dtype=jnp.int32) * BLK
    be = jnp.minimum(
        jnp.sum((inc[None, :] <= bvec[:, None]).astype(jnp.int32), axis=1),
        E - 1).astype(jnp.int32)

    st, cwp, pos0, pos1 = _scatter(
        e1.reshape(T), e2.reshape(T), r1.reshape(T), r2.reshape(T),
        wa.reshape(T), wb.reshape(T), off16)
    xs32 = _gather(xb32, st)
    xs = lax.bitcast_convert_type(xs32, jnp.bfloat16).reshape(P, H)
    ys = _ffn(xs, be, W1T, W3T, W2T, cwp.reshape(P, 1))
    return _combine(ys, pos0, pos1)

# --- scband reference (transcript-rebuilt; emitter-appended) ---
"""Pipeline reference for scband-mo-elayer-28750511079539 (READ-ONLY COPY).

The authoritative reference and input builder live on the scoring server;
editing this copy changes nothing except your own understanding.
"""

import jax, jax.numpy as jnp
import numpy as np

H = 1024   # hidden_dim
F = 2048   # intermediate_dim
E = 8      # num_experts
K = 2      # top_k
T = 2048   # tokens = batch(1) * seq_len(2048)


def setup_inputs(seed: int = 0) -> dict:
    key = jax.random.key(seed)
    ks = jax.random.split(key, 5)
    x = jax.random.normal(ks[0], (T, H), dtype=jnp.float32)
    # router gate: nn.Linear(H, E, bias=False) -> weight [E, H]
    Wg = jax.random.normal(ks[1], (E, H), dtype=jnp.float32) * 0.02
    # per-expert FFN weights (nn.Linear weight layout [out, in]), stacked over experts
    W1 = jax.random.normal(ks[2], (E, F, H), dtype=jnp.float32) * 0.02  # w1: H->F
    W3 = jax.random.normal(ks[3], (E, F, H), dtype=jnp.float32) * 0.02  # w3: H->F
    W2 = jax.random.normal(ks[4], (E, H, F), dtype=jnp.float32) * 0.02  # w2: F->H
    return {"x": x, "Wg": Wg, "W1": W1, "W2": W2, "W3": W3}


def reference(x, Wg, W1, W2, W3):
    # LearnedRouter: logits -> softmax -> top_k -> renormalize
    logits = x @ Wg.T                                  # [T, E]
    probs = jax.nn.softmax(logits, axis=-1)            # [T, E]
    topk_probs, topk_idx = jax.lax.top_k(probs, K)     # [T, K]
    topk_probs = topk_probs / jnp.sum(topk_probs, axis=-1, keepdims=True)
    # combine weights: cw[t, e] = sum_k topk_probs[t, k] * (topk_idx[t, k] == e)
    one_hot = jax.nn.one_hot(topk_idx, E, dtype=x.dtype)      # [T, K, E]
    cw = jnp.sum(topk_probs[..., None] * one_hot, axis=1)     # [T, E]
    # ExpertFFN per expert: w2(silu(w1 x) * w3 x), dense dispatch weighted by cw
    h = jnp.einsum('td,efd->etf', x, W1)               # [E, T, F]
    g = jnp.einsum('td,efd->etf', x, W3)               # [E, T, F]
    y = jnp.einsum('etf,edf->etd', jax.nn.silu(h) * g, W2)  # [E, T, H]
    out = jnp.einsum('te,etd->td', cw, y)              # [T, H]
    return out

if __name__ == "__main__":
    import jax
    _d = setup_inputs()
    print(jax.jit(kernel)(*tuple(_d.values())))

</pallas_src>

<mosaic_0001>
#map = affine_map<(d0, d1) -> (0, 0)>
#map1 = affine_map<(d0, d1) -> (0)>
module attributes {stable_mosaic.version = 14 : i64} {
  func.func @_combine_body(%arg0: i32, %arg1: i32, %arg2: memref<6144x1024xf32, #tpu.memory_space<hbm>>, %arg3: memref<2048xi32, #tpu.memory_space<hbm>>, %arg4: memref<2048xi32, #tpu.memory_space<hbm>>, %arg5: memref<2048x1024xf32, #tpu.memory_space<hbm>>, %arg6: memref<32xi32, #tpu.memory_space<vmem>>, %arg7: memref<32xi32, #tpu.memory_space<vmem>>, %arg8: memref<32x1024xf32, #tpu.memory_space<vmem>>, %arg9: memref<32x1024xf32, #tpu.memory_space<vmem>>, %arg10: memref<32x1024xf32, #tpu.memory_space<vmem>>, %arg11: memref<!tpu.dma_semaphore, #tpu.memory_space<semaphore_mem>>, %arg12: memref<!tpu.dma_semaphore, #tpu.memory_space<semaphore_mem>>) attributes {dimension_semantics = [#tpu.dimension_semantics<core_parallel>, #tpu.dimension_semantics<subcore_parallel>], iteration_bounds = array<i64: 2, 16>, scalar_prefetch = 0 : i64, scratch_operands = 7 : i64, tpu.core_type = #tpu.core_type<sc_vector_subcore>, window_params = [{transform_indices = #map}, {transform_indices = #map1}, {transform_indices = #map1}, {transform_indices = #map}]} {
    %mul3A = arith.constant 2 : i32
    %mul3A_0 = arith.muli %arg1, %mul3A : i32
    %add3A = arith.addi %mul3A_0, %arg0 : i32
    %mul3A_1 = arith.constant 64 : i32
    %mul3A_2 = arith.muli %add3A, %mul3A_1 : i32
    %add3A_3 = arith.constant 0 : i32
    %add3A_4 = arith.addi %mul3A_2, %add3A_3 : i32
    "tpu.region"() ({
      %run_scoped3A = tpu.sem_alloc : memref<!tpu.dma_semaphore, #tpu.memory_space<semaphore_mem>>
      %dma_start3A_44 = tpu.memref_slice %arg3[%add3A_4] : memref<2048xi32, #tpu.memory_space<hbm>> -> memref<32xi32, #tpu.memory_space<hbm>>
      %dma_start3A_45 = tpu.memref_slice %arg3[%add3A_4] : memref<2048xi32, #tpu.memory_space<hbm>> -> memref<32xi32, #tpu.memory_space<hbm>>
      tpu.enqueue_dma source(%dma_start3A_45 : memref<32xi32, #tpu.memory_space<hbm>>) target(%arg6 : memref<32xi32, #tpu.memory_space<vmem>>) target_semaphore(%run_scoped3A : memref<!tpu.dma_semaphore, #tpu.memory_space<semaphore_mem>>)
      %dma_wait3A_46 = tpu.memref_slice %arg3[%add3A_4] : memref<2048xi32, #tpu.memory_space<hbm>> -> memref<32xi32, #tpu.memory_space<hbm>>
      %dma_wait3A_47 = tpu.memref_slice %arg3[%add3A_4] : memref<2048xi32, #tpu.memory_space<hbm>> -> memref<32xi32, #tpu.memory_space<hbm>>
      tpu.wait_dma2 semaphore(%run_scoped3A : memref<!tpu.dma_semaphore, #tpu.memory_space<semaphore_mem>>) src(%dma_wait3A_47 : memref<32xi32, #tpu.memory_space<hbm>>) dst(%arg6 : memref<32xi32, #tpu.memory_space<vmem>>)
      tpu.yield
    }) : () -> ()
    "tpu.region"() ({
      %run_scoped3A = tpu.sem_alloc : memref<!tpu.dma_semaphore, #tpu.memory_space<semaphore_mem>>
      %dma_start3A_44 = tpu.memref_slice %arg4[%add3A_4] : memref<2048xi32, #tpu.memory_space<hbm>> -> memref<32xi32, #tpu.memory_space<hbm>>
      %dma_start3A_45 = tpu.memref_slice %arg4[%add3A_4] : memref<2048xi32, #tpu.memory_space<hbm>> -> memref<32xi32, #tpu.memory_space<hbm>>
      tpu.enqueue_dma source(%dma_start3A_45 : memref<32xi32, #tpu.memory_space<hbm>>) target(%arg7 : memref<32xi32, #tpu.memory_space<vmem>>) target_semaphore(%run_scoped3A : memref<!tpu.dma_semaphore, #tpu.memory_space<semaphore_mem>>)
      %dma_wait3A_46 = tpu.memref_slice %arg4[%add3A_4] : memref<2048xi32, #tpu.memory_space<hbm>> -> memref<32xi32, #tpu.memory_space<hbm>>
      %dma_wait3A_47 = tpu.memref_slice %arg4[%add3A_4] : memref<2048xi32, #tpu.memory_space<hbm>> -> memref<32xi32, #tpu.memory_space<hbm>>
      tpu.wait_dma2 semaphore(%run_scoped3A : memref<!tpu.dma_semaphore, #tpu.memory_space<semaphore_mem>>) src(%dma_wait3A_47 : memref<32xi32, #tpu.memory_space<hbm>>) dst(%arg7 : memref<32xi32, #tpu.memory_space<vmem>>)
      tpu.yield
    }) : () -> ()
    %dma_start3A = arith.constant 0 : i32
    %dma_start3A_5 = arith.constant 0 : i32
    %dma_start3A_6 = tpu.memref_slice %arg2[%dma_start3A, %dma_start3A_5] : memref<6144x1024xf32, #tpu.memory_space<hbm>> -> memref<6144x1024xf32, #tpu.memory_space<hbm>>
    tpu.enqueue_indirect_dma source(%dma_start3A_6 : memref<6144x1024xf32, #tpu.memory_space<hbm>>) target(%arg8 : memref<32x1024xf32, #tpu.memory_space<vmem>>) offsets(%arg6 : memref<32xi32, #tpu.memory_space<vmem>>) semaphore(%arg11 : memref<!tpu.dma_semaphore, #tpu.memory_space<semaphore_mem>>)
    %dma_start3A_7 = arith.constant 0 : i32
    %dma_start3A_8 = arith.constant 0 : i32
    %dma_start3A_9 = tpu.memref_slice %arg2[%dma_start3A_7, %dma_start3A_8] : memref<6144x1024xf32, #tpu.memory_space<hbm>> -> memref<6144x1024xf32, #tpu.memory_space<hbm>>
    tpu.enqueue_indirect_dma source(%dma_start3A_9 : memref<6144x1024xf32, #tpu.memory_space<hbm>>) target(%arg9 : memref<32x1024xf32, #tpu.memory_space<vmem>>) offsets(%arg7 : memref<32xi32, #tpu.memory_space<vmem>>) semaphore(%arg12 : memref<!tpu.dma_semaphore, #tpu.memory_space<semaphore_mem>>)
    %dma_wait3A = arith.constant 0 : i32
    %dma_wait3A_10 = arith.constant 0 : i32
    %dma_wait3A_11 = tpu.memref_slice %arg2[%dma_wait3A, %dma_wait3A_10] : memref<6144x1024xf32, #tpu.memory_space<hbm>> -> memref<6144x1024xf32, #tpu.memory_space<hbm>>
    tpu.wait_indirect_dma semaphore(%arg11 : memref<!tpu.dma_semaphore, #tpu.memory_space<semaphore_mem>>) src(%dma_wait3A_11 : memref<6144x1024xf32, #tpu.memory_space<hbm>>) dst(%arg8 : memref<32x1024xf32, #tpu.memory_space<vmem>>)
    %dma_wait3A_12 = arith.constant 0 : i32
    %dma_wait3A_13 = arith.constant 0 : i32
    %dma_wait3A_14 = tpu.memref_slice %arg2[%dma_wait3A_12, %dma_wait3A_13] : memref<6144x1024xf32, #tpu.memory_space<hbm>> -> memref<6144x1024xf32, #tpu.memory_space<hbm>>
    tpu.wait_indirect_dma semaphore(%arg12 : memref<!tpu.dma_semaphore, #tpu.memory_space<semaphore_mem>>) src(%dma_wait3A_14 : memref<6144x1024xf32, #tpu.memory_space<hbm>>) dst(%arg9 : memref<32x1024xf32, #tpu.memory_space<vmem>>)
    %scan3A = arith.constant 0 : i32
    %scan3A_15 = arith.constant 0 : i32
    %scan3A_16 = arith.constant 32 : i32
    %scan3A_17 = arith.addi %scan3A_15, %scan3A_16 : i32
    %scan3A_18 = arith.constant 1 : i32
    %scan3A_19 = scf.for %scan3A_44 = %scan3A_15 to %scan3A_17 step %scan3A_18 iter_args(%scan3A_45 = %scan3A) -> (i32)  : i32 {
      %get3A = arith.index_cast %scan3A_44 : i32 to index
      %get3A_46 = arith.constant 0 : index
      %get3A_47 = tpu.vector_load %arg8[%get3A, %get3A_46] {strides = array<i32>} : memref<32x1024xf32, #tpu.memory_space<vmem>>, vector<16xf32>,
      %get3A_48 = arith.index_cast %scan3A_44 : i32 to index
      %get3A_49 = arith.constant 0 : index
      %get3A_50 = tpu.vector_load %arg9[%get3A_48, %get3A_49] {strides = array<i32>} : memref<32x1024xf32, #tpu.memory_space<vmem>>, vector<16xf32>,
      %add3A_51 = arith.addf %get3A_47, %get3A_50 : vector<16xf32>
      %swap3A = arith.index_cast %scan3A_44 : i32 to index
      %swap3A_52 = arith.constant 0 : index
      %swap3A_53 = tpu.vector_load %arg10[%swap3A, %swap3A_52] {strides = array<i32>} : memref<32x1024xf32, #tpu.memory_space<vmem>>, vector<16xf32>,
      tpu.vector_store %arg10[%swap3A, %swap3A_52], %add3A_51 {strides = array<i32>} : memref<32x1024xf32, #tpu.memory_space<vmem>>, vector<16xf32>,
      %get3A_54 = arith.index_cast %scan3A_44 : i32 to index
      %get3A_55 = arith.constant 16 : index
      %get3A_56 = tpu.vector_load %arg8[%get3A_54, %get3A_55] {strides = array<i32>} : memref<32x1024xf32, #tpu.memory_space<vmem>>, vector<16xf32>,
      %get3A_57 = arith.index_cast %scan3A_44 : i32 to index
      %get3A_58 = arith.constant 16 : index
      %get3A_59 = tpu.vector_load %arg9[%get3A_57, %get3A_58] {strides = array<i32>} : memref<32x1024xf32, #tpu.memory_space<vmem>>, vector<16xf32>,
      %add3A_60 = arith.addf %get3A_56, %get3A_59 : vector<16xf32>
      %swap3A_61 = arith.index_cast %scan3A_44 : i32 to index
      %swap3A_62 = arith.constant 16 : index
      %swap3A_63 = tpu.vector_load %arg10[%swap3A_61, %swap3A_62] {strides = array<i32>} : memref<32x1024xf32, #tpu.memory_space<vmem>>, vector<16xf32>,
      tpu.vector_store %arg10[%swap3A_61, %swap3A_62], %add3A_60 {strides = array<i32>} : memref<32x1024xf32, #tpu.memory_space<vmem>>, vector<16xf32>,
      %get3A_64 = arith.index_cast %scan3A_44 : i32 to index
      %get3A_65 = arith.constant 32 : index
      %get3A_66 = tpu.vector_load %arg8[%get3A_64, %get3A_65] {strides = array<i32>} : memref<32x1024xf32, #tpu.memory_space<vmem>>, vector<16xf32>,
      %get3A_67 = arith.index_cast %scan3A_44 : i32 to index
      %get3A_68 = arith.constant 32 : index
      %get3A_69 = tpu.vector_load %arg9[%get3A_67, %get3A_68] {strides = array<i32>} : memref<32x1024xf32, #tpu.memory_space<vmem>>, vector<16xf32>,
      %add3A_70 = arith.addf %get3A_66, %get3A_69 : vector<16xf32>
      %swap3A_71 = arith.index_cast %scan3A_44 : i32 to index
      %swap3A_72 = arith.constant 32 : index
      %swap3A_73 = tpu.vector_load %arg10[%swap3A_71, %swap3A_72] {strides = array<i32>} : memref<32x1024xf32, #tpu.memory_space<vmem>>, vector<16xf32>,
      tpu.vector_store %arg10[%swap3A_71, %swap3A_72], %add3A_70 {strides = array<i32>} : memref<32x1024xf32, #tpu.memory_space<vmem>>, vector<16xf32>,
      %get3A_74 = arith.index_cast %scan3A_44 : i32 to index
      %get3A_75 = arith.constant 48 : index
      %get3A_76 = tpu.vector_load %arg8[%get3A_74, %get3A_75] {strides = array<i32>} : memref<32x1024xf32, #tpu.memory_space<vmem>>, vector<16xf32>,
      %get3A_77 = arith.index_cast %scan3A_44 : i32 to index
      %get3A_78 = arith.constant 48 : index
      %get3A_79 = tpu.vector_load %arg9[%get3A_77, %get3A_78] {strides = array<i32>} : memref<32x1024xf32, #tpu.memory_space<vmem>>, vector<16xf32>,
      %add3A_80 = arith.addf %get3A_76, %get3A_79 : vector<16xf32>
      %swap3A_81 = arith.index_cast %scan3A_44 : i32 to index
      %swap3A_82 = arith.constant 48 : index
      %swap3A_83 = tpu.vector_load %arg10[%swap3A_81, %swap3A_82] {strides = array<i32>} : memref<32x1024xf32, #tpu.memory_space<vmem>>, vector<16xf32>,
      tpu.vector_store %arg10[%swap3A_81, %swap3A_82], %add3A_80 {strides = array<i32>} : memref<32x1024xf32, #tpu.memory_space<vmem>>, vector<16xf32>,
      %get3A_84 = arith.index_cast %scan3A_44 : i32 to index
      %get3A_85 = arith.constant 64 : index
      %get3A_86 = tpu.vector_load %arg8[%get3A_84, %get3A_85] {strides = array<i32>} : memref<32x1024xf32, #tpu.memory_space<vmem>>, vector<16xf32>,
      %get3A_87 = arith.index_cast %scan3A_44 : i32 to index
      %get3A_88 = arith.constant 64 : index
      %get3A_89 = tpu.vector_load %arg9[%get3A_87, %get3A_88] {strides = array<i32>} : memref<32x1024xf32, #tpu.memory_space<vmem>>, vector<16xf32>,
      %add3A_90 = arith.addf %get3A_86, %get3A_89 : vector<16xf32>
      %swap3A_91 = arith.index_cast %scan3A_44 : i32 to index
      %swap3A_92 = arith.constant 64 : index
      %swap3A_93 = tpu.vector_load %arg10[%swap3A_91, %swap3A_92] {strides = array<i32>} : memref<32x1024xf32, #tpu.memory_space<vmem>>, vector<16xf32>,
      tpu.vector_store %arg10[%swap3A_91, %swap3A_92], %add3A_90 {strides = array<i32>} : memref<32x1024xf32, #tpu.memory_space<vmem>>, vector<16xf32>,
      %get3A_94 = arith.index_cast %scan3A_44 : i32 to index
      %get3A_95 = arith.constant 80 : index
      %get3A_96 = tpu.vector_load %arg8[%get3A_94, %get3A_95] {strides = array<i32>} : memref<32x1024xf32, #tpu.memory_space<vmem>>, vector<16xf32>,
      %get3A_97 = arith.index_cast %scan3A_44 : i32 to index
      %get3A_98 = arith.constant 80 : index
      %get3A_99 = tpu.vector_load %arg9[%get3A_97, %get3A_98] {strides = array<i32>} : memref<32x1024xf32, #tpu.memory_space<vmem>>, vector<16xf32>,
      %add3A_100 = arith.addf %get3A_96, %get3A_99 : vector<16xf32>
      %swap3A_101 = arith.index_cast %scan3A_44 : i32 to index
      %swap3A_102 = arith.constant 80 : index
      %swap3A_103 = tpu.vector_load %arg10[%swap3A_101, %swap3A_102] {strides = array<i32>} : memref<32x1024xf32, #tpu.memory_space<vmem>>, vector<16xf32>,
      tpu.vector_store %arg10[%swap3A_101, %swap3A_102], %add3A_100 {strides = array<i32>} : memref<32x1024xf32, #tpu.memory_space<vmem>>, vector<16xf32>,
      %get3A_104 = arith.index_cast %scan3A_44 : i32 to index
      %get3A_105 = arith.constant 96 : index
      %get3A_106 = tpu.vector_load %arg8[%get3A_104, %get3A_105] {strides = array<i32>} : memref<32x1024xf32, #tpu.memory_space<vmem>>, vector<16xf32>,
      %get3A_107 = arith.index_cast %scan3A_44 : i32 to index
      %get3A_108 = arith.constant 96 : index
      %get3A_109 = tpu.vector_load %arg9[%get3A_107, %get3A_108] {strides = array<i32>} : memref<32x1024xf32, #tpu.memory_space<vmem>>, vector<16xf32>,
      %add3A_110 = arith.addf %get3A_106, %get3A_109 : vector<16xf32>
      %swap3A_111 = arith.index_cast %scan3A_44 : i32 to index
      %swap3A_112 = arith.constant 96 : index
      %swap3A_113 = tpu.vector_load %arg10[%swap3A_111, %swap3A_112] {strides = array<i32>} : memref<32x1024xf32, #tpu.memory_space<vmem>>, vector<16xf32>,
      tpu.vector_store %arg10[%swap3A_111, %swap3A_112], %add3A_110 {strides = array<i32>} : memref<32x1024xf32, #tpu.memory_space<vmem>>, vector<16xf32>,
      %get3A_114 = arith.index_cast %scan3A_44 : i32 to index
      %get3A_115 = arith.constant 112 : index
      %get3A_116 = tpu.vector_load %arg8[%get3A_114, %get3A_115] {strides = array<i32>} : memref<32x1024xf32, #tpu.memory_space<vmem>>, vector<16xf32>,
      %get3A_117 = arith.index_cast %scan3A_44 : i32 to index
      %get3A_118 = arith.constant 112 : index
      %get3A_119 = tpu.vector_load %arg9[%get3A_117, %get3A_118] {strides = array<i32>} : memref<32x1024xf32, #tpu.memory_space<vmem>>, vector<16xf32>,
      %add3A_120 = arith.addf %get3A_116, %get3A_119 : vector<16xf32>
      %swap3A_121 = arith.index_cast %scan3A_44 : i32 to index
      %swap3A_122 = arith.constant 112 : index
      %swap3A_123 = tpu.vector_load %arg10[%swap3A_121, %swap3A_122] {strides = array<i32>} : memref<32x1024xf32, #tpu.memory_space<vmem>>, vector<16xf32>,
      tpu.vector_store %arg10[%swap3A_121, %swap3A_122], %add3A_120 {strides = array<i32>} : memref<32x1024xf32, #tpu.memory_space<vmem>>, vector<16xf32>,
      %get3A_124 = arith.index_cast %scan3A_44 : i32 to index
      %get3A_125 = arith.constant 128 : index
      %get3A_126 = tpu.vector_load %arg8[%get3A_124, %get3A_125] {strides = array<i32>} : memref<32x1024xf32, #tpu.memory_space<vmem>>, vector<16xf32>,
      %get3A_127 = arith.index_cast %scan3A_44 : i32 to index
      %get3A_128 = arith.constant 128 : index
      %get3A_129 = tpu.vector_load %arg9[%get3A_127, %get3A_128] {strides = array<i32>} : memref<32x1024xf32, #tpu.memory_space<vmem>>, vector<16xf32>,
      %add3A_130 = arith.addf %get3A_126, %get3A_129 : vector<16xf32>
      %swap3A_131 = arith.index_cast %scan3A_44 : i32 to index
      %swap3A_132 = arith.constant 128 : index
      %swap3A_133 = tpu.vector_load %arg10[%swap3A_131, %swap3A_132] {strides = array<i32>} : memref<32x1024xf32, #tpu.memory_space<vmem>>, vector<16xf32>,
      tpu.vector_store %arg10[%swap3A_131, %swap3A_132], %add3A_130 {strides = array<i32>} : memref<32x1024xf32, #tpu.memory_space<vmem>>, vector<16xf32>,
      %get3A_134 = arith.index_cast %scan3A_44 : i32 to index
      %get3A_135 = arith.constant 144 : index
      %get3A_136 = tpu.vector_load %arg8[%get3A_134, %get3A_135] {strides = array<i32>} : memref<32x1024xf32, #tpu.memory_space<vmem>>, vector<16xf32>,
      %get3A_137 = arith.index_cast %scan3A_44 : i32 to index
      %get3A_138 = arith.constant 144 : index
      %get3A_139 = tpu.vector_load %arg9[%get3A_137, %get3A_138] {strides = array<i32>} : memref<32x1024xf32, #tpu.memory_space<vmem>>, vector<16xf32>,
      %add3A_140 = arith.addf %get3A_136, %get3A_139 : vector<16xf32>
      %swap3A_141 = arith.index_cast %scan3A_44 : i32 to index
      %swap3A_142 = arith.constant 144 : index
      %swap3A_143 = tpu.vector_load %arg10[%swap3A_141, %swap3A_142] {strides = array<i32>} : memref<32x1024xf32, #tpu.memory_space<vmem>>, vector<16xf32>,
      tpu.vector_store %arg10[%swap3A_141, %swap3A_142], %add3A_140 {strides = array<i32>} : memref<32x1024xf32, #tpu.memory_space<vmem>>, vector<16xf32>,
      %get3A_144 = arith.index_cast %scan3A_44 : i32 to index
      %get3A_145 = arith.constant 160 : index
      %get3A_146 = tpu.vector_load %arg8[%get3A_144, %get3A_145] {strides = array<i32>} : memref<32x1024xf32, #tpu.memory_space<vmem>>, vector<16xf32>,
      %get3A_147 = arith.index_cast %scan3A_44 : i32 to index
      %get3A_148 = arith.constant 160 : index
      %get3A_149 = tpu.vector_load %arg9[%get3A_147, %get3A_148] {strides = array<i32>} : memref<32x1024xf32, #tpu.memory_space<vmem>>, vector<16xf32>,
      %add3A_150 = arith.addf %get3A_146, %get3A_149 : vector<16xf32>
      %swap3A_151 = arith.index_cast %scan3A_44 : i32 to index
      %swap3A_152 = arith.constant 160 : index
      %swap3A_153 = tpu.vector_load %arg10[%swap3A_151, %swap3A_152] {strides = array<i32>} : memref<32x1024xf32, #tpu.memory_space<vmem>>, vector<16xf32>,
      tpu.vector_store %arg10[%swap3A_151, %swap3A_152], %add3A_150 {strides = array<i32>} : memref<32x1024xf32, #tpu.memory_space<vmem>>, vector<16xf32>,
      %get3A_154 = arith.index_cast %scan3A_44 : i32 to index
      %get3A_155 = arith.constant 176 : index
      %get3A_156 = tpu.vector_load %arg8[%get3A_154, %get3A_155] {strides = array<i32>} : memref<32x1024xf32, #tpu.memory_space<vmem>>, vector<16xf32>,
      %get3A_157 = arith.index_cast %scan3A_44 : i32 to index
      %get3A_158 = arith.constant 176 : index
      %get3A_159 = tpu.vector_load %arg9[%get3A_157, %get3A_158] {strides = array<i32>} : memref<32x1024xf32, #tpu.memory_space<vmem>>, vector<16xf32>,
      %add3A_160 = arith.addf %get3A_156, %get3A_159 : vector<16xf32>
      %swap3A_161 = arith.index_cast %scan3A_44 : i32 to index
      %swap3A_162 = arith.constant 176 : index
      %swap3A_163 = tpu.vector_load %arg10[%swap3A_161, %swap3A_162] {strides = array<i32>} : memref<32x1024xf32, #tpu.memory_space<vmem>>, vector<16xf32>,
      tpu.vector_store %arg10[%swap3A_161, %swap3A_162], %add3A_160 {strides = array<i32>} : memref<32x1024xf32, #tpu.memory_space<vmem>>, vector<16xf32>,
      %get3A_164 = arith.index_cast %scan3A_44 : i32 to index
      %get3A_165 = arith.constant 192 : index
      %get3A_166 = tpu.vector_load %arg8[%get3A_164, %get3A_165] {strides = array<i32>} : memref<32x1024xf32, #tpu.memory_space<vmem>>, vector<16xf32>,
      %get3A_167 = arith.index_cast %scan3A_44 : i32 to index
      %get3A_168 = arith.constant 192 : index
      %get3A_169 = tpu.vector_load %arg9[%get3A_167, %get3A_168] {strides = array<i32>} : memref<32x1024xf32, #tpu.memory_space<vmem>>, vector<16xf32>,
      %add3A_170 = arith.addf %get3A_166, %get3A_169 : vector<16xf32>
      %swap3A_171 = arith.index_cast %scan3A_44 : i32 to index
      %swap3A_172 = arith.constant 192 : index
      %swap3A_173 = tpu.vector_load %arg10[%swap3A_171, %swap3A_172] {strides = array<i32>} : memref<32x1024xf32, #tpu.memory_space<vmem>>, vector<16xf32>,
      tpu.vector_store %arg10[%swap3A_171, %swap3A_172], %add3A_170 {strides = array<i32>} : memref<32x1024xf32, #tpu.memory_space<vmem>>, vector<16xf32>,
      %get3A_174 = arith.index_cast %scan3A_44 : i32 to index
      %get3A_175 = arith.constant 208 : index
      %get3A_176 = tpu.vector_load %arg8[%get3A_174, %get3A_175] {strides = array<i32>} : memref<32x1024xf32, #tpu.memory_space<vmem>>, vector<16xf32>,
      %get3A_177 = arith.index_cast %scan3A_44 : i32 to index
      %get3A_178 = arith.constant 208 : index
      %get3A_179 = tpu.vector_load %arg9[%get3A_177, %get3A_178] {strides = array<i32>} : memref<32x1024xf32, #tpu.memory_space<vmem>>, vector<16xf32>,
      %add3A_180 = arith.addf %get3A_176, %get3A_179 : vector<16xf32>
      %swap3A_181 = arith.index_cast %scan3A_44 : i32 to index
      %swap3A_182 = arith.constant 208 : index
      %swap3A_183 = tpu.vector_load %arg10[%swap3A_181, %swap3A_182] {strides = array<i32>} : memref<32x1024xf32, #tpu.memory_space<vmem>>, vector<16xf32>,
      tpu.vector_store %arg10[%swap3A_181, %swap3A_182], %add3A_180 {strides = array<i32>} : memref<32x1024xf32, #tpu.memory_space<vmem>>, vector<16xf32>,
      %get3A_184 = arith.index_cast %scan3A_44 : i32 to index
      %get3A_185 = arith.constant 224 : index
      %get3A_186 = tpu.vector_load %arg8[%get3A_184, %get3A_185] {strides = array<i32>} : memref<32x1024xf32, #tpu.memory_space<vmem>>, vector<16xf32>,
      %get3A_187 = arith.index_cast %scan3A_44 : i32 to index
      %get3A_188 = arith.constant 224 : index
      %get3A_189 = tpu.vector_load %arg9[%get3A_187, %get3A_188] {strides = array<i32>} : memref<32x1024xf32, #tpu.memory_space<vmem>>, vector<16xf32>,
      %add3A_190 = arith.addf %get3A_186, %get3A_189 : vector<16xf32>
      %swap3A_191 = arith.index_cast %scan3A_44 : i32 to index
      %swap3A_192 = arith.constant 224 : index
      %swap3A_193 = tpu.vector_load %arg10[%swap3A_191, %swap3A_192] {strides = array<i32>} : memref<32x1024xf32, #tpu.memory_space<vmem>>, vector<16xf32>,
      tpu.vector_store %arg10[%swap3A_191, %swap3A_192], %add3A_190 {strides = array<i32>} : memref<32x1024xf32, #tpu.memory_space<vmem>>, vector<16xf32>,
      %get3A_194 = arith.index_cast %scan3A_44 : i32 to index
      %get3A_195 = arith.constant 240 : index
      %get3A_196 = tpu.vector_load %arg8[%get3A_194, %get3A_195] {strides = array<i32>} : memref<32x1024xf32, #tpu.memory_space<vmem>>, vector<16xf32>,
      %get3A_197 = arith.index_cast %scan3A_44 : i32 to index
      %get3A_198 = arith.constant 240 : index
      %get3A_199 = tpu.vector_load %arg9[%get3A_197, %get3A_198] {strides = array<i32>} : memref<32x1024xf32, #tpu.memory_space<vmem>>, vector<16xf32>,
      %add3A_200 = arith.addf %get3A_196, %get3A_199 : vector<16xf32>
      %swap3A_201 = arith.index_cast %scan3A_44 : i32 to index
      %swap3A_202 = arith.constant 240 : index
      %swap3A_203 = tpu.vector_load %arg10[%swap3A_201, %swap3A_202] {strides = array<i32>} : memref<32x1024xf32, #tpu.memory_space<vmem>>, vector<16xf32>,
      tpu.vector_store %arg10[%swap3A_201, %swap3A_202], %add3A_200 {strides = array<i32>} : memref<32x1024xf32, #tpu.memory_space<vmem>>, vector<16xf32>,
      %get3A_204 = arith.index_cast %scan3A_44 : i32 to index
      %get3A_205 = arith.constant 256 : index
      %get3A_206 = tpu.vector_load %arg8[%get3A_204, %get3A_205] {strides = array<i32>} : memref<32x1024xf32, #tpu.memory_space<vmem>>, vector<16xf32>,
      %get3A_207 = arith.index_cast %scan3A_44 : i32 to index
      %get3A_208 = arith.constant 256 : index
      %get3A_209 = tpu.vector_load %arg9[%get3A_207, %get3A_208] {strides = array<i32>} : memref<32x1024xf32, #tpu.memory_space<vmem>>, vector<16xf32>,
      %add3A_210 = arith.addf %get3A_206, %get3A_209 : vector<16xf32>
      %swap3A_211 = arith.index_cast %scan3A_44 : i32 to index
      %swap3A_212 = arith.constant 256 : index
      %swap3A_213 = tpu.vector_load %arg10[%swap3A_211, %swap3A_212] {strides = array<i32>} : memref<32x1024xf32, #tpu.memory_space<vmem>>, vector<16xf32>,
      tpu.vector_store %arg10[%swap3A_211, %swap3A_212], %add3A_210 {strides = array<i32>} : memref<32x1024xf32, #tpu.memory_space<vmem>>, vector<16xf32>,
      %get3A_214 = arith.index_cast %scan3A_44 : i32 to index
      %get3A_215 = arith.constant 272 : index
      %get3A_216 = tpu.vector_load %arg8[%get3A_214, %get3A_215] {strides = array<i32>} : memref<32x1024xf32, #tpu.memory_space<vmem>>, vector<16xf32>,
      %get3A_217 = arith.index_cast %scan3A_44 : i32 to index
      %get3A_218 = arith.constant 272 : index
      %get3A_219 = tpu.vector_load %arg9[%get3A_217, %get3A_218] {strides = array<i32>} : memref<32x1024xf32, #tpu.memory_space<vmem>>, vector<16xf32>,
      %add3A_220 = arith.addf %get3A_216, %get3A_219 : vector<16xf32>
      %swap3A_221 = arith.index_cast %scan3A_44 : i32 to index
      %swap3A_222 = arith.constant 272 : index
      %swap3A_223 = tpu.vector_load %arg10[%swap3A_221, %swap3A_222] {strides = array<i32>} : memref<32x1024xf32, #tpu.memory_space<vmem>>, vector<16xf32>,
      tpu.vector_store %arg10[%swap3A_221, %swap3A_222], %add3A_220 {strides = array<i32>} : memref<32x1024xf32, #tpu.memory_space<vmem>>, vector<16xf32>,
      %get3A_224 = arith.index_cast %scan3A_44 : i32 to index
      %get3A_225 = arith.constant 288 : index
      %get3A_226 = tpu.vector_load %arg8[%get3A_224, %get3A_225] {strides = array<i32>} : memref<32x1024xf32, #tpu.memory_space<vmem>>, vector<16xf32>,
      %get3A_227 = arith.index_cast %scan3A_44 : i32 to index
      %get3A_228 = arith.constant 288 : index
      %get3A_229 = tpu.vector_load %arg9[%get3A_227, %get3A_228] {strides = array<i32>} : memref<32x1024xf32, #tpu.memory_space<vmem>>, vector<16xf32>,
      %add3A_230 = arith.addf %get3A_226, %get3A_229 : vector<16xf32>
      %swap3A_231 = arith.index_cast %scan3A_44 : i32 to index
      %swap3A_232 = arith.constant 288 : index
      %swap3A_233 = tpu.vector_load %arg10[%swap3A_231, %swap3A_232] {strides = array<i32>} : memref<32x1024xf32, #tpu.memory_space<vmem>>, vector<16xf32>,
      tpu.vector_store %arg10[%swap3A_231, %swap3A_232], %add3A_230 {strides = array<i32>} : memref<32x1024xf32, #tpu.memory_space<vmem>>, vector<16xf32>,
      %get3A_234 = arith.index_cast %scan3A_44 : i32 to index
      %get3A_235 = arith.constant 304 : index
      %get3A_236 = tpu.vector_load %arg8[%get3A_234, %get3A_235] {strides = array<i32>} : memref<32x1024xf32, #tpu.memory_space<vmem>>, vector<16xf32>,
      %get3A_237 = arith.index_cast %scan3A_44 : i32 to index
      %get3A_238 = arith.constant 304 : index
      %get3A_239 = tpu.vector_load %arg9[%get3A_237, %get3A_238] {strides = array<i32>} : memref<32x1024xf32, #tpu.memory_space<vmem>>, vector<16xf32>,
      %add3A_240 = arith.addf %get3A_236, %get3A_239 : vector<16xf32>
      %swap3A_241 = arith.index_cast %scan3A_44 : i32 to index
      %swap3A_242 = arith.constant 304 : index
      %swap3A_243 = tpu.vector_load %arg10[%swap3A_241, %swap3A_242] {strides = array<i32>} : memref<32x1024xf32, #tpu.memory_space<vmem>>, vector<16xf32>,
      tpu.vector_store %arg10[%swap3A_241, %swap3A_242], %add3A_240 {strides = array<i32>} : memref<32x1024xf32, #tpu.memory_space<vmem>>, vector<16xf32>,
      %get3A_244 = arith.index_cast %scan3A_44 : i32 to index
      %get3A_245 = arith.constant 320 : index
      %get3A_246 = tpu.vector_load %arg8[%get3A_244, %get3A_245] {strides = array<i32>} : memref<32x1024xf32, #tpu.memory_space<vmem>>, vector<16xf32>,
      %get3A_247 = arith.index_cast %scan3A_44 : i32 to index
      %get3A_248 = arith.constant 320 : index
      %get3A_249 = tpu.vector_load %arg9[%get3A_247, %get3A_248] {strides = array<i32>} : memref<32x1024xf32, #tpu.memory_space<vmem>>, vector<16xf32>,
      %add3A_250 = arith.addf %get3A_246, %get3A_249 : vector<16xf32>
      %swap3A_251 = arith.index_cast %scan3A_44 : i32 to index
      %swap3A_252 = arith.constant 320 : index
      %swap3A_253 = tpu.vector_load %arg10[%swap3A_251, %swap3A_252] {strides = array<i32>} : memref<32x1024xf32, #tpu.memory_space<vmem>>, vector<16xf32>,
      tpu.vector_store %arg10[%swap3A_251, %swap3A_252], %add3A_250 {strides = array<i32>} : memref<32x1024xf32, #tpu.memory_space<vmem>>, vector<16xf32>,
      %get3A_254 = arith.index_cast %scan3A_44 : i32 to index
      %get3A_255 = arith.constant 336 : index
      %get3A_256 = tpu.vector_load %arg8[%get3A_254, %get3A_255] {strides = array<i32>} : memref<32x1024xf32, #tpu.memory_space<vmem>>, vector<16xf32>,
      %get3A_257 = arith.index_cast %scan3A_44 : i32 to index
      %get3A_258 = arith.constant 336 : index
      %get3A_259 = tpu.vector_load %arg9[%get3A_257, %get3A_258] {strides = array<i32>} : memref<32x1024xf32, #tpu.memory_space<vmem>>, vector<16xf32>,
      %add3A_260 = arith.addf %get3A_256, %get3A_259 : vector<16xf32>
      %swap3A_261 = arith.index_cast %scan3A_44 : i32 to index
      %swap3A_262 = arith.constant 336 : index
      %swap3A_263 = tpu.vector_load %arg10[%swap3A_261, %swap3A_262] {strides = array<i32>} : memref<32x1024xf32, #tpu.memory_space<vmem>>, vector<16xf32>,
      tpu.vector_store %arg10[%swap3A_261, %swap3A_262], %add3A_260 {strides = array<i32>} : memref<32x1024xf32, #tpu.memory_space<vmem>>, vector<16xf32>,
      %get3A_264 = arith.index_cast %scan3A_44 : i32 to index
      %get3A_265 = arith.constant 352 : index
      %get3A_266 = tpu.vector_load %arg8[%get3A_264, %get3A_265] {strides = array<i32>} : memref<32x1024xf32, #tpu.memory_space<vmem>>, vector<16xf32>,
      %get3A_267 = arith.index_cast %scan3A_44 : i32 to index
      %get3A_268 = arith.constant 352 : index
      %get3A_269 = tpu.vector_load %arg9[%get3A_267, %get3A_268] {strides = array<i32>} : memref<32x1024xf32, #tpu.memory_space<vmem>>, vector<16xf32>,
      %add3A_270 = arith.addf %get3A_266, %get3A_269 : vector<16xf32>
      %swap3A_271 = arith.index_cast %scan3A_44 : i32 to index
      %swap3A_272 = arith.constant 352 : index
      %swap3A_273 = tpu.vector_load %arg10[%swap3A_271, %swap3A_272] {strides = array<i32>} : memref<32x1024xf32, #tpu.memory_space<vmem>>, vector<16xf32>,
      tpu.vector_store %arg10[%swap3A_271, %swap3A_272], %add3A_270 {strides = array<i32>} : memref<32x1024xf32, #tpu.memory_space<vmem>>, vector<16xf32>,
      %get3A_274 = arith.index_cast %scan3A_44 : i32 to index
      %get3A_275 = arith.constant 368 : index
      %get3A_276 = tpu.vector_load %arg8[%get3A_274, %get3A_275] {strides = array<i32>} : memref<32x1024xf32, #tpu.memory_space<vmem>>, vector<16xf32>,
      %get3A_277 = arith.index_cast %scan3A_44 : i32 to index
      %get3A_278 = arith.constant 368 : index
      %get3A_279 = tpu.vector_load %arg9[%get3A_277, %get3A_278] {strides = array<i32>} : memref<32x1024xf32, #tpu.memory_space<vmem>>, vector<16xf32>,
      %add3A_280 = arith.addf %get3A_276, %get3A_279 : vector<16xf32>
      %swap3A_281 = arith.index_cast %scan3A_44 : i32 to index
      %swap3A_282 = arith.constant 368 : index
      %swap3A_283 = tpu.vector_load %arg10[%swap3A_281, %swap3A_282] {strides = array<i32>} : memref<32x1024xf32, #tpu.memory_space<vmem>>, vector<16xf32>,
      tpu.vector_store %arg10[%swap3A_281, %swap3A_282], %add3A_280 {strides = array<i32>} : memref<32x1024xf32, #tpu.memory_space<vmem>>, vector<16xf32>,
      %get3A_284 = arith.index_cast %scan3A_44 : i32 to index
      %get3A_285 = arith.constant 384 : index
      %get3A_286 = tpu.vector_load %arg8[%get3A_284, %get3A_285] {strides = array<i32>} : memref<32x1024xf32, #tpu.memory_space<vmem>>, vector<16xf32>,
      %get3A_287 = arith.index_cast %scan3A_44 : i32 to index
      %get3A_288 = arith.constant 384 : index
      %get3A_289 = tpu.vector_load %arg9[%get3A_287, %get3A_288] {strides = array<i32>} : memref<32x1024xf32, #tpu.memory_space<vmem>>, vector<16xf32>,
      %add3A_290 = arith.addf %get3A_286, %get3A_289 : vector<16xf32>
      %swap3A_291 = arith.index_cast %scan3A_44 : i32 to index
      %swap3A_292 = arith.constant 384 : index
      %swap3A_293 = tpu.vector_load %arg10[%swap3A_291, %swap3A_292] {strides = array<i32>} : memref<32x1024xf32, #tpu.memory_space<vmem>>, vector<16xf32>,
      tpu.vector_store %arg10[%swap3A_291, %swap3A_292], %add3A_290 {strides = array<i32>} : memref<32x1024xf32, #tpu.memory_space<vmem>>, vector<16xf32>,
      %get3A_294 = arith.index_cast %scan3A_44 : i32 to index
      %get3A_295 = arith.constant 400 : index
      %get3A_296 = tpu.vector_load %arg8[%get3A_294, %get3A_295] {strides = array<i32>} : memref<32x1024xf32, #tpu.memory_space<vmem>>, vector<16xf32>,
      %get3A_297 = arith.index_cast %scan3A_44 : i32 to index
      %get3A_298 = arith.constant 400 : index
      %get3A_299 = tpu.vector_load %arg9[%get3A_297, %get3A_298] {strides = array<i32>} : memref<32x1024xf32, #tpu.memory_space<vmem>>, vector<16xf32>,
      %add3A_300 = arith.addf %get3A_296, %get3A_299 : vector<16xf32>
      %swap3A_301 = arith.index_cast %scan3A_44 : i32 to index
      %swap3A_302 = arith.constant 400 : index
      %swap3A_303 = tpu.vector_load %arg10[%swap3A_301, %swap3A_302] {strides = array<i32>} : memref<32x1024xf32, #tpu.memory_space<vmem>>, vector<16xf32>,
      tpu.vector_store %arg10[%swap3A_301, %swap3A_302], %add3A_300 {strides = array<i32>} : memref<32x1024xf32, #tpu.memory_space<vmem>>, vector<16xf32>,
      %get3A_304 = arith.index_cast %scan3A_44 : i32 to index
      %get3A_305 = arith.constant 416 : index
      %get3A_306 = tpu.vector_load %arg8[%get3A_304, %get3A_305] {strides = array<i32>} : memref<32x1024xf32, #tpu.memory_space<vmem>>, vector<16xf32>,
      %get3A_307 = arith.index_cast %scan3A_44 : i32 to index
      %get3A_308 = arith.constant 416 : index
      %get3A_309 = tpu.vector_load %arg9[%get3A_307, %get3A_308] {strides = array<i32>} : memref<32x1024xf32, #tpu.memory_space<vmem>>, vector<16xf32>,
      %add3A_310 = arith.addf %get3A_306, %get3A_309 : vector<16xf32>
      %swap3A_311 = arith.index_cast %scan3A_44 : i32 to index
      %swap3A_312 = arith.constant 416 : index
      %swap3A_313 = tpu.vector_load %arg10[%swap3A_311, %swap3A_312] {strides = array<i32>} : memref<32x1024xf32, #tpu.memory_space<vmem>>, vector<16xf32>,
      tpu.vector_store %arg10[%swap3A_311, %swap3A_312], %add3A_310 {strides = array<i32>} : memref<32x1024xf32, #tpu.memory_space<vmem>>, vector<16xf32>,
      %get3A_314 = arith.index_cast %scan3A_44 : i32 to index
      %get3A_315 = arith.constant 432 : index
      %get3A_316 = tpu.vector_load %arg8[%get3A_314, %get3A_315] {strides = array<i32>} : memref<32x1024xf32, #tpu.memory_space<vmem>>, vector<16xf32>,
      %get3A_317 = arith.index_cast %scan3A_44 : i32 to index
      %get3A_318 = arith.constant 432 : index
      %get3A_319 = tpu.vector_load %arg9[%get3A_317, %get3A_318] {strides = array<i32>} : memref<32x1024xf32, #tpu.memory_space<vmem>>, vector<16xf32>,
      %add3A_320 = arith.addf %get3A_316, %get3A_319 : vector<16xf32>
      %swap3A_321 = arith.index_cast %scan3A_44 : i32 to index
      %swap3A_322 = arith.constant 432 : index
      %swap3A_323 = tpu.vector_load %arg10[%swap3A_321, %swap3A_322] {strides = array<i32>} : memref<32x1024xf32, #tpu.memory_space<vmem>>, vector<16xf32>,
      tpu.vector_store %arg10[%swap3A_321, %swap3A_322], %add3A_320 {strides = array<i32>} : memref<32x1024xf32, #tpu.memory_space<vmem>>, vector<16xf32>,
      %get3A_324 = arith.index_cast %scan3A_44 : i32 to index
      %get3A_325 = arith.constant 448 : index
      %get3A_326 = tpu.vector_load %arg8[%get3A_324, %get3A_325] {strides = array<i32>} : memref<32x1024xf32, #tpu.memory_space<vmem>>, vector<16xf32>,
      %get3A_327 = arith.index_cast %scan3A_44 : i32 to index
      %get3A_328 = arith.constant 448 : index
      %get3A_329 = tpu.vector_load %arg9[%get3A_327, %get3A_328] {strides = array<i32>} : memref<32x1024xf32, #tpu.memory_space<vmem>>, vector<16xf32>,
      %add3A_330 = arith.addf %get3A_326, %get3A_329 : vector<16xf32>
      %swap3A_331 = arith.index_cast %scan3A_44 : i32 to index
      %swap3A_332 = arith.constant 448 : index
      %swap3A_333 = tpu.vector_load %arg10[%swap3A_331, %swap3A_332] {strides = array<i32>} : memref<32x1024xf32, #tpu.memory_space<vmem>>, vector<16xf32>,
      tpu.vector_store %arg10[%swap3A_331, %swap3A_332], %add3A_330 {strides = array<i32>} : memref<32x1024xf32, #tpu.memory_space<vmem>>, vector<16xf32>,
      %get3A_334 = arith.index_cast %scan3A_44 : i32 to index
      %get3A_335 = arith.constant 464 : index
      %get3A_336 = tpu.vector_load %arg8[%get3A_334, %get3A_335] {strides = array<i32>} : memref<32x1024xf32, #tpu.memory_space<vmem>>, vector<16xf32>,
      %get3A_337 = arith.index_cast %scan3A_44 : i32 to index
      %get3A_338 = arith.constant 464 : index
      %get3A_339 = tpu.vector_load %arg9[%get3A_337, %get3A_338] {strides = array<i32>} : memref<32x1024xf32, #tpu.memory_space<vmem>>, vector<16xf32>,
      %add3A_340 = arith.addf %get3A_336, %get3A_339 : vector<16xf32>
      %swap3A_341 = arith.index_cast %scan3A_44 : i32 to index
      %swap3A_342 = arith.constant 464 : index
      %swap3A_343 = tpu.vector_load %arg10[%swap3A_341, %swap3A_342] {strides = array<i32>} : memref<32x1024xf32, #tpu.memory_space<vmem>>, vector<16xf32>,
      tpu.vector_store %arg10[%swap3A_341, %swap3A_342], %add3A_340 {strides = array<i32>} : memref<32x1024xf32, #tpu.memory_space<vmem>>, vector<16xf32>,
      %get3A_344 = arith.index_cast %scan3A_44 : i32 to index
      %get3A_345 = arith.constant 480 : index
      %get3A_346 = tpu.vector_load %arg8[%get3A_344, %get3A_345] {strides = array<i32>} : memref<32x1024xf32, #tpu.memory_space<vmem>>, vector<16xf32>,
      %get3A_347 = arith.index_cast %scan3A_44 : i32 to index
      %get3A_348 = arith.constant 480 : index
      %get3A_349 = tpu.vector_load %arg9[%get3A_347, %get3A_348] {strides = array<i32>} : memref<32x1024xf32, #tpu.memory_space<vmem>>, vector<16xf32>,
      %add3A_350 = arith.addf %get3A_346, %get3A_349 : vector<16xf32>
      %swap3A_351 = arith.index_cast %scan3A_44 : i32 to index
      %swap3A_352 = arith.constant 480 : index
      %swap3A_353 = tpu.vector_load %arg10[%swap3A_351, %swap3A_352] {strides = array<i32>} : memref<32x1024xf32, #tpu.memory_space<vmem>>, vector<16xf32>,
      tpu.vector_store %arg10[%swap3A_351, %swap3A_352], %add3A_350 {strides = array<i32>} : memref<32x1024xf32, #tpu.memory_space<vmem>>, vector<16xf32>,
      %get3A_354 = arith.index_cast %scan3A_44 : i32 to index
      %get3A_355 = arith.constant 496 : index
      %get3A_356 = tpu.vector_load %arg8[%get3A_354, %get3A_355] {strides = array<i32>} : memref<32x1024xf32, #tpu.memory_space<vmem>>, vector<16xf32>,
      %get3A_357 = arith.index_cast %scan3A_44 : i32 to index
      %get3A_358 = arith.constant 496 : index
      %get3A_359 = tpu.vector_load %arg9[%get3A_357, %get3A_358] {strides = array<i32>} : memref<32x1024xf32, #tpu.memory_space<vmem>>, vector<16xf32>,
      %add3A_360 = arith.addf %get3A_356, %get3A_359 : vector<16xf32>
      %swap3A_361 = arith.index_cast %scan3A_44 : i32 to index
      %swap3A_362 = arith.constant 496 : index
      %swap3A_363 = tpu.vector_load %arg10[%swap3A_361, %swap3A_362] {strides = array<i32>} : memref<32x1024xf32, #tpu.memory_space<vmem>>, vector<16xf32>,
      tpu.vector_store %arg10[%swap3A_361, %swap3A_362], %add3A_360 {strides = array<i32>} : memref<32x1024xf32, #tpu.memory_space<vmem>>, vector<16xf32>,
      %get3A_364 = arith.index_cast %scan3A_44 : i32 to index
      %get3A_365 = arith.constant 512 : index
      %get3A_366 = tpu.vector_load %arg8[%get3A_364, %get3A_365] {strides = array<i32>} : memref<32x1024xf32, #tpu.memory_space<vmem>>, vector<16xf32>,
      %get3A_367 = arith.index_cast %scan3A_44 : i32 to index
      %get3A_368 = arith.constant 512 : index
      %get3A_369 = tpu.vector_load %arg9[%get3A_367, %get3A_368] {strides = array<i32>} : memref<32x1024xf32, #tpu.memory_space<vmem>>, vector<16xf32>,
      %add3A_370 = arith.addf %get3A_366, %get3A_369 : vector<16xf32>
      %swap3A_371 = arith.index_cast %scan3A_44 : i32 to index
      %swap3A_372 = arith.constant 512 : index
      %swap3A_373 = tpu.vector_load %arg10[%swap3A_371, %swap3A_372] {strides = array<i32>} : memref<32x1024xf32, #tpu.memory_space<vmem>>, vector<16xf32>,
      tpu.vector_store %arg10[%swap3A_371, %swap3A_372], %add3A_370 {strides = array<i32>} : memref<32x1024xf32, #tpu.memory_space<vmem>>, vector<16xf32>,
      %get3A_374 = arith.index_cast %scan3A_44 : i32 to index
      %get3A_375 = arith.constant 528 : index
      %get3A_376 = tpu.vector_load %arg8[%get3A_374, %get3A_375] {strides = array<i32>} : memref<32x1024xf32, #tpu.memory_space<vmem>>, vector<16xf32>,
      %get3A_377 = arith.index_cast %scan3A_44 : i32 to index
      %get3A_378 = arith.constant 528 : index
      %get3A_379 = tpu.vector_load %arg9[%get3A_377, %get3A_378] {strides = array<i32>} : memref<32x1024xf32, #tpu.memory_space<vmem>>, vector<16xf32>,
      %add3A_380 = arith.addf %get3A_376, %get3A_379 : vector<16xf32>
      %swap3A_381 = arith.index_cast %scan3A_44 : i32 to index
      %swap3A_382 = arith.constant 528 : index
      %swap3A_383 = tpu.vector_load %arg10[%swap3A_381, %swap3A_382] {strides = array<i32>} : memref<32x1024xf32, #tpu.memory_space<vmem>>, vector<16xf32>,
      tpu.vector_store %arg10[%swap3A_381, %swap3A_382], %add3A_380 {strides = array<i32>} : memref<32x1024xf32, #tpu.memory_space<vmem>>, vector<16xf32>,
      %get3A_384 = arith.index_cast %scan3A_44 : i32 to index
      %get3A_385 = arith.constant 544 : index
      %get3A_386 = tpu.vector_load %arg8[%get3A_384, %get3A_385] {strides = array<i32>} : memref<32x1024xf32, #tpu.memory_space<vmem>>, vector<16xf32>,
      %get3A_387 = arith.index_cast %scan3A_44 : i32 to index
      %get3A_388 = arith.constant 544 : index
      %get3A_389 = tpu.vector_load %arg9[%get3A_387, %get3A_388] {strides = array<i32>} : memref<32x1024xf32, #tpu.memory_space<vmem>>, vector<16xf32>,
      %add3A_390 = arith.addf %get3A_386, %get3A_389 : vector<16xf32>
      %swap3A_391 = arith.index_cast %scan3A_44 : i32 to index
      %swap3A_392 = arith.constant 544 : index
      %swap3A_393 = tpu.vector_load %arg10[%swap3A_391, %swap3A_392] {strides = array<i32>} : memref<32x1024xf32, #tpu.memory_space<vmem>>, vector<16xf32>,
      tpu.vector_store %arg10[%swap3A_391, %swap3A_392], %add3A_390 {strides = array<i32>} : memref<32x1024xf32, #tpu.memory_space<vmem>>, vector<16xf32>,
      %get3A_394 = arith.index_cast %scan3A_44 : i32 to index
      %get3A_395 = arith.constant 560 : index
      %get3A_396 = tpu.vector_load %arg8[%get3A_394, %get3A_395] {strides = array<i32>} : memref<32x1024xf32, #tpu.memory_space<vmem>>, vector<16xf32>,
      %get3A_397 = arith.index_cast %scan3A_44 : i32 to index
      %get3A_398 = arith.constant 560 : index
      %get3A_399 = tpu.vector_load %arg9[%get3A_397, %get3A_398] {strides = array<i32>} : memref<32x1024xf32, #tpu.memory_space<vmem>>, vector<16xf32>,
      %add3A_400 = arith.addf %get3A_396, %get3A_399 : vector<16xf32>
      %swap3A_401 = arith.index_cast %scan3A_44 : i32 to index
      %swap3A_402 = arith.constant 560 : index
      %swap3A_403 = tpu.vector_load %arg10[%swap3A_401, %swap3A_402] {strides = array<i32>} : memref<32x1024xf32, #tpu.memory_space<vmem>>, vector<16xf32>,
      tpu.vector_store %arg10[%swap3A_401, %swap3A_402], %add3A_400 {strides = array<i32>} : memref<32x1024xf32, #tpu.memory_space<vmem>>, vector<16xf32>,
      %get3A_404 = arith.index_cast %scan3A_44 : i32 to index
      %get3A_405 = arith.constant 576 : index
      %get3A_406 = tpu.vector_load %arg8[%get3A_404, %get3A_405] {strides = array<i32>} : memref<32x1024xf32, #tpu.memory_space<vmem>>, vector<16xf32>,
      %get3A_407 = arith.index_cast %scan3A_44 : i32 to index
      %get3A_408 = arith.constant 576 : index
      %get3A_409 = tpu.vector_load %arg9[%get3A_407, %get3A_408] {strides = array<i32>} : memref<32x1024xf32, #tpu.memory_space<vmem>>, vector<16xf32>,
      %add3A_410 = arith.addf %get3A_406, %get3A_409 : vector<16xf32>
      %swap3A_411 = arith.index_cast %scan3A_44 : i32 to index
      %swap3A_412 = arith.constant 576 : index
      %swap3A_413 = tpu.vector_load %arg10[%swap3A_411, %swap3A_412] {strides = array<i32>} : memref<32x1024xf32, #tpu.memory_space<vmem>>, vector<16xf32>,
      tpu.vector_store %arg10[%swap3A_411, %swap3A_412], %add3A_410 {strides = array<i32>} : memref<32x1024xf32, #tpu.memory_space<vmem>>, vector<16xf32>,
      %get3A_414 = arith.index_cast %scan3A_44 : i32 to index
      %get3A_415 = arith.constant 592 : index
      %get3A_416 = tpu.vector_load %arg8[%get3A_414, %get3A_415] {strides = array<i32>} : memref<32x1024xf32, #tpu.memory_space<vmem>>, vector<16xf32>,
      %get3A_417 = arith.index_cast %scan3A_44 : i32 to index
      %get3A_418 = arith.constant 592 : index
      %get3A_419 = tpu.vector_load %arg9[%get3A_417, %get3A_418] {strides = array<i32>} : memref<32x1024xf32, #tpu.memory_space<vmem>>, vector<16xf32>,
      %add3A_420 = arith.addf %get3A_416, %get3A_419 : vector<16xf32>
      %swap3A_421 = arith.index_cast %scan3A_44 : i32 to index
      %swap3A_422 = arith.constant 592 : index
      %swap3A_423 = tpu.vector_load %arg10[%swap3A_421, %swap3A_422] {strides = array<i32>} : memref<32x1024xf32, #tpu.memory_space<vmem>>, vector<16xf32>,
      tpu.vector_store %arg10[%swap3A_421, %swap3A_422], %add3A_420 {strides = array<i32>} : memref<32x1024xf32, #tpu.memory_space<vmem>>, vector<16xf32>,
      %get3A_424 = arith.index_cast %scan3A_44 : i32 to index
      %get3A_425 = arith.constant 608 : index
      %get3A_426 = tpu.vector_load %arg8[%get3A_424, %get3A_425] {strides = array<i32>} : memref<32x1024xf32, #tpu.memory_space<vmem>>, vector<16xf32>,
      %get3A_427 = arith.index_cast %scan3A_44 : i32 to index
      %get3A_428 = arith.constant 608 : index
      %get3A_429 = tpu.vector_load %arg9[%get3A_427, %get3A_428] {strides = array<i32>} : memref<32x1024xf32, #tpu.memory_space<vmem>>, vector<16xf32>,
      %add3A_430 = arith.addf %get3A_426, %get3A_429 : vector<16xf32>
      %swap3A_431 = arith.index_cast %scan3A_44 : i32 to index
      %swap3A_432 = arith.constant 608 : index
      %swap3A_433 = tpu.vector_load %arg10[%swap3A_431, %swap3A_432] {strides = array<i32>} : memref<32x1024xf32, #tpu.memory_space<vmem>>, vector<16xf32>,
      tpu.vector_store %arg10[%swap3A_431, %swap3A_432], %add3A_430 {strides = array<i32>} : memref<32x1024xf32, #tpu.memory_space<vmem>>, vector<16xf32>,
      %get3A_434 = arith.index_cast %scan3A_44 : i32 to index
      %get3A_435 = arith.constant 624 : index
      %get3A_436 = tpu.vector_load %arg8[%get3A_434, %get3A_435] {strides = array<i32>} : memref<32x1024xf32, #tpu.memory_space<vmem>>, vector<16xf32>,
      %get3A_437 = arith.index_cast %scan3A_44 : i32 to index
      %get3A_438 = arith.constant 624 : index
      %get3A_439 = tpu.vector_load %arg9[%get3A_437, %get3A_438] {strides = array<i32>} : memref<32x1024xf32, #tpu.memory_space<vmem>>, vector<16xf32>,
      %add3A_440 = arith.addf %get3A_436, %get3A_439 : vector<16xf32>
      %swap3A_441 = arith.index_cast %scan3A_44 : i32 to index
      %swap3A_442 = arith.constant 624 : index
      %swap3A_443 = tpu.vector_load %arg10[%swap3A_441, %swap3A_442] {strides = array<i32>} : memref<32x1024xf32, #tpu.memory_space<vmem>>, vector<16xf32>,
      tpu.vector_store %arg10[%swap3A_441, %swap3A_442], %add3A_440 {strides = array<i32>} : memref<32x1024xf32, #tpu.memory_space<vmem>>, vector<16xf32>,
      %get3A_444 = arith.index_cast %scan3A_44 : i32 to index
      %get3A_445 = arith.constant 640 : index
      %get3A_446 = tpu.vector_load %arg8[%get3A_444, %get3A_445] {strides = array<i32>} : memref<32x1024xf32, #tpu.memory_space<vmem>>, vector<16xf32>,
      %get3A_447 = arith.index_cast %scan3A_44 : i32 to index
      %get3A_448 = arith.constant 640 : index
      %get3A_449 = tpu.vector_load %arg9[%get3A_447, %get3A_448] {strides = array<i32>} : memref<32x1024xf32, #tpu.memory_space<vmem>>, vector<16xf32>,
      %add3A_450 = arith.addf %get3A_446, %get3A_449 : vector<16xf32>
      %swap3A_451 = arith.index_cast %scan3A_44 : i32 to index
      %swap3A_452 = arith.constant 640 : index
      %swap3A_453 = tpu.vector_load %arg10[%swap3A_451, %swap3A_452] {strides = array<i32>} : memref<32x1024xf32, #tpu.memory_space<vmem>>, vector<16xf32>,
      tpu.vector_store %arg10[%swap3A_451, %swap3A_452], %add3A_450 {strides = array<i32>} : memref<32x1024xf32, #tpu.memory_space<vmem>>, vector<16xf32>,
      %get3A_454 = arith.index_cast %scan3A_44 : i32 to index
      %get3A_455 = arith.constant 656 : index
      %get3A_456 = tpu.vector_load %arg8[%get3A_454, %get3A_455] {strides = array<i32>} : memref<32x1024xf32, #tpu.memory_space<vmem>>, vector<16xf32>,
      %get3A_457 = arith.index_cast %scan3A_44 : i32 to index
      %get3A_458 = arith.constant 656 : index
      %get3A_459 = tpu.vector_load %arg9[%get3A_457, %get3A_458] {strides = array<i32>} : memref<32x1024xf32, #tpu.memory_space<vmem>>, vector<16xf32>,
      %add3A_460 = arith.addf %get3A_456, %get3A_459 : vector<16xf32>
      %swap3A_461 = arith.index_cast %scan3A_44 : i32 to index
      %swap3A_462 = arith.constant 656 : index
      %swap3A_463 = tpu.vector_load %arg10[%swap3A_461, %swap3A_462] {strides = array<i32>} : memref<32x1024xf32, #tpu.memory_space<vmem>>, vector<16xf32>,
      tpu.vector_store %arg10[%swap3A_461, %swap3A_462], %add3A_460 {strides = array<i32>} : memref<32x1024xf32, #tpu.memory_space<vmem>>, vector<16xf32>,
      %get3A_464 = arith.index_cast %scan3A_44 : i32 to index
      %get3A_465 = arith.constant 672 : index
      %get3A_466 = tpu.vector_load %arg8[%get3A_464, %get3A_465] {strides = array<i32>} : memref<32x1024xf32, #tpu.memory_space<vmem>>, vector<16xf32>,
      %get3A_467 = arith.index_cast %scan3A_44 : i32 to index
      %get3A_468 = arith.constant 672 : index
      %get3A_469 = tpu.vector_load %arg9[%get3A_467, %get3A_468] {strides = array<i32>} : memref<32x1024xf32, #tpu.memory_space<vmem>>, vector<16xf32>,
      %add3A_470 = arith.addf %get3A_466, %get3A_469 : vector<16xf32>
      %swap3A_471 = arith.index_cast %scan3A_44 : i32 to index
      %swap3A_472 = arith.constant 672 : index
      %swap3A_473 = tpu.vector_load %arg10[%swap3A_471, %swap3A_472] {strides = array<i32>} : memref<32x1024xf32, #tpu.memory_space<vmem>>, vector<16xf32>,
      tpu.vector_store %arg10[%swap3A_471, %swap3A_472], %add3A_470 {strides = array<i32>} : memref<32x1024xf32, #tpu.memory_space<vmem>>, vector<16xf32>,
      %get3A_474 = arith.index_cast %scan3A_44 : i32 to index
      %get3A_475 = arith.constant 688 : index
      %get3A_476 = tpu.vector_load %arg8[%get3A_474, %get3A_475] {strides = array<i32>} : memref<32x1024xf32, #tpu.memory_space<vmem>>, vector<16xf32>,
      %get3A_477 = arith.index_cast %scan3A_44 : i32 to index
      %get3A_478 = arith.constant 688 : index
      %get3A_479 = tpu.vector_load %arg9[%get3A_477, %get3A_478] {strides = array<i32>} : memref<32x1024xf32, #tpu.memory_space<vmem>>, vector<16xf32>,
      %add3A_480 = arith.addf %get3A_476, %get3A_479 : vector<16xf32>
      %swap3A_481 = arith.index_cast %scan3A_44 : i32 to index
      %swap3A_482 = arith.constant 688 : index
      %swap3A_483 = tpu.vector_load %arg10[%swap3A_481, %swap3A_482] {strides = array<i32>} : memref<32x1024xf32, #tpu.memory_space<vmem>>, vector<16xf32>,
      tpu.vector_store %arg10[%swap3A_481, %swap3A_482], %add3A_480 {strides = array<i32>} : memref<32x1024xf32, #tpu.memory_space<vmem>>, vector<16xf32>,
      %get3A_484 = arith.index_cast %scan3A_44 : i32 to index
      %get3A_485 = arith.constant 704 : index
      %get3A_486 = tpu.vector_load %arg8[%get3A_484, %get3A_485] {strides = array<i32>} : memref<32x1024xf32, #tpu.memory_space<vmem>>, vector<16xf32>,
      %get3A_487 = arith.index_cast %scan3A_44 : i32 to index
      %get3A_488 = arith.constant 704 : index
      %get3A_489 = tpu.vector_load %arg9[%get3A_487, %get3A_488] {strides = array<i32>} : memref<32x1024xf32, #tpu.memory_space<vmem>>, vector<16xf32>,
      %add3A_490 = arith.addf %get3A_486, %get3A_489 : vector<16xf32>
      %swap3A_491 = arith.index_cast %scan3A_44 : i32 to index
      %swap3A_492 = arith.constant 704 : index
      %swap3A_493 = tpu.vector_load %arg10[%swap3A_491, %swap3A_492] {strides = array<i32>} : memref<32x1024xf32, #tpu.memory_space<vmem>>, vector<16xf32>,
      tpu.vector_store %arg10[%swap3A_491, %swap3A_492], %add3A_490 {strides = array<i32>} : memref<32x1024xf32, #tpu.memory_space<vmem>>, vector<16xf32>,
      %get3A_494 = arith.index_cast %scan3A_44 : i32 to index
      %get3A_495 = arith.constant 720 : index
      %get3A_496 = tpu.vector_load %arg8[%get3A_494, %get3A_495] {strides = array<i32>} : memref<32x1024xf32, #tpu.memory_space<vmem>>, vector<16xf32>,
      %get3A_497 = arith.index_cast %scan3A_44 : i32 to index
      %get3A_498 = arith.constant 720 : index
      %get3A_499 = tpu.vector_load %arg9[%get3A_497, %get3A_498] {strides = array<i32>} : memref<32x1024xf32, #tpu.memory_space<vmem>>, vector<16xf32>,
      %add3A_500 = arith.addf %get3A_496, %get3A_499 : vector<16xf32>
      %swap3A_501 = arith.index_cast %scan3A_44 : i32 to index
      %swap3A_502 = arith.constant 720 : index
      %swap3A_503 = tpu.vector_load %arg10[%swap3A_501, %swap3A_502] {strides = array<i32>} : memref<32x1024xf32, #tpu.memory_space<vmem>>, vector<16xf32>,
      tpu.vector_store %arg10[%swap3A_501, %swap3A_502], %add3A_500 {strides = array<i32>} : memref<32x1024xf32, #tpu.memory_space<vmem>>, vector<16xf32>,
      %get3A_504 = arith.index_cast %scan3A_44 : i32 to index
      %get3A_505 = arith.constant 736 : index
      %get3A_506 = tpu.vector_load %arg8[%get3A_504, %get3A_505] {strides = array<i32>} : memref<32x1024xf32, #tpu.memory_space<vmem>>, vector<16xf32>,
      %get3A_507 = arith.index_cast %scan3A_44 : i32 to index
      %get3A_508 = arith.constant 736 : index
      %get3A_509 = tpu.vector_load %arg9[%get3A_507, %get3A_508] {strides = array<i32>} : memref<32x1024xf32, #tpu.memory_space<vmem>>, vector<16xf32>,
      %add3A_510 = arith.addf %get3A_506, %get3A_509 : vector<16xf32>
      %swap3A_511 = arith.index_cast %scan3A_44 : i32 to index
      %swap3A_512 = arith.constant 736 : index
      %swap3A_513 = tpu.vector_load %arg10[%swap3A_511, %swap3A_512] {strides = array<i32>} : memref<32x1024xf32, #tpu.memory_space<vmem>>, vector<16xf32>,
      tpu.vector_store %arg10[%swap3A_511, %swap3A_512], %add3A_510 {strides = array<i32>} : memref<32x1024xf32, #tpu.memory_space<vmem>>, vector<16xf32>,
      %get3A_514 = arith.index_cast %scan3A_44 : i32 to index
      %get3A_515 = arith.constant 752 : index
      %get3A_516 = tpu.vector_load %arg8[%get3A_514, %get3A_515] {strides = array<i32>} : memref<32x1024xf32, #tpu.memory_space<vmem>>, vector<16xf32>,
      %get3A_517 = arith.index_cast %scan3A_44 : i32 to index
      %get3A_518 = arith.constant 752 : index
      %get3A_519 = tpu.vector_load %arg9[%get3A_517, %get3A_518] {strides = array<i32>} : memref<32x1024xf32, #tpu.memory_space<vmem>>, vector<16xf32>,
      %add3A_520 = arith.addf %get3A_516, %get3A_519 : vector<16xf32>
      %swap3A_521 = arith.index_cast %scan3A_44 : i32 to index
      %swap3A_522 = arith.constant 752 : index
      %swap3A_523 = tpu.vector_load %arg10[%swap3A_521, %swap3A_522] {strides = array<i32>} : memref<32x1024xf32, #tpu.memory_space<vmem>>, vector<16xf32>,
      tpu.vector_store %arg10[%swap3A_521, %swap3A_522], %add3A_520 {strides = array<i32>} : memref<32x1024xf32, #tpu.memory_space<vmem>>, vector<16xf32>,
      %get3A_524 = arith.index_cast %scan3A_44 : i32 to index
      %get3A_525 = arith.constant 768 : index
      %get3A_526 = tpu.vector_load %arg8[%get3A_524, %get3A_525] {strides = array<i32>} : memref<32x1024xf32, #tpu.memory_space<vmem>>, vector<16xf32>,
      %get3A_527 = arith.index_cast %scan3A_44 : i32 to index
      %get3A_528 = arith.constant 768 : index
      %get3A_529 = tpu.vector_load %arg9[%get3A_527, %get3A_528] {strides = array<i32>} : memref<32x1024xf32, #tpu.memory_space<vmem>>, vector<16xf32>,
      %add3A_530 = arith.addf %get3A_526, %get3A_529 : vector<16xf32>
      %swap3A_531 = arith.index_cast %scan3A_44 : i32 to index
      %swap3A_532 = arith.constant 768 : index
      %swap3A_533 = tpu.vector_load %arg10[%swap3A_531, %swap3A_532] {strides = array<i32>} : memref<32x1024xf32, #tpu.memory_space<vmem>>, vector<16xf32>,
      tpu.vector_store %arg10[%swap3A_531, %swap3A_532], %add3A_530 {strides = array<i32>} : memref<32x1024xf32, #tpu.memory_space<vmem>>, vector<16xf32>,
      %get3A_534 = arith.index_cast %scan3A_44 : i32 to index
      %get3A_535 = arith.constant 784 : index
      %get3A_536 = tpu.vector_load %arg8[%get3A_534, %get3A_535] {strides = array<i32>} : memref<32x1024xf32, #tpu.memory_space<vmem>>, vector<16xf32>,
      %get3A_537 = arith.index_cast %scan3A_44 : i32 to index
      %get3A_538 = arith.constant 784 : index
      %get3A_539 = tpu.vector_load %arg9[%get3A_537, %get3A_538] {strides = array<i32>} : memref<32x1024xf32, #tpu.memory_space<vmem>>, vector<16xf32>,
      %add3A_540 = arith.addf %get3A_536, %get3A_539 : vector<16xf32>
      %swap3A_541 = arith.index_cast %scan3A_44 : i32 to index
      %swap3A_542 = arith.constant 784 : index
      %swap3A_543 = tpu.vector_load %arg10[%swap3A_541, %swap3A_542] {strides = array<i32>} : memref<32x1024xf32, #tpu.memory_space<vmem>>, vector<16xf32>,
      tpu.vector_store %arg10[%swap3A_541, %swap3A_542], %add3A_540 {strides = array<i32>} : memref<32x1024xf32, #tpu.memory_space<vmem>>, vector<16xf32>,
      %get3A_544 = arith.index_cast %scan3A_44 : i32 to index
      %get3A_545 = arith.constant 800 : index
      %get3A_546 = tpu.vector_load %arg8[%get3A_544, %get3A_545] {strides = array<i32>} : memref<32x1024xf32, #tpu.memory_space<vmem>>, vector<16xf32>,
      %get3A_547 = arith.index_cast %scan3A_44 : i32 to index
      %get3A_548 = arith.constant 800 : index
      %get3A_549 = tpu.vector_load %arg9[%get3A_547, %get3A_548] {strides = array<i32>} : memref<32x1024xf32, #tpu.memory_space<vmem>>, vector<16xf32>,
      %add3A_550 = arith.addf %get3A_546, %get3A_549 : vector<16xf32>
      %swap3A_551 = arith.index_cast %scan3A_44 : i32 to index
      %swap3A_552 = arith.constant 800 : index
      %swap3A_553 = tpu.vector_load %arg10[%swap3A_551, %swap3A_552] {strides = array<i32>} : memref<32x1024xf32, #tpu.memory_space<vmem>>, vector<16xf32>,
      tpu.vector_store %arg10[%swap3A_551, %swap3A_552], %add3A_550 {strides = array<i32>} : memref<32x1024xf32, #tpu.memory_space<vmem>>, vector<16xf32>,
      %get3A_554 = arith.index_cast %scan3A_44 : i32 to index
      %get3A_555 = arith.constant 816 : index
      %get3A_556 = tpu.vector_load %arg8[%get3A_554, %get3A_555] {strides = array<i32>} : memref<32x1024xf32, #tpu.memory_space<vmem>>, vector<16xf32>,
      %get3A_557 = arith.index_cast %scan3A_44 : i32 to index
      %get3A_558 = arith.constant 816 : index
      %get3A_559 = tpu.vector_load %arg9[%get3A_557, %get3A_558] {strides = array<i32>} : memref<32x1024xf32, #tpu.memory_space<vmem>>, vector<16xf32>,
      %add3A_560 = arith.addf %get3A_556, %get3A_559 : vector<16xf32>
      %swap3A_561 = arith.index_cast %scan3A_44 : i32 to index
      %swap3A_562 = arith.constant 816 : index
      %swap3A_563 = tpu.vector_load %arg10[%swap3A_561, %swap3A_562] {strides = array<i32>} : memref<32x1024xf32, #tpu.memory_space<vmem>>, vector<16xf32>,
      tpu.vector_store %arg10[%swap3A_561, %swap3A_562], %add3A_560 {strides = array<i32>} : memref<32x1024xf32, #tpu.memory_space<vmem>>, vector<16xf32>,
      %get3A_564 = arith.index_cast %scan3A_44 : i32 to index
      %get3A_565 = arith.constant 832 : index
      %get3A_566 = tpu.vector_load %arg8[%get3A_564, %get3A_565] {strides = array<i32>} : memref<32x1024xf32, #tpu.memory_space<vmem>>, vector<16xf32>,
      %get3A_567 = arith.index_cast %scan3A_44 : i32 to index
      %get3A_568 = arith.constant 832 : index
      %get3A_569 = tpu.vector_load %arg9[%get3A_567, %get3A_568] {strides = array<i32>} : memref<32x1024xf32, #tpu.memory_space<vmem>>, vector<16xf32>,
      %add3A_570 = arith.addf %get3A_566, %get3A_569 : vector<16xf32>
      %swap3A_571 = arith.index_cast %scan3A_44 : i32 to index
      %swap3A_572 = arith.constant 832 : index
      %swap3A_573 = tpu.vector_load %arg10[%swap3A_571, %swap3A_572] {strides = array<i32>} : memref<32x1024xf32, #tpu.memory_space<vmem>>, vector<16xf32>,
      tpu.vector_store %arg10[%swap3A_571, %swap3A_572], %add3A_570 {strides = array<i32>} : memref<32x1024xf32, #tpu.memory_space<vmem>>, vector<16xf32>,
      %get3A_574 = arith.index_cast %scan3A_44 : i32 to index
      %get3A_575 = arith.constant 848 : index
      %get3A_576 = tpu.vector_load %arg8[%get3A_574, %get3A_575] {strides = array<i32>} : memref<32x1024xf32, #tpu.memory_space<vmem>>, vector<16xf32>,
      %get3A_577 = arith.index_cast %scan3A_44 : i32 to index
      %get3A_578 = arith.constant 848 : index
      %get3A_579 = tpu.vector_load %arg9[%get3A_577, %get3A_578] {strides = array<i32>} : memref<32x1024xf32, #tpu.memory_space<vmem>>, vector<16xf32>,
      %add3A_580 = arith.addf %get3A_576, %get3A_579 : vector<16xf32>
      %swap3A_581 = arith.index_cast %scan3A_44 : i32 to index
      %swap3A_582 = arith.constant 848 : index
      %swap3A_583 = tpu.vector_load %arg10[%swap3A_581, %swap3A_582] {strides = array<i32>} : memref<32x1024xf32, #tpu.memory_space<vmem>>, vector<16xf32>,
      tpu.vector_store %arg10[%swap3A_581, %swap3A_582], %add3A_580 {strides = array<i32>} : memref<32x1024xf32, #tpu.memory_space<vmem>>, vector<16xf32>,
      %get3A_584 = arith.index_cast %scan3A_44 : i32 to index
      %get3A_585 = arith.constant 864 : index
      %get3A_586 = tpu.vector_load %arg8[%get3A_584, %get3A_585] {strides = array<i32>} : memref<32x1024xf32, #tpu.memory_space<vmem>>, vector<16xf32>,
      %get3A_587 = arith.index_cast %scan3A_44 : i32 to index
      %get3A_588 = arith.constant 864 : index
      %get3A_589 = tpu.vector_load %arg9[%get3A_587, %get3A_588] {strides = array<i32>} : memref<32x1024xf32, #tpu.memory_space<vmem>>, vector<16xf32>,
      %add3A_590 = arith.addf %get3A_586, %get3A_589 : vector<16xf32>
      %swap3A_591 = arith.index_cast %scan3A_44 : i32 to index
      %swap3A_592 = arith.constant 864 : index
      %swap3A_593 = tpu.vector_load %arg10[%swap3A_591, %swap3A_592] {strides = array<i32>} : memref<32x1024xf32, #tpu.memory_space<vmem>>, vector<16xf32>,
      tpu.vector_store %arg10[%swap3A_591, %swap3A_592], %add3A_590 {strides = array<i32>} : memref<32x1024xf32, #tpu.memory_space<vmem>>, vector<16xf32>,
      %get3A_594 = arith.index_cast %scan3A_44 : i32 to index
      %get3A_595 = arith.constant 880 : index
      %get3A_596 = tpu.vector_load %arg8[%get3A_594, %get3A_595] {strides = array<i32>} : memref<32x1024xf32, #tpu.memory_space<vmem>>, vector<16xf32>,
      %get3A_597 = arith.index_cast %scan3A_44 : i32 to index
      %get3A_598 = arith.constant 880 : index
      %get3A_599 = tpu.vector_load %arg9[%get3A_597, %get3A_598] {strides = array<i32>} : memref<32x1024xf32, #tpu.memory_space<vmem>>, vector<16xf32>,
      %add3A_600 = arith.addf %get3A_596, %get3A_599 : vector<16xf32>
      %swap3A_601 = arith.index_cast %scan3A_44 : i32 to index
      %swap3A_602 = arith.constant 880 : index
      %swap3A_603 = tpu.vector_load %arg10[%swap3A_601, %swap3A_602] {strides = array<i32>} : memref<32x1024xf32, #tpu.memory_space<vmem>>, vector<16xf32>,
      tpu.vector_store %arg10[%swap3A_601, %swap3A_602], %add3A_600 {strides = array<i32>} : memref<32x1024xf32, #tpu.memory_space<vmem>>, vector<16xf32>,
      %get3A_604 = arith.index_cast %scan3A_44 : i32 to index
      %get3A_605 = arith.constant 896 : index
      %get3A_606 = tpu.vector_load %arg8[%get3A_604, %get3A_605] {strides = array<i32>} : memref<32x1024xf32, #tpu.memory_space<vmem>>, vector<16xf32>,
      %get3A_607 = arith.index_cast %scan3A_44 : i32 to index
      %get3A_608 = arith.constant 896 : index
      %get3A_609 = tpu.vector_load %arg9[%get3A_607, %get3A_608] {strides = array<i32>} : memref<32x1024xf32, #tpu.memory_space<vmem>>, vector<16xf32>,
      %add3A_610 = arith.addf %get3A_606, %get3A_609 : vector<16xf32>
      %swap3A_611 = arith.index_cast %scan3A_44 : i32 to index
      %swap3A_612 = arith.constant 896 : index
      %swap3A_613 = tpu.vector_load %arg10[%swap3A_611, %swap3A_612] {strides = array<i32>} : memref<32x1024xf32, #tpu.memory_space<vmem>>, vector<16xf32>,
      tpu.vector_store %arg10[%swap3A_611, %swap3A_612], %add3A_610 {strides = array<i32>} : memref<32x1024xf32, #tpu.memory_space<vmem>>, vector<16xf32>,
      %get3A_614 = arith.index_cast %scan3A_44 : i32 to index
      %get3A_615 = arith.constant 912 : index
      %get3A_616 = tpu.vector_load %arg8[%get3A_614, %get3A_615] {strides = array<i32>} : memref<32x1024xf32, #tpu.memory_space<vmem>>, vector<16xf32>,
      %get3A_617 = arith.index_cast %scan3A_44 : i32 to index
      %get3A_618 = arith.constant 912 : index
      %get3A_619 = tpu.vector_load %arg9[%get3A_617, %get3A_618] {strides = array<i32>} : memref<32x1024xf32, #tpu.memory_space<vmem>>, vector<16xf32>,
      %add3A_620 = arith.addf %get3A_616, %get3A_619 : vector<16xf32>
      %swap3A_621 = arith.index_cast %scan3A_44 : i32 to index
      %swap3A_622 = arith.constant 912 : index
      %swap3A_623 = tpu.vector_load %arg10[%swap3A_621, %swap3A_622] {strides = array<i32>} : memref<32x1024xf32, #tpu.memory_space<vmem>>, vector<16xf32>,
      tpu.vector_store %arg10[%swap3A_621, %swap3A_622], %add3A_620 {strides = array<i32>} : memref<32x1024xf32, #tpu.memory_space<vmem>>, vector<16xf32>,
      %get3A_624 = arith.index_cast %scan3A_44 : i32 to index
      %get3A_625 = arith.constant 928 : index
      %get3A_626 = tpu.vector_load %arg8[%get3A_624, %get3A_625] {strides = array<i32>} : memref<32x1024xf32, #tpu.memory_space<vmem>>, vector<16xf32>,
      %get3A_627 = arith.index_cast %scan3A_44 : i32 to index
      %get3A_628 = arith.constant 928 : index
      %get3A_629 = tpu.vector_load %arg9[%get3A_627, %get3A_628] {strides = array<i32>} : memref<32x1024xf32, #tpu.memory_space<vmem>>, vector<16xf32>,
      %add3A_630 = arith.addf %get3A_626, %get3A_629 : vector<16xf32>
      %swap3A_631 = arith.index_cast %scan3A_44 : i32 to index
      %swap3A_632 = arith.constant 928 : index
      %swap3A_633 = tpu.vector_load %arg10[%swap3A_631, %swap3A_632] {strides = array<i32>} : memref<32x1024xf32, #tpu.memory_space<vmem>>, vector<16xf32>,
      tpu.vector_store %arg10[%swap3A_631, %swap3A_632], %add3A_630 {strides = array<i32>} : memref<32x1024xf32, #tpu.memory_space<vmem>>, vector<16xf32>,
      %get3A_634 = arith.index_cast %scan3A_44 : i32 to index
      %get3A_635 = arith.constant 944 : index
      %get3A_636 = tpu.vector_load %arg8[%get3A_634, %get3A_635] {strides = array<i32>} : memref<32x1024xf32, #tpu.memory_space<vmem>>, vector<16xf32>,
      %get3A_637 = arith.index_cast %scan3A_44 : i32 to index
      %get3A_638 = arith.constant 944 : index
      %get3A_639 = tpu.vector_load %arg9[%get3A_637, %get3A_638] {strides = array<i32>} : memref<32x1024xf32, #tpu.memory_space<vmem>>, vector<16xf32>,
      %add3A_640 = arith.addf %get3A_636, %get3A_639 : vector<16xf32>
      %swap3A_641 = arith.index_cast %scan3A_44 : i32 to index
      %swap3A_642 = arith.constant 944 : index
      %swap3A_643 = tpu.vector_load %arg10[%swap3A_641, %swap3A_642] {strides = array<i32>} : memref<32x1024xf32, #tpu.memory_space<vmem>>, vector<16xf32>,
      tpu.vector_store %arg10[%swap3A_641, %swap3A_642], %add3A_640 {strides = array<i32>} : memref<32x1024xf32, #tpu.memory_space<vmem>>, vector<16xf32>,
      %get3A_644 = arith.index_cast %scan3A_44 : i32 to index
      %get3A_645 = arith.constant 960 : index
      %get3A_646 = tpu.vector_load %arg8[%get3A_644, %get3A_645] {strides = array<i32>} : memref<32x1024xf32, #tpu.memory_space<vmem>>, vector<16xf32>,
      %get3A_647 = arith.index_cast %scan3A_44 : i32 to index
      %get3A_648 = arith.constant 960 : index
      %get3A_649 = tpu.vector_load %arg9[%get3A_647, %get3A_648] {strides = array<i32>} : memref<32x1024xf32, #tpu.memory_space<vmem>>, vector<16xf32>,
      %add3A_650 = arith.addf %get3A_646, %get3A_649 : vector<16xf32>
      %swap3A_651 = arith.index_cast %scan3A_44 : i32 to index
      %swap3A_652 = arith.constant 960 : index
      %swap3A_653 = tpu.vector_load %arg10[%swap3A_651, %swap3A_652] {strides = array<i32>} : memref<32x1024xf32, #tpu.memory_space<vmem>>, vector<16xf32>,
      tpu.vector_store %arg10[%swap3A_651, %swap3A_652], %add3A_650 {strides = array<i32>} : memref<32x1024xf32, #tpu.memory_space<vmem>>, vector<16xf32>,
      %get3A_654 = arith.index_cast %scan3A_44 : i32 to index
      %get3A_655 = arith.constant 976 : index
      %get3A_656 = tpu.vector_load %arg8[%get3A_654, %get3A_655] {strides = array<i32>} : memref<32x1024xf32, #tpu.memory_space<vmem>>, vector<16xf32>,
      %get3A_657 = arith.index_cast %scan3A_44 : i32 to index
      %get3A_658 = arith.constant 976 : index
      %get3A_659 = tpu.vector_load %arg9[%get3A_657, %get3A_658] {strides = array<i32>} : memref<32x1024xf32, #tpu.memory_space<vmem>>, vector<16xf32>,
      %add3A_660 = arith.addf %get3A_656, %get3A_659 : vector<16xf32>
      %swap3A_661 = arith.index_cast %scan3A_44 : i32 to index
      %swap3A_662 = arith.constant 976 : index
      %swap3A_663 = tpu.vector_load %arg10[%swap3A_661, %swap3A_662] {strides = array<i32>} : memref<32x1024xf32, #tpu.memory_space<vmem>>, vector<16xf32>,
      tpu.vector_store %arg10[%swap3A_661, %swap3A_662], %add3A_660 {strides = array<i32>} : memref<32x1024xf32, #tpu.memory_space<vmem>>, vector<16xf32>,
      %get3A_664 = arith.index_cast %scan3A_44 : i32 to index
      %get3A_665 = arith.constant 992 : index
      %get3A_666 = tpu.vector_load %arg8[%get3A_664, %get3A_665] {strides = array<i32>} : memref<32x1024xf32, #tpu.memory_space<vmem>>, vector<16xf32>,
      %get3A_667 = arith.index_cast %scan3A_44 : i32 to index
      %get3A_668 = arith.constant 992 : index
      %get3A_669 = tpu.vector_load %arg9[%get3A_667, %get3A_668] {strides = array<i32>} : memref<32x1024xf32, #tpu.memory_space<vmem>>, vector<16xf32>,
      %add3A_670 = arith.addf %get3A_666, %get3A_669 : vector<16xf32>
      %swap3A_671 = arith.index_cast %scan3A_44 : i32 to index
      %swap3A_672 = arith.constant 992 : index
      %swap3A_673 = tpu.vector_load %arg10[%swap3A_671, %swap3A_672] {strides = array<i32>} : memref<32x1024xf32, #tpu.memory_space<vmem>>, vector<16xf32>,
      tpu.vector_store %arg10[%swap3A_671, %swap3A_672], %add3A_670 {strides = array<i32>} : memref<32x1024xf32, #tpu.memory_space<vmem>>, vector<16xf32>,
      %get3A_674 = arith.index_cast %scan3A_44 : i32 to index
      %get3A_675 = arith.constant 1008 : index
      %get3A_676 = tpu.vector_load %arg8[%get3A_674, %get3A_675] {strides = array<i32>} : memref<32x1024xf32, #tpu.memory_space<vmem>>, vector<16xf32>,
      %get3A_677 = arith.index_cast %scan3A_44 : i32 to index
      %get3A_678 = arith.constant 1008 : index
      %get3A_679 = tpu.vector_load %arg9[%get3A_677, %get3A_678] {strides = array<i32>} : memref<32x1024xf32, #tpu.memory_space<vmem>>, vector<16xf32>,
      %add3A_680 = arith.addf %get3A_676, %get3A_679 : vector<16xf32>
      %swap3A_681 = arith.index_cast %scan3A_44 : i32 to index
      %swap3A_682 = arith.constant 1008 : index
      %swap3A_683 = tpu.vector_load %arg10[%swap3A_681, %swap3A_682] {strides = array<i32>} : memref<32x1024xf32, #tpu.memory_space<vmem>>, vector<16xf32>,
      tpu.vector_store %arg10[%swap3A_681, %swap3A_682], %add3A_680 {strides = array<i32>} : memref<32x1024xf32, #tpu.memory_space<vmem>>, vector<16xf32>,
      %scan3A_684 = arith.constant 0 : i32
      scf.yield %scan3A_684 : i32
    }
    %scan3A_20 = arith.constant 32 : i32
    "tpu.region"() ({
      %run_scoped3A = tpu.sem_alloc : memref<!tpu.dma_semaphore, #tpu.memory_space<semaphore_mem>>
      %dma_start3A_44 = arith.constant 0 : i32
      %dma_start3A_45 = tpu.memref_slice %arg5[%add3A_4, %dma_start3A_44] : memref<2048x1024xf32, #tpu.memory_space<hbm>> -> memref<32x1024xf32, #tpu.memory_space<hbm>>
      %dma_start3A_46 = arith.constant 0 : i32
      %dma_start3A_47 = tpu.memref_slice %arg5[%add3A_4, %dma_start3A_46] : memref<2048x1024xf32, #tpu.memory_space<hbm>> -> memref<32x1024xf32, #tpu.memory_space<hbm>>
      tpu.enqueue_dma source(%arg10 : memref<32x1024xf32, #tpu.memory_space<vmem>>) target(%dma_start3A_47 : memref<32x1024xf32, #tpu.memory_space<hbm>>) target_semaphore(%run_scoped3A : memref<!tpu.dma_semaphore, #tpu.memory_space<semaphore_mem>>)
      %dma_wait3A_48 = arith.constant 0 : i32
      %dma_wait3A_49 = tpu.memref_slice %arg5[%add3A_4, %dma_wait3A_48] : memref<2048x1024xf32, #tpu.memory_space<hbm>> -> memref<32x1024xf32, #tpu.memory_space<hbm>>
      %dma_wait3A_50 = arith.constant 0 : i32
      %dma_wait3A_51 = tpu.memref_slice %arg5[%add3A_4, %dma_wait3A_50] : memref<2048x1024xf32, #tpu.memory_space<hbm>> -> memref<32x1024xf32, #tpu.memory_space<hbm>>
      tpu.wait_dma2 semaphore(%run_scoped3A : memref<!tpu.dma_semaphore, #tpu.memory_space<semaphore_mem>>) src(%arg10 : memref<32x1024xf32, #tpu.memory_space<vmem>>) dst(%dma_wait3A_51 : memref<32x1024xf32, #tpu.memory_space<hbm>>)
      tpu.yield
    }) : () -> ()
    %mul3A_21 = arith.constant 64 : i32
    %mul3A_22 = arith.muli %add3A, %mul3A_21 : i32
    %add3A_23 = arith.constant 32 : i32
    %add3A_24 = arith.addi %mul3A_22, %add3A_23 : i32
    "tpu.region"() ({
      %run_scoped3A = tpu.sem_alloc : memref<!tpu.dma_semaphore, #tpu.memory_space<semaphore_mem>>
      %dma_start3A_44 = tpu.memref_slice %arg3[%add3A_24] : memref<2048xi32, #tpu.memory_space<hbm>> -> memref<32xi32, #tpu.memory_space<hbm>>
      %dma_start3A_45 = tpu.memref_slice %arg3[%add3A_24] : memref<2048xi32, #tpu.memory_space<hbm>> -> memref<32xi32, #tpu.memory_space<hbm>>
      tpu.enqueue_dma source(%dma_start3A_45 : memref<32xi32, #tpu.memory_space<hbm>>) target(%arg6 : memref<32xi32, #tpu.memory_space<vmem>>) target_semaphore(%run_scoped3A : memref<!tpu.dma_semaphore, #tpu.memory_space<semaphore_mem>>)
      %dma_wait3A_46 = tpu.memref_slice %arg3[%add3A_24] : memref<2048xi32, #tpu.memory_space<hbm>> -> memref<32xi32, #tpu.memory_space<hbm>>
      %dma_wait3A_47 = tpu.memref_slice %arg3[%add3A_24] : memref<2048xi32, #tpu.memory_space<hbm>> -> memref<32xi32, #tpu.memory_space<hbm>>
      tpu.wait_dma2 semaphore(%run_scoped3A : memref<!tpu.dma_semaphore, #tpu.memory_space<semaphore_mem>>) src(%dma_wait3A_47 : memref<32xi32, #tpu.memory_space<hbm>>) dst(%arg6 : memref<32xi32, #tpu.memory_space<vmem>>)
      tpu.yield
    }) : () -> ()
    "tpu.region"() ({
      %run_scoped3A = tpu.sem_alloc : memref<!tpu.dma_semaphore, #tpu.memory_space<semaphore_mem>>
      %dma_start3A_44 = tpu.memref_slice %arg4[%add3A_24] : memref<2048xi32, #tpu.memory_space<hbm>> -> memref<32xi32, #tpu.memory_space<hbm>>
      %dma_start3A_45 = tpu.memref_slice %arg4[%add3A_24] : memref<2048xi32, #tpu.memory_space<hbm>> -> memref<32xi32, #tpu.memory_space<hbm>>
      tpu.enqueue_dma source(%dma_start3A_45 : memref<32xi32, #tpu.memory_space<hbm>>) target(%arg7 : memref<32xi32, #tpu.memory_space<vmem>>) target_semaphore(%run_scoped3A : memref<!tpu.dma_semaphore, #tpu.memory_space<semaphore_mem>>)
      %dma_wait3A_46 = tpu.memref_slice %arg4[%add3A_24] : memref<2048xi32, #tpu.memory_space<hbm>> -> memref<32xi32, #tpu.memory_space<hbm>>
      %dma_wait3A_47 = tpu.memref_slice %arg4[%add3A_24] : memref<2048xi32, #tpu.memory_space<hbm>> -> memref<32xi32, #tpu.memory_space<hbm>>
      tpu.wait_dma2 semaphore(%run_scoped3A : memref<!tpu.dma_semaphore, #tpu.memory_space<semaphore_mem>>) src(%dma_wait3A_47 : memref<32xi32, #tpu.memory_space<hbm>>) dst(%arg7 : memref<32xi32, #tpu.memory_space<vmem>>)
      tpu.yield
    }) : () -> ()
    %dma_start3A_25 = arith.constant 0 : i32
    %dma_start3A_26 = arith.constant 0 : i32
    %dma_start3A_27 = tpu.memref_slice %arg2[%dma_start3A_25, %dma_start3A_26] : memref<6144x1024xf32, #tpu.memory_space<hbm>> -> memref<6144x1024xf32, #tpu.memory_space<hbm>>
    tpu.enqueue_indirect_dma source(%dma_start3A_27 : memref<6144x1024xf32, #tpu.memory_space<hbm>>) target(%arg8 : memref<32x1024xf32, #tpu.memory_space<vmem>>) offsets(%arg6 : memref<32xi32, #tpu.memory_space<vmem>>) semaphore(%arg11 : memref<!tpu.dma_semaphore, #tpu.memory_space<semaphore_mem>>)
    %dma_start3A_28 = arith.constant 0 : i32
    %dma_start3A_29 = arith.constant 0 : i32
    %dma_start3A_30 = tpu.memref_slice %arg2[%dma_start3A_28, %dma_start3A_29] : memref<6144x1024xf32, #tpu.memory_space<hbm>> -> memref<6144x1024xf32, #tpu.memory_space<hbm>>
    tpu.enqueue_indirect_dma source(%dma_start3A_30 : memref<6144x1024xf32, #tpu.memory_space<hbm>>) target(%arg9 : memref<32x1024xf32, #tpu.memory_space<vmem>>) offsets(%arg7 : memref<32xi32, #tpu.memory_space<vmem>>) semaphore(%arg12 : memref<!tpu.dma_semaphore, #tpu.memory_space<semaphore_mem>>)
    %dma_wait3A_31 = arith.constant 0 : i32
    %dma_wait3A_32 = arith.constant 0 : i32
    %dma_wait3A_33 = tpu.memref_slice %arg2[%dma_wait3A_31, %dma_wait3A_32] : memref<6144x1024xf32, #tpu.memory_space<hbm>> -> memref<6144x1024xf32, #tpu.memory_space<hbm>>
    tpu.wait_indirect_dma semaphore(%arg11 : memref<!tpu.dma_semaphore, #tpu.memory_space<semaphore_mem>>) src(%dma_wait3A_33 : memref<6144x1024xf32, #tpu.memory_space<hbm>>) dst(%arg8 : memref<32x1024xf32, #tpu.memory_space<vmem>>)
    %dma_wait3A_34 = arith.constant 0 : i32
    %dma_wait3A_35 = arith.constant 0 : i32
    %dma_wait3A_36 = tpu.memref_slice %arg2[%dma_wait3A_34, %dma_wait3A_35] : memref<6144x1024xf32, #tpu.memory_space<hbm>> -> memref<6144x1024xf32, #tpu.memory_space<hbm>>
    tpu.wait_indirect_dma semaphore(%arg12 : memref<!tpu.dma_semaphore, #tpu.memory_space<semaphore_mem>>) src(%dma_wait3A_36 : memref<6144x1024xf32, #tpu.memory_space<hbm>>) dst(%arg9 : memref<32x1024xf32, #tpu.memory_space<vmem>>)
    %scan3A_37 = arith.constant 0 : i32
    %scan3A_38 = arith.constant 0 : i32
    %scan3A_39 = arith.constant 32 : i32
    %scan3A_40 = arith.addi %scan3A_38, %scan3A_39 : i32
    %scan3A_41 = arith.constant 1 : i32
    %scan3A_42 = scf.for %scan3A_44 = %scan3A_38 to %scan3A_40 step %scan3A_41 iter_args(%scan3A_45 = %scan3A_37) -> (i32)  : i32 {
      %get3A = arith.index_cast %scan3A_44 : i32 to index
      %get3A_46 = arith.constant 0 : index
      %get3A_47 = tpu.vector_load %arg8[%get3A, %get3A_46] {strides = array<i32>} : memref<32x1024xf32, #tpu.memory_space<vmem>>, vector<16xf32>,
      %get3A_48 = arith.index_cast %scan3A_44 : i32 to index
      %get3A_49 = arith.constant 0 : index
      %get3A_50 = tpu.vector_load %arg9[%get3A_48, %get3A_49] {strides = array<i32>} : memref<32x1024xf32, #tpu.memory_space<vmem>>, vector<16xf32>,
      %add3A_51 = arith.addf %get3A_47, %get3A_50 : vector<16xf32>
      %swap3A = arith.index_cast %scan3A_44 : i32 to index
      %swap3A_52 = arith.constant 0 : index
      %swap3A_53 = tpu.vector_load %arg10[%swap3A, %swap3A_52] {strides = array<i32>} : memref<32x1024xf32, #tpu.memory_space<vmem>>, vector<16xf32>,
      tpu.vector_store %arg10[%swap3A, %swap3A_52], %add3A_51 {strides = array<i32>} : memref<32x1024xf32, #tpu.memory_space<vmem>>, vector<16xf32>,
      %get3A_54 = arith.index_cast %scan3A_44 : i32 to index
      %get3A_55 = arith.constant 16 : index
      %get3A_56 = tpu.vector_load %arg8[%get3A_54, %get3A_55] {strides = array<i32>} : memref<32x1024xf32, #tpu.memory_space<vmem>>, vector<16xf32>,
      %get3A_57 = arith.index_cast %scan3A_44 : i32 to index
      %get3A_58 = arith.constant 16 : index
      %get3A_59 = tpu.vector_load %arg9[%get3A_57, %get3A_58] {strides = array<i32>} : memref<32x1024xf32, #tpu.memory_space<vmem>>, vector<16xf32>,
      %add3A_60 = arith.addf %get3A_56, %get3A_59 : vector<16xf32>
      %swap3A_61 = arith.index_cast %scan3A_44 : i32 to index
      %swap3A_62 = arith.constant 16 : index
      %swap3A_63 = tpu.vector_load %arg10[%swap3A_61, %swap3A_62] {strides = array<i32>} : memref<32x1024xf32, #tpu.memory_space<vmem>>, vector<16xf32>,
      tpu.vector_store %arg10[%swap3A_61, %swap3A_62], %add3A_60 {strides = array<i32>} : memref<32x1024xf32, #tpu.memory_space<vmem>>, vector<16xf32>,
      %get3A_64 = arith.index_cast %scan3A_44 : i32 to index
      %get3A_65 = arith.constant 32 : index
      %get3A_66 = tpu.vector_load %arg8[%get3A_64, %get3A_65] {strides = array<i32>} : memref<32x1024xf32, #tpu.memory_space<vmem>>, vector<16xf32>,
      %get3A_67 = arith.index_cast %scan3A_44 : i32 to index
      %get3A_68 = arith.constant 32 : index
      %get3A_69 = tpu.vector_load %arg9[%get3A_67, %get3A_68] {strides = array<i32>} : memref<32x1024xf32, #tpu.memory_space<vmem>>, vector<16xf32>,
      %add3A_70 = arith.addf %get3A_66, %get3A_69 : vector<16xf32>
      %swap3A_71 = arith.index_cast %scan3A_44 : i32 to index
      %swap3A_72 = arith.constant 32 : index
      %swap3A_73 = tpu.vector_load %arg10[%swap3A_71, %swap3A_72] {strides = array<i32>} : memref<32x1024xf32, #tpu.memory_space<vmem>>, vector<16xf32>,
      tpu.vector_store %arg10[%swap3A_71, %swap3A_72], %add3A_70 {strides = array<i32>} : memref<32x1024xf32, #tpu.memory_space<vmem>>, vector<16xf32>,
      %get3A_74 = arith.index_cast %scan3A_44 : i32 to index
      %get3A_75 = arith.constant 48 : index
      %get3A_76 = tpu.vector_load %arg8[%get3A_74, %get3A_75] {strides = array<i32>} : memref<32x1024xf32, #tpu.memory_space<vmem>>, vector<16xf32>,
      %get3A_77 = arith.index_cast %scan3A_44 : i32 to index
      %get3A_78 = arith.constant 48 : index
      %get3A_79 = tpu.vector_load %arg9[%get3A_77, %get3A_78] {strides = array<i32>} : memref<32x1024xf32, #tpu.memory_space<vmem>>, vector<16xf32>,
      %add3A_80 = arith.addf %get3A_76, %get3A_79 : vector<16xf32>
      %swap3A_81 = arith.index_cast %scan3A_44 : i32 to index
      %swap3A_82 = arith.constant 48 : index
      %swap3A_83 = tpu.vector_load %arg10[%swap3A_81, %swap3A_82] {strides = array<i32>} : memref<32x1024xf32, #tpu.memory_space<vmem>>, vector<16xf32>,
      tpu.vector_store %arg10[%swap3A_81, %swap3A_82], %add3A_80 {strides = array<i32>} : memref<32x1024xf32, #tpu.memory_space<vmem>>, vector<16xf32>,
      %get3A_84 = arith.index_cast %scan3A_44 : i32 to index
      %get3A_85 = arith.constant 64 : index
      %get3A_86 = tpu.vector_load %arg8[%get3A_84, %get3A_85] {strides = array<i32>} : memref<32x1024xf32, #tpu.memory_space<vmem>>, vector<16xf32>,
      %get3A_87 = arith.index_cast %scan3A_44 : i32 to index
      %get3A_88 = arith.constant 64 : index
      %get3A_89 = tpu.vector_load %arg9[%get3A_87, %get3A_88] {strides = array<i32>} : memref<32x1024xf32, #tpu.memory_space<vmem>>, vector<16xf32>,
      %add3A_90 = arith.addf %get3A_86, %get3A_89 : vector<16xf32>
      %swap3A_91 = arith.index_cast %scan3A_44 : i32 to index
      %swap3A_92 = arith.constant 64 : index
      %swap3A_93 = tpu.vector_load %arg10[%swap3A_91, %swap3A_92] {strides = array<i32>} : memref<32x1024xf32, #tpu.memory_space<vmem>>, vector<16xf32>,
      tpu.vector_store %arg10[%swap3A_91, %swap3A_92], %add3A_90 {strides = array<i32>} : memref<32x1024xf32, #tpu.memory_space<vmem>>, vector<16xf32>,
      %get3A_94 = arith.index_cast %scan3A_44 : i32 to index
      %get3A_95 = arith.constant 80 : index
      %get3A_96 = tpu.vector_load %arg8[%get3A_94, %get3A_95] {strides = array<i32>} : memref<32x1024xf32, #tpu.memory_space<vmem>>, vector<16xf32>,
      %get3A_97 = arith.index_cast %scan3A_44 : i32 to index
      %get3A_98 = arith.constant 80 : index
      %get3A_99 = tpu.vector_load %arg9[%get3A_97, %get3A_98] {strides = array<i32>} : memref<32x1024xf32, #tpu.memory_space<vmem>>, vector<16xf32>,
      %add3A_100 = arith.addf %get3A_96, %get3A_99 : vector<16xf32>
      %swap3A_101 = arith.index_cast %scan3A_44 : i32 to index
      %swap3A_102 = arith.constant 80 : index
      %swap3A_103 = tpu.vector_load %arg10[%swap3A_101, %swap3A_102] {strides = array<i32>} : memref<32x1024xf32, #tpu.memory_space<vmem>>, vector<16xf32>,
      tpu.vector_store %arg10[%swap3A_101, %swap3A_102], %add3A_100 {strides = array<i32>} : memref<32x1024xf32, #tpu.memory_space<vmem>>, vector<16xf32>,
      %get3A_104 = arith.index_cast %scan3A_44 : i32 to index
      %get3A_105 = arith.constant 96 : index
      %get3A_106 = tpu.vector_load %arg8[%get3A_104, %get3A_105] {strides = array<i32>} : memref<32x1024xf32, #tpu.memory_space<vmem>>, vector<16xf32>,
      %get3A_107 = arith.index_cast %scan3A_44 : i32 to index
      %get3A_108 = arith.constant 96 : index
      %get3A_109 = tpu.vector_load %arg9[%get3A_107, %get3A_108] {strides = array<i32>} : memref<32x1024xf32, #tpu.memory_space<vmem>>, vector<16xf32>,
      %add3A_110 = arith.addf %get3A_106, %get3A_109 : vector<16xf32>
      %swap3A_111 = arith.index_cast %scan3A_44 : i32 to index
      %swap3A_112 = arith.constant 96 : index
      %swap3A_113 = tpu.vector_load %arg10[%swap3A_111, %swap3A_112] {strides = array<i32>} : memref<32x1024xf32, #tpu.memory_space<vmem>>, vector<16xf32>,
      tpu.vector_store %arg10[%swap3A_111, %swap3A_112], %add3A_110 {strides = array<i32>} : memref<32x1024xf32, #tpu.memory_space<vmem>>, vector<16xf32>,
      %get3A_114 = arith.index_cast %scan3A_44 : i32 to index
      %get3A_115 = arith.constant 112 : index
      %get3A_116 = tpu.vector_load %arg8[%get3A_114, %get3A_115] {strides = array<i32>} : memref<32x1024xf32, #tpu.memory_space<vmem>>, vector<16xf32>,
      %get3A_117 = arith.index_cast %scan3A_44 : i32 to index
      %get3A_118 = arith.constant 112 : index
      %get3A_119 = tpu.vector_load %arg9[%get3A_117, %get3A_118] {strides = array<i32>} : memref<32x1024xf32, #tpu.memory_space<vmem>>, vector<16xf32>,
      %add3A_120 = arith.addf %get3A_116, %get3A_119 : vector<16xf32>
      %swap3A_121 = arith.index_cast %scan3A_44 : i32 to index
      %swap3A_122 = arith.constant 112 : index
      %swap3A_123 = tpu.vector_load %arg10[%swap3A_121, %swap3A_122] {strides = array<i32>} : memref<32x1024xf32, #tpu.memory_space<vmem>>, vector<16xf32>,
      tpu.vector_store %arg10[%swap3A_121, %swap3A_122], %add3A_120 {strides = array<i32>} : memref<32x1024xf32, #tpu.memory_space<vmem>>, vector<16xf32>,
      %get3A_124 = arith.index_cast %scan3A_44 : i32 to index
      %get3A_125 = arith.constant 128 : index
      %get3A_126 = tpu.vector_load %arg8[%get3A_124, %get3A_125] {strides = array<i32>} : memref<32x1024xf32, #tpu.memory_space<vmem>>, vector<16xf32>,
      %get3A_127 = arith.index_cast %scan3A_44 : i32 to index
      %get3A_128 = arith.constant 128 : index
      %get3A_129 = tpu.vector_load %arg9[%get3A_127, %get3A_128] {strides = array<i32>} : memref<32x1024xf32, #tpu.memory_space<vmem>>, vector<16xf32>,
      %add3A_130 = arith.addf %get3A_126, %get3A_129 : vector<16xf32>
      %swap3A_131 = arith.index_cast %scan3A_44 : i32 to index
      %swap3A_132 = arith.constant 128 : index
      %swap3A_133 = tpu.vector_load %arg10[%swap3A_131, %swap3A_132] {strides = array<i32>} : memref<32x1024xf32, #tpu.memory_space<vmem>>, vector<16xf32>,
      tpu.vector_store %arg10[%swap3A_131, %swap3A_132], %add3A_130 {strides = array<i32>} : memref<32x1024xf32, #tpu.memory_space<vmem>>, vector<16xf32>,
      %get3A_134 = arith.index_cast %scan3A_44 : i32 to index
      %get3A_135 = arith.constant 144 : index
      %get3A_136 = tpu.vector_load %arg8[%get3A_134, %get3A_135] {strides = array<i32>} : memref<32x1024xf32, #tpu.memory_space<vmem>>, vector<16xf32>,
      %get3A_137 = arith.index_cast %scan3A_44 : i32 to index
      %get3A_138 = arith.constant 144 : index
      %get3A_139 = tpu.vector_load %arg9[%get3A_137, %get3A_138] {strides = array<i32>} : memref<32x1024xf32, #tpu.memory_space<vmem>>, vector<16xf32>,
      %add3A_140 = arith.addf %get3A_136, %get3A_139 : vector<16xf32>
      %swap3A_141 = arith.index_cast %scan3A_44 : i32 to index
      %swap3A_142 = arith.constant 144 : index
      %swap3A_143 = tpu.vector_load %arg10[%swap3A_141, %swap3A_142] {strides = array<i32>} : memref<32x1024xf32, #tpu.memory_space<vmem>>, vector<16xf32>,
      tpu.vector_store %arg10[%swap3A_141, %swap3A_142], %add3A_140 {strides = array<i32>} : memref<32x1024xf32, #tpu.memory_space<vmem>>, vector<16xf32>,
      %get3A_144 = arith.index_cast %scan3A_44 : i32 to index
      %get3A_145 = arith.constant 160 : index
      %get3A_146 = tpu.vector_load %arg8[%get3A_144, %get3A_145] {strides = array<i32>} : memref<32x1024xf32, #tpu.memory_space<vmem>>, vector<16xf32>,
      %get3A_147 = arith.index_cast %scan3A_44 : i32 to index
      %get3A_148 = arith.constant 160 : index
      %get3A_149 = tpu.vector_load %arg9[%get3A_147, %get3A_148] {strides = array<i32>} : memref<32x1024xf32, #tpu.memory_space<vmem>>, vector<16xf32>,
      %add3A_150 = arith.addf %get3A_146, %get3A_149 : vector<16xf32>
      %swap3A_151 = arith.index_cast %scan3A_44 : i32 to index
      %swap3A_152 = arith.constant 160 : index
      %swap3A_153 = tpu.vector_load %arg10[%swap3A_151, %swap3A_152] {strides = array<i32>} : memref<32x1024xf32, #tpu.memory_space<vmem>>, vector<16xf32>,
      tpu.vector_store %arg10[%swap3A_151, %swap3A_152], %add3A_150 {strides = array<i32>} : memref<32x1024xf32, #tpu.memory_space<vmem>>, vector<16xf32>,
      %get3A_154 = arith.index_cast %scan3A_44 : i32 to index
      %get3A_155 = arith.constant 176 : index
      %get3A_156 = tpu.vector_load %arg8[%get3A_154, %get3A_155] {strides = array<i32>} : memref<32x1024xf32, #tpu.memory_space<vmem>>, vector<16xf32>,
      %get3A_157 = arith.index_cast %scan3A_44 : i32 to index
      %get3A_158 = arith.constant 176 : index
      %get3A_159 = tpu.vector_load %arg9[%get3A_157, %get3A_158] {strides = array<i32>} : memref<32x1024xf32, #tpu.memory_space<vmem>>, vector<16xf32>,
      %add3A_160 = arith.addf %get3A_156, %get3A_159 : vector<16xf32>
      %swap3A_161 = arith.index_cast %scan3A_44 : i32 to index
      %swap3A_162 = arith.constant 176 : index
      %swap3A_163 = tpu.vector_load %arg10[%swap3A_161, %swap3A_162] {strides = array<i32>} : memref<32x1024xf32, #tpu.memory_space<vmem>>, vector<16xf32>,
      tpu.vector_store %arg10[%swap3A_161, %swap3A_162], %add3A_160 {strides = array<i32>} : memref<32x1024xf32, #tpu.memory_space<vmem>>, vector<16xf32>,
      %get3A_164 = arith.index_cast %scan3A_44 : i32 to index
      %get3A_165 = arith.constant 192 : index
      %get3A_166 = tpu.vector_load %arg8[%get3A_164, %get3A_165] {strides = array<i32>} : memref<32x1024xf32, #tpu.memory_space<vmem>>, vector<16xf32>,
      %get3A_167 = arith.index_cast %scan3A_44 : i32 to index
      %get3A_168 = arith.constant 192 : index
      %get3A_169 = tpu.vector_load %arg9[%get3A_167, %get3A_168] {strides = array<i32>} : memref<32x1024xf32, #tpu.memory_space<vmem>>, vector<16xf32>,
      %add3A_170 = arith.addf %get3A_166, %get3A_169 : vector<16xf32>
      %swap3A_171 = arith.index_cast %scan3A_44 : i32 to index
      %swap3A_172 = arith.constant 192 : index
      %swap3A_173 = tpu.vector_load %arg10[%swap3A_171, %swap3A_172] {strides = array<i32>} : memref<32x1024xf32, #tpu.memory_space<vmem>>, vector<16xf32>,
      tpu.vector_store %arg10[%swap3A_171, %swap3A_172], %add3A_170 {strides = array<i32>} : memref<32x1024xf32, #tpu.memory_space<vmem>>, vector<16xf32>,
      %get3A_174 = arith.index_cast %scan3A_44 : i32 to index
      %get3A_175 = arith.constant 208 : index
      %get3A_176 = tpu.vector_load %arg8[%get3A_174, %get3A_175] {strides = array<i32>} : memref<32x1024xf32, #tpu.memory_space<vmem>>, vector<16xf32>,
      %get3A_177 = arith.index_cast %scan3A_44 : i32 to index
      %get3A_178 = arith.constant 208 : index
      %get3A_179 = tpu.vector_load %arg9[%get3A_177, %get3A_178] {strides = array<i32>} : memref<32x1024xf32, #tpu.memory_space<vmem>>, vector<16xf32>,
      %add3A_180 = arith.addf %get3A_176, %get3A_179 : vector<16xf32>
      %swap3A_181 = arith.index_cast %scan3A_44 : i32 to index
      %swap3A_182 = arith.constant 208 : index
      %swap3A_183 = tpu.vector_load %arg10[%swap3A_181, %swap3A_182] {strides = array<i32>} : memref<32x1024xf32, #tpu.memory_space<vmem>>, vector<16xf32>,
      tpu.vector_store %arg10[%swap3A_181, %swap3A_182], %add3A_180 {strides = array<i32>} : memref<32x1024xf32, #tpu.memory_space<vmem>>, vector<16xf32>,
      %get3A_184 = arith.index_cast %scan3A_44 : i32 to index
      %get3A_185 = arith.constant 224 : index
      %get3A_186 = tpu.vector_load %arg8[%get3A_184, %get3A_185] {strides = array<i32>} : memref<32x1024xf32, #tpu.memory_space<vmem>>, vector<16xf32>,
      %get3A_187 = arith.index_cast %scan3A_44 : i32 to index
      %get3A_188 = arith.constant 224 : index
      %get3A_189 = tpu.vector_load %arg9[%get3A_187, %get3A_188] {strides = array<i32>} : memref<32x1024xf32, #tpu.memory_space<vmem>>, vector<16xf32>,
      %add3A_190 = arith.addf %get3A_186, %get3A_189 : vector<16xf32>
      %swap3A_191 = arith.index_cast %scan3A_44 : i32 to index
      %swap3A_192 = arith.constant 224 : index
      %swap3A_193 = tpu.vector_load %arg10[%swap3A_191, %swap3A_192] {strides = array<i32>} : memref<32x1024xf32, #tpu.memory_space<vmem>>, vector<16xf32>,
      tpu.vector_store %arg10[%swap3A_191, %swap3A_192], %add3A_190 {strides = array<i32>} : memref<32x1024xf32, #tpu.memory_space<vmem>>, vector<16xf32>,
      %get3A_194 = arith.index_cast %scan3A_44 : i32 to index
      %get3A_195 = arith.constant 240 : index
      %get3A_196 = tpu.vector_load %arg8[%get3A_194, %get3A_195] {strides = array<i32>} : memref<32x1024xf32, #tpu.memory_space<vmem>>, vector<16xf32>,
      %get3A_197 = arith.index_cast %scan3A_44 : i32 to index
      %get3A_198 = arith.constant 240 : index
      %get3A_199 = tpu.vector_load %arg9[%get3A_197, %get3A_198] {strides = array<i32>} : memref<32x1024xf32, #tpu.memory_space<vmem>>, vector<16xf32>,
      %add3A_200 = arith.addf %get3A_196, %get3A_199 : vector<16xf32>
      %swap3A_201 = arith.index_cast %scan3A_44 : i32 to index
      %swap3A_202 = arith.constant 240 : index
      %swap3A_203 = tpu.vector_load %arg10[%swap3A_201, %swap3A_202] {strides = array<i32>} : memref<32x1024xf32, #tpu.memory_space<vmem>>, vector<16xf32>,
      tpu.vector_store %arg10[%swap3A_201, %swap3A_202], %add3A_200 {strides = array<i32>} : memref<32x1024xf32, #tpu.memory_space<vmem>>, vector<16xf32>,
      %get3A_204 = arith.index_cast %scan3A_44 : i32 to index
      %get3A_205 = arith.constant 256 : index
      %get3A_206 = tpu.vector_load %arg8[%get3A_204, %get3A_205] {strides = array<i32>} : memref<32x1024xf32, #tpu.memory_space<vmem>>, vector<16xf32>,
      %get3A_207 = arith.index_cast %scan3A_44 : i32 to index
      %get3A_208 = arith.constant 256 : index
      %get3A_209 = tpu.vector_load %arg9[%get3A_207, %get3A_208] {strides = array<i32>} : memref<32x1024xf32, #tpu.memory_space<vmem>>, vector<16xf32>,
      %add3A_210 = arith.addf %get3A_206, %get3A_209 : vector<16xf32>
      %swap3A_211 = arith.index_cast %scan3A_44 : i32 to index
      %swap3A_212 = arith.constant 256 : index
      %swap3A_213 = tpu.vector_load %arg10[%swap3A_211, %swap3A_212] {strides = array<i32>} : memref<32x1024xf32, #tpu.memory_space<vmem>>, vector<16xf32>,
      tpu.vector_store %arg10[%swap3A_211, %swap3A_212], %add3A_210 {strides = array<i32>} : memref<32x1024xf32, #tpu.memory_space<vmem>>, vector<16xf32>,
      %get3A_214 = arith.index_cast %scan3A_44 : i32 to index
      %get3A_215 = arith.constant 272 : index
      %get3A_216 = tpu.vector_load %arg8[%get3A_214, %get3A_215] {strides = array<i32>} : memref<32x1024xf32, #tpu.memory_space<vmem>>, vector<16xf32>,
      %get3A_217 = arith.index_cast %scan3A_44 : i32 to index
      %get3A_218 = arith.constant 272 : index
      %get3A_219 = tpu.vector_load %arg9[%get3A_217, %get3A_218] {strides = array<i32>} : memref<32x1024xf32, #tpu.memory_space<vmem>>, vector<16xf32>,
      %add3A_220 = arith.addf %get3A_216, %get3A_219 : vector<16xf32>
      %swap3A_221 = arith.index_cast %scan3A_44 : i32 to index
      %swap3A_222 = arith.constant 272 : index
      %swap3A_223 = tpu.vector_load %arg10[%swap3A_221, %swap3A_222] {strides = array<i32>} : memref<32x1024xf32, #tpu.memory_space<vmem>>, vector<16xf32>,
      tpu.vector_store %arg10[%swap3A_221, %swap3A_222], %add3A_220 {strides = array<i32>} : memref<32x1024xf32, #tpu.memory_space<vmem>>, vector<16xf32>,
      %get3A_224 = arith.index_cast %scan3A_44 : i32 to index
      %get3A_225 = arith.constant 288 : index
      %get3A_226 = tpu.vector_load %arg8[%get3A_224, %get3A_225] {strides = array<i32>} : memref<32x1024xf32, #tpu.memory_space<vmem>>, vector<16xf32>,
      %get3A_227 = arith.index_cast %scan3A_44 : i32 to index
      %get3A_228 = arith.constant 288 : index
      %get3A_229 = tpu.vector_load %arg9[%get3A_227, %get3A_228] {strides = array<i32>} : memref<32x1024xf32, #tpu.memory_space<vmem>>, vector<16xf32>,
      %add3A_230 = arith.addf %get3A_226, %get3A_229 : vector<16xf32>
      %swap3A_231 = arith.index_cast %scan3A_44 : i32 to index
      %swap3A_232 = arith.constant 288 : index
      %swap3A_233 = tpu.vector_load %arg10[%swap3A_231, %swap3A_232] {strides = array<i32>} : memref<32x1024xf32, #tpu.memory_space<vmem>>, vector<16xf32>,
      tpu.vector_store %arg10[%swap3A_231, %swap3A_232], %add3A_230 {strides = array<i32>} : memref<32x1024xf32, #tpu.memory_space<vmem>>, vector<16xf32>,
      %get3A_234 = arith.index_cast %scan3A_44 : i32 to index
      %get3A_235 = arith.constant 304 : index
      %get3A_236 = tpu.vector_load %arg8[%get3A_234, %get3A_235] {strides = array<i32>} : memref<32x1024xf32, #tpu.memory_space<vmem>>, vector<16xf32>,
      %get3A_237 = arith.index_cast %scan3A_44 : i32 to index
      %get3A_238 = arith.constant 304 : index
      %get3A_239 = tpu.vector_load %arg9[%get3A_237, %get3A_238] {strides = array<i32>} : memref<32x1024xf32, #tpu.memory_space<vmem>>, vector<16xf32>,
      %add3A_240 = arith.addf %get3A_236, %get3A_239 : vector<16xf32>
      %swap3A_241 = arith.index_cast %scan3A_44 : i32 to index
      %swap3A_242 = arith.constant 304 : index
      %swap3A_243 = tpu.vector_load %arg10[%swap3A_241, %swap3A_242] {strides = array<i32>} : memref<32x1024xf32, #tpu.memory_space<vmem>>, vector<16xf32>,
      tpu.vector_store %arg10[%swap3A_241, %swap3A_242], %add3A_240 {strides = array<i32>} : memref<32x1024xf32, #tpu.memory_space<vmem>>, vector<16xf32>,
      %get3A_244 = arith.index_cast %scan3A_44 : i32 to index
      %get3A_245 = arith.constant 320 : index
      %get3A_246 = tpu.vector_load %arg8[%get3A_244, %get3A_245] {strides = array<i32>} : memref<32x1024xf32, #tpu.memory_space<vmem>>, vector<16xf32>,
      %get3A_247 = arith.index_cast %scan3A_44 : i32 to index
      %get3A_248 = arith.constant 320 : index
      %get3A_249 = tpu.vector_load %arg9[%get3A_247, %get3A_248] {strides = array<i32>} : memref<32x1024xf32, #tpu.memory_space<vmem>>, vector<16xf32>,
      %add3A_250 = arith.addf %get3A_246, %get3A_249 : vector<16xf32>
      %swap3A_251 = arith.index_cast %scan3A_44 : i32 to index
      %swap3A_252 = arith.constant 320 : index
      %swap3A_253 = tpu.vector_load %arg10[%swap3A_251, %swap3A_252] {strides = array<i32>} : memref<32x1024xf32, #tpu.memory_space<vmem>>, vector<16xf32>,
      tpu.vector_store %arg10[%swap3A_251, %swap3A_252], %add3A_250 {strides = array<i32>} : memref<32x1024xf32, #tpu.memory_space<vmem>>, vector<16xf32>,
      %get3A_254 = arith.index_cast %scan3A_44 : i32 to index
      %get3A_255 = arith.constant 336 : index
      %get3A_256 = tpu.vector_load %arg8[%get3A_254, %get3A_255] {strides = array<i32>} : memref<32x1024xf32, #tpu.memory_space<vmem>>, vector<16xf32>,
      %get3A_257 = arith.index_cast %scan3A_44 : i32 to index
      %get3A_258 = arith.constant 336 : index
      %get3A_259 = tpu.vector_load %arg9[%get3A_257, %get3A_258] {strides = array<i32>} : memref<32x1024xf32, #tpu.memory_space<vmem>>, vector<16xf32>,
      %add3A_260 = arith.addf %get3A_256, %get3A_259 : vector<16xf32>
      %swap3A_261 = arith.index_cast %scan3A_44 : i32 to index
      %swap3A_262 = arith.constant 336 : index
      %swap3A_263 = tpu.vector_load %arg10[%swap3A_261, %swap3A_262] {strides = array<i32>} : memref<32x1024xf32, #tpu.memory_space<vmem>>, vector<16xf32>,
      tpu.vector_store %arg10[%swap3A_261, %swap3A_262], %add3A_260 {strides = array<i32>} : memref<32x1024xf32, #tpu.memory_space<vmem>>, vector<16xf32>,
      %get3A_264 = arith.index_cast %scan3A_44 : i32 to index
      %get3A_265 = arith.constant 352 : index
      %get3A_266 = tpu.vector_load %arg8[%get3A_264, %get3A_265] {strides = array<i32>} : memref<32x1024xf32, #tpu.memory_space<vmem>>, vector<16xf32>,
      %get3A_267 = arith.index_cast %scan3A_44 : i32 to index
      %get3A_268 = arith.constant 352 : index
      %get3A_269 = tpu.vector_load %arg9[%get3A_267, %get3A_268] {strides = array<i32>} : memref<32x1024xf32, #tpu.memory_space<vmem>>, vector<16xf32>,
      %add3A_270 = arith.addf %get3A_266, %get3A_269 : vector<16xf32>
      %swap3A_271 = arith.index_cast %scan3A_44 : i32 to index
      %swap3A_272 = arith.constant 352 : index
      %swap3A_273 = tpu.vector_load %arg10[%swap3A_271, %swap3A_272] {strides = array<i32>} : memref<32x1024xf32, #tpu.memory_space<vmem>>, vector<16xf32>,
      tpu.vector_store %arg10[%swap3A_271, %swap3A_272], %add3A_270 {strides = array<i32>} : memref<32x1024xf32, #tpu.memory_space<vmem>>, vector<16xf32>,
      %get3A_274 = arith.index_cast %scan3A_44 : i32 to index
      %get3A_275 = arith.constant 368 : index
      %get3A_276 = tpu.vector_load %arg8[%get3A_274, %get3A_275] {strides = array<i32>} : memref<32x1024xf32, #tpu.memory_space<vmem>>, vector<16xf32>,
      %get3A_277 = arith.index_cast %scan3A_44 : i32 to index
      %get3A_278 = arith.constant 368 : index
      %get3A_279 = tpu.vector_load %arg9[%get3A_277, %get3A_278] {strides = array<i32>} : memref<32x1024xf32, #tpu.memory_space<vmem>>, vector<16xf32>,
      %add3A_280 = arith.addf %get3A_276, %get3A_279 : vector<16xf32>
      %swap3A_281 = arith.index_cast %scan3A_44 : i32 to index
      %swap3A_282 = arith.constant 368 : index
      %swap3A_283 = tpu.vector_load %arg10[%swap3A_281, %swap3A_282] {strides = array<i32>} : memref<32x1024xf32, #tpu.memory_space<vmem>>, vector<16xf32>,
      tpu.vector_store %arg10[%swap3A_281, %swap3A_282], %add3A_280 {strides = array<i32>} : memref<32x1024xf32, #tpu.memory_space<vmem>>, vector<16xf32>,
      %get3A_284 = arith.index_cast %scan3A_44 : i32 to index
      %get3A_285 = arith.constant 384 : index
      %get3A_286 = tpu.vector_load %arg8[%get3A_284, %get3A_285] {strides = array<i32>} : memref<32x1024xf32, #tpu.memory_space<vmem>>, vector<16xf32>,
      %get3A_287 = arith.index_cast %scan3A_44 : i32 to index
      %get3A_288 = arith.constant 384 : index
      %get3A_289 = tpu.vector_load %arg9[%get3A_287, %get3A_288] {strides = array<i32>} : memref<32x1024xf32, #tpu.memory_space<vmem>>, vector<16xf32>,
      %add3A_290 = arith.addf %get3A_286, %get3A_289 : vector<16xf32>
      %swap3A_291 = arith.index_cast %scan3A_44 : i32 to index
      %swap3A_292 = arith.constant 384 : index
      %swap3A_293 = tpu.vector_load %arg10[%swap3A_291, %swap3A_292] {strides = array<i32>} : memref<32x1024xf32, #tpu.memory_space<vmem>>, vector<16xf32>,
      tpu.vector_store %arg10[%swap3A_291, %swap3A_292], %add3A_290 {strides = array<i32>} : memref<32x1024xf32, #tpu.memory_space<vmem>>, vector<16xf32>,
      %get3A_294 = arith.index_cast %scan3A_44 : i32 to index
      %get3A_295 = arith.constant 400 : index
      %get3A_296 = tpu.vector_load %arg8[%get3A_294, %get3A_295] {strides = array<i32>} : memref<32x1024xf32, #tpu.memory_space<vmem>>, vector<16xf32>,
      %get3A_297 = arith.index_cast %scan3A_44 : i32 to index
      %get3A_298 = arith.constant 400 : index
      %get3A_299 = tpu.vector_load %arg9[%get3A_297, %get3A_298] {strides = array<i32>} : memref<32x1024xf32, #tpu.memory_space<vmem>>, vector<16xf32>,
      %add3A_300 = arith.addf %get3A_296, %get3A_299 : vector<16xf32>
      %swap3A_301 = arith.index_cast %scan3A_44 : i32 to index
      %swap3A_302 = arith.constant 400 : index
      %swap3A_303 = tpu.vector_load %arg10[%swap3A_301, %swap3A_302] {strides = array<i32>} : memref<32x1024xf32, #tpu.memory_space<vmem>>, vector<16xf32>,
      tpu.vector_store %arg10[%swap3A_301, %swap3A_302], %add3A_300 {strides = array<i32>} : memref<32x1024xf32, #tpu.memory_space<vmem>>, vector<16xf32>,
      %get3A_304 = arith.index_cast %scan3A_44 : i32 to index
      %get3A_305 = arith.constant 416 : index
      %get3A_306 = tpu.vector_load %arg8[%get3A_304, %get3A_305] {strides = array<i32>} : memref<32x1024xf32, #tpu.memory_space<vmem>>, vector<16xf32>,
      %get3A_307 = arith.index_cast %scan3A_44 : i32 to index
      %get3A_308 = arith.constant 416 : index
      %get3A_309 = tpu.vector_load %arg9[%get3A_307, %get3A_308] {strides = array<i32>} : memref<32x1024xf32, #tpu.memory_space<vmem>>, vector<16xf32>,
      %add3A_310 = arith.addf %get3A_306, %get3A_309 : vector<16xf32>
      %swap3A_311 = arith.index_cast %scan3A_44 : i32 to index
      %swap3A_312 = arith.constant 416 : index
      %swap3A_313 = tpu.vector_load %arg10[%swap3A_311, %swap3A_312] {strides = array<i32>} : memref<32x1024xf32, #tpu.memory_space<vmem>>, vector<16xf32>,
      tpu.vector_store %arg10[%swap3A_311, %swap3A_312], %add3A_310 {strides = array<i32>} : memref<32x1024xf32, #tpu.memory_space<vmem>>, vector<16xf32>,
      %get3A_314 = arith.index_cast %scan3A_44 : i32 to index
      %get3A_315 = arith.constant 432 : index
      %get3A_316 = tpu.vector_load %arg8[%get3A_314, %get3A_315] {strides = array<i32>} : memref<32x1024xf32, #tpu.memory_space<vmem>>, vector<16xf32>,
      %get3A_317 = arith.index_cast %scan3A_44 : i32 to index
      %get3A_318 = arith.constant 432 : index
      %get3A_319 = tpu.vector_load %arg9[%get3A_317, %get3A_318] {strides = array<i32>} : memref<32x1024xf32, #tpu.memory_space<vmem>>, vector<16xf32>,
      %add3A_320 = arith.addf %get3A_316, %get3A_319 : vector<16xf32>
      %swap3A_321 = arith.index_cast %scan3A_44 : i32 to index
      %swap3A_322 = arith.constant 432 : index
      %swap3A_323 = tpu.vector_load %arg10[%swap3A_321, %swap3A_322] {strides = array<i32>} : memref<32x1024xf32, #tpu.memory_space<vmem>>, vector<16xf32>,
      tpu.vector_store %arg10[%swap3A_321, %swap3A_322], %add3A_320 {strides = array<i32>} : memref<32x1024xf32, #tpu.memory_space<vmem>>, vector<16xf32>,
      %get3A_324 = arith.index_cast %scan3A_44 : i32 to index
      %get3A_325 = arith.constant 448 : index
      %get3A_326 = tpu.vector_load %arg8[%get3A_324, %get3A_325] {strides = array<i32>} : memref<32x1024xf32, #tpu.memory_space<vmem>>, vector<16xf32>,
      %get3A_327 = arith.index_cast %scan3A_44 : i32 to index
      %get3A_328 = arith.constant 448 : index
      %get3A_329 = tpu.vector_load %arg9[%get3A_327, %get3A_328] {strides = array<i32>} : memref<32x1024xf32, #tpu.memory_space<vmem>>, vector<16xf32>,
      %add3A_330 = arith.addf %get3A_326, %get3A_329 : vector<16xf32>
      %swap3A_331 = arith.index_cast %scan3A_44 : i32 to index
      %swap3A_332 = arith.constant 448 : index
      %swap3A_333 = tpu.vector_load %arg10[%swap3A_331, %swap3A_332] {strides = array<i32>} : memref<32x1024xf32, #tpu.memory_space<vmem>>, vector<16xf32>,
      tpu.vector_store %arg10[%swap3A_331, %swap3A_332], %add3A_330 {strides = array<i32>} : memref<32x1024xf32, #tpu.memory_space<vmem>>, vector<16xf32>,
      %get3A_334 = arith.index_cast %scan3A_44 : i32 to index
      %get3A_335 = arith.constant 464 : index
      %get3A_336 = tpu.vector_load %arg8[%get3A_334, %get3A_335] {strides = array<i32>} : memref<32x1024xf32, #tpu.memory_space<vmem>>, vector<16xf32>,
      %get3A_337 = arith.index_cast %scan3A_44 : i32 to index
      %get3A_338 = arith.constant 464 : index
      %get3A_339 = tpu.vector_load %arg9[%get3A_337, %get3A_338] {strides = array<i32>} : memref<32x1024xf32, #tpu.memory_space<vmem>>, vector<16xf32>,
      %add3A_340 = arith.addf %get3A_336, %get3A_339 : vector<16xf32>
      %swap3A_341 = arith.index_cast %scan3A_44 : i32 to index
      %swap3A_342 = arith.constant 464 : index
      %swap3A_343 = tpu.vector_load %arg10[%swap3A_341, %swap3A_342] {strides = array<i32>} : memref<32x1024xf32, #tpu.memory_space<vmem>>, vector<16xf32>,
      tpu.vector_store %arg10[%swap3A_341, %swap3A_342], %add3A_340 {strides = array<i32>} : memref<32x1024xf32, #tpu.memory_space<vmem>>, vector<16xf32>,
      %get3A_344 = arith.index_cast %scan3A_44 : i32 to index
      %get3A_345 = arith.constant 480 : index
      %get3A_346 = tpu.vector_load %arg8[%get3A_344, %get3A_345] {strides = array<i32>} : memref<32x1024xf32, #tpu.memory_space<vmem>>, vector<16xf32>,
      %get3A_347 = arith.index_cast %scan3A_44 : i32 to index
      %get3A_348 = arith.constant 480 : index
      %get3A_349 = tpu.vector_load %arg9[%get3A_347, %get3A_348] {strides = array<i32>} : memref<32x1024xf32, #tpu.memory_space<vmem>>, vector<16xf32>,
      %add3A_350 = arith.addf %get3A_346, %get3A_349 : vector<16xf32>
      %swap3A_351 = arith.index_cast %scan3A_44 : i32 to index
      %swap3A_352 = arith.constant 480 : index
      %swap3A_353 = tpu.vector_load %arg10[%swap3A_351, %swap3A_352] {strides = array<i32>} : memref<32x1024xf32, #tpu.memory_space<vmem>>, vector<16xf32>,
      tpu.vector_store %arg10[%swap3A_351, %swap3A_352], %add3A_350 {strides = array<i32>} : memref<32x1024xf32, #tpu.memory_space<vmem>>, vector<16xf32>,
      %get3A_354 = arith.index_cast %scan3A_44 : i32 to index
      %get3A_355 = arith.constant 496 : index
      %get3A_356 = tpu.vector_load %arg8[%get3A_354, %get3A_355] {strides = array<i32>} : memref<32x1024xf32, #tpu.memory_space<vmem>>, vector<16xf32>,
      %get3A_357 = arith.index_cast %scan3A_44 : i32 to index
      %get3A_358 = arith.constant 496 : index
      %get3A_359 = tpu.vector_load %arg9[%get3A_357, %get3A_358] {strides = array<i32>} : memref<32x1024xf32, #tpu.memory_space<vmem>>, vector<16xf32>,
      %add3A_360 = arith.addf %get3A_356, %get3A_359 : vector<16xf32>
      %swap3A_361 = arith.index_cast %scan3A_44 : i32 to index
      %swap3A_362 = arith.constant 496 : index
      %swap3A_363 = tpu.vector_load %arg10[%swap3A_361, %swap3A_362] {strides = array<i32>} : memref<32x1024xf32, #tpu.memory_space<vmem>>, vector<16xf32>,
      tpu.vector_store %arg10[%swap3A_361, %swap3A_362], %add3A_360 {strides = array<i32>} : memref<32x1024xf32, #tpu.memory_space<vmem>>, vector<16xf32>,
      %get3A_364 = arith.index_cast %scan3A_44 : i32 to index
      %get3A_365 = arith.constant 512 : index
      %get3A_366 = tpu.vector_load %arg8[%get3A_364, %get3A_365] {strides = array<i32>} : memref<32x1024xf32, #tpu.memory_space<vmem>>, vector<16xf32>,
      %get3A_367 = arith.index_cast %scan3A_44 : i32 to index
      %get3A_368 = arith.constant 512 : index
      %get3A_369 = tpu.vector_load %arg9[%get3A_367, %get3A_368] {strides = array<i32>} : memref<32x1024xf32, #tpu.memory_space<vmem>>, vector<16xf32>,
      %add3A_370 = arith.addf %get3A_366, %get3A_369 : vector<16xf32>
      %swap3A_371 = arith.index_cast %scan3A_44 : i32 to index
      %swap3A_372 = arith.constant 512 : index
      %swap3A_373 = tpu.vector_load %arg10[%swap3A_371, %swap3A_372] {strides = array<i32>} : memref<32x1024xf32, #tpu.memory_space<vmem>>, vector<16xf32>,
      tpu.vector_store %arg10[%swap3A_371, %swap3A_372], %add3A_370 {strides = array<i32>} : memref<32x1024xf32, #tpu.memory_space<vmem>>, vector<16xf32>,
      %get3A_374 = arith.index_cast %scan3A_44 : i32 to index
      %get3A_375 = arith.constant 528 : index
      %get3A_376 = tpu.vector_load %arg8[%get3A_374, %get3A_375] {strides = array<i32>} : memref<32x1024xf32, #tpu.memory_space<vmem>>, vector<16xf32>,
      %get3A_377 = arith.index_cast %scan3A_44 : i32 to index
      %get3A_378 = arith.constant 528 : index
      %get3A_379 = tpu.vector_load %arg9[%get3A_377, %get3A_378] {strides = array<i32>} : memref<32x1024xf32, #tpu.memory_space<vmem>>, vector<16xf32>,
      %add3A_380 = arith.addf %get3A_376, %get3A_379 : vector<16xf32>
      %swap3A_381 = arith.index_cast %scan3A_44 : i32 to index
      %swap3A_382 = arith.constant 528 : index
      %swap3A_383 = tpu.vector_load %arg10[%swap3A_381, %swap3A_382] {strides = array<i32>} : memref<32x1024xf32, #tpu.memory_space<vmem>>, vector<16xf32>,
      tpu.vector_store %arg10[%swap3A_381, %swap3A_382], %add3A_380 {strides = array<i32>} : memref<32x1024xf32, #tpu.memory_space<vmem>>, vector<16xf32>,
      %get3A_384 = arith.index_cast %scan3A_44 : i32 to index
      %get3A_385 = arith.constant 544 : index
      %get3A_386 = tpu.vector_load %arg8[%get3A_384, %get3A_385] {strides = array<i32>} : memref<32x1024xf32, #tpu.memory_space<vmem>>, vector<16xf32>,
      %get3A_387 = arith.index_cast %scan3A_44 : i32 to index
      %get3A_388 = arith.constant 544 : index
      %get3A_389 = tpu.vector_load %arg9[%get3A_387, %get3A_388] {strides = array<i32>} : memref<32x1024xf32, #tpu.memory_space<vmem>>, vector<16xf32>,
      %add3A_390 = arith.addf %get3A_386, %get3A_389 : vector<16xf32>
      %swap3A_391 = arith.index_cast %scan3A_44 : i32 to index
      %swap3A_392 = arith.constant 544 : index
      %swap3A_393 = tpu.vector_load %arg10[%swap3A_391, %swap3A_392] {strides = array<i32>} : memref<32x1024xf32, #tpu.memory_space<vmem>>, vector<16xf32>,
      tpu.vector_store %arg10[%swap3A_391, %swap3A_392], %add3A_390 {strides = array<i32>} : memref<32x1024xf32, #tpu.memory_space<vmem>>, vector<16xf32>,
      %get3A_394 = arith.index_cast %scan3A_44 : i32 to index
      %get3A_395 = arith.constant 560 : index
      %get3A_396 = tpu.vector_load %arg8[%get3A_394, %get3A_395] {strides = array<i32>} : memref<32x1024xf32, #tpu.memory_space<vmem>>, vector<16xf32>,
      %get3A_397 = arith.index_cast %scan3A_44 : i32 to index
      %get3A_398 = arith.constant 560 : index
      %get3A_399 = tpu.vector_load %arg9[%get3A_397, %get3A_398] {strides = array<i32>} : memref<32x1024xf32, #tpu.memory_space<vmem>>, vector<16xf32>,
      %add3A_400 = arith.addf %get3A_396, %get3A_399 : vector<16xf32>
      %swap3A_401 = arith.index_cast %scan3A_44 : i32 to index
      %swap3A_402 = arith.constant 560 : index
      %swap3A_403 = tpu.vector_load %arg10[%swap3A_401, %swap3A_402] {strides = array<i32>} : memref<32x1024xf32, #tpu.memory_space<vmem>>, vector<16xf32>,
      tpu.vector_store %arg10[%swap3A_401, %swap3A_402], %add3A_400 {strides = array<i32>} : memref<32x1024xf32, #tpu.memory_space<vmem>>, vector<16xf32>,
      %get3A_404 = arith.index_cast %scan3A_44 : i32 to index
      %get3A_405 = arith.constant 576 : index
      %get3A_406 = tpu.vector_load %arg8[%get3A_404, %get3A_405] {strides = array<i32>} : memref<32x1024xf32, #tpu.memory_space<vmem>>, vector<16xf32>,
      %get3A_407 = arith.index_cast %scan3A_44 : i32 to index
      %get3A_408 = arith.constant 576 : index
      %get3A_409 = tpu.vector_load %arg9[%get3A_407, %get3A_408] {strides = array<i32>} : memref<32x1024xf32, #tpu.memory_space<vmem>>, vector<16xf32>,
      %add3A_410 = arith.addf %get3A_406, %get3A_409 : vector<16xf32>
      %swap3A_411 = arith.index_cast %scan3A_44 : i32 to index
      %swap3A_412 = arith.constant 576 : index
      %swap3A_413 = tpu.vector_load %arg10[%swap3A_411, %swap3A_412] {strides = array<i32>} : memref<32x1024xf32, #tpu.memory_space<vmem>>, vector<16xf32>,
      tpu.vector_store %arg10[%swap3A_411, %swap3A_412], %add3A_410 {strides = array<i32>} : memref<32x1024xf32, #tpu.memory_space<vmem>>, vector<16xf32>,
      %get3A_414 = arith.index_cast %scan3A_44 : i32 to index
      %get3A_415 = arith.constant 592 : index
      %get3A_416 = tpu.vector_load %arg8[%get3A_414, %get3A_415] {strides = array<i32>} : memref<32x1024xf32, #tpu.memory_space<vmem>>, vector<16xf32>,
      %get3A_417 = arith.index_cast %scan3A_44 : i32 to index
      %get3A_418 = arith.constant 592 : index
      %get3A_419 = tpu.vector_load %arg9[%get3A_417, %get3A_418] {strides = array<i32>} : memref<32x1024xf32, #tpu.memory_space<vmem>>, vector<16xf32>,
      %add3A_420 = arith.addf %get3A_416, %get3A_419 : vector<16xf32>
      %swap3A_421 = arith.index_cast %scan3A_44 : i32 to index
      %swap3A_422 = arith.constant 592 : index
      %swap3A_423 = tpu.vector_load %arg10[%swap3A_421, %swap3A_422] {strides = array<i32>} : memref<32x1024xf32, #tpu.memory_space<vmem>>, vector<16xf32>,
      tpu.vector_store %arg10[%swap3A_421, %swap3A_422], %add3A_420 {strides = array<i32>} : memref<32x1024xf32, #tpu.memory_space<vmem>>, vector<16xf32>,
      %get3A_424 = arith.index_cast %scan3A_44 : i32 to index
      %get3A_425 = arith.constant 608 : index
      %get3A_426 = tpu.vector_load %arg8[%get3A_424, %get3A_425] {strides = array<i32>} : memref<32x1024xf32, #tpu.memory_space<vmem>>, vector<16xf32>,
      %get3A_427 = arith.index_cast %scan3A_44 : i32 to index
      %get3A_428 = arith.constant 608 : index
      %get3A_429 = tpu.vector_load %arg9[%get3A_427, %get3A_428] {strides = array<i32>} : memref<32x1024xf32, #tpu.memory_space<vmem>>, vector<16xf32>,
      %add3A_430 = arith.addf %get3A_426, %get3A_429 : vector<16xf32>
      %swap3A_431 = arith.index_cast %scan3A_44 : i32 to index
      %swap3A_432 = arith.constant 608 : index
      %swap3A_433 = tpu.vector_load %arg10[%swap3A_431, %swap3A_432] {strides = array<i32>} : memref<32x1024xf32, #tpu.memory_space<vmem>>, vector<16xf32>,
      tpu.vector_store %arg10[%swap3A_431, %swap3A_432], %add3A_430 {strides = array<i32>} : memref<32x1024xf32, #tpu.memory_space<vmem>>, vector<16xf32>,
      %get3A_434 = arith.index_cast %scan3A_44 : i32 to index
      %get3A_435 = arith.constant 624 : index
      %get3A_436 = tpu.vector_load %arg8[%get3A_434, %get3A_435] {strides = array<i32>} : memref<32x1024xf32, #tpu.memory_space<vmem>>, vector<16xf32>,
      %get3A_437 = arith.index_cast %scan3A_44 : i32 to index
      %get3A_438 = arith.constant 624 : index
      %get3A_439 = tpu.vector_load %arg9[%get3A_437, %get3A_438] {strides = array<i32>} : memref<32x1024xf32, #tpu.memory_space<vmem>>, vector<16xf32>,
      %add3A_440 = arith.addf %get3A_436, %get3A_439 : vector<16xf32>
      %swap3A_441 = arith.index_cast %scan3A_44 : i32 to index
      %swap3A_442 = arith.constant 624 : index
      %swap3A_443 = tpu.vector_load %arg10[%swap3A_441, %swap3A_442] {strides = array<i32>} : memref<32x1024xf32, #tpu.memory_space<vmem>>, vector<16xf32>,
      tpu.vector_store %arg10[%swap3A_441, %swap3A_442], %add3A_440 {strides = array<i32>} : memref<32x1024xf32, #tpu.memory_space<vmem>>, vector<16xf32>,
      %get3A_444 = arith.index_cast %scan3A_44 : i32 to index
      %get3A_445 = arith.constant 640 : index
      %get3A_446 = tpu.vector_load %arg8[%get3A_444, %get3A_445] {strides = array<i32>} : memref<32x1024xf32, #tpu.memory_space<vmem>>, vector<16xf32>,
      %get3A_447 = arith.index_cast %scan3A_44 : i32 to index
      %get3A_448 = arith.constant 640 : index
      %get3A_449 = tpu.vector_load %arg9[%get3A_447, %get3A_448] {strides = array<i32>} : memref<32x1024xf32, #tpu.memory_space<vmem>>, vector<16xf32>,
      %add3A_450 = arith.addf %get3A_446, %get3A_449 : vector<16xf32>
      %swap3A_451 = arith.index_cast %scan3A_44 : i32 to index
      %swap3A_452 = arith.constant 640 : index
      %swap3A_453 = tpu.vector_load %arg10[%swap3A_451, %swap3A_452] {strides = array<i32>} : memref<32x1024xf32, #tpu.memory_space<vmem>>, vector<16xf32>,
      tpu.vector_store %arg10[%swap3A_451, %swap3A_452], %add3A_450 {strides = array<i32>} : memref<32x1024xf32, #tpu.memory_space<vmem>>, vector<16xf32>,
      %get3A_454 = arith.index_cast %scan3A_44 : i32 to index
      %get3A_455 = arith.constant 656 : index
      %get3A_456 = tpu.vector_load %arg8[%get3A_454, %get3A_455] {strides = array<i32>} : memref<32x1024xf32, #tpu.memory_space<vmem>>, vector<16xf32>,
      %get3A_457 = arith.index_cast %scan3A_44 : i32 to index
      %get3A_458 = arith.constant 656 : index
      %get3A_459 = tpu.vector_load %arg9[%get3A_457, %get3A_458] {strides = array<i32>} : memref<32x1024xf32, #tpu.memory_space<vmem>>, vector<16xf32>,
      %add3A_460 = arith.addf %get3A_456, %get3A_459 : vector<16xf32>
      %swap3A_461 = arith.index_cast %scan3A_44 : i32 to index
      %swap3A_462 = arith.constant 656 : index
      %swap3A_463 = tpu.vector_load %arg10[%swap3A_461, %swap3A_462] {strides = array<i32>} : memref<32x1024xf32, #tpu.memory_space<vmem>>, vector<16xf32>,
      tpu.vector_store %arg10[%swap3A_461, %swap3A_462], %add3A_460 {strides = array<i32>} : memref<32x1024xf32, #tpu.memory_space<vmem>>, vector<16xf32>,
      %get3A_464 = arith.index_cast %scan3A_44 : i32 to index
      %get3A_465 = arith.constant 672 : index
      %get3A_466 = tpu.vector_load %arg8[%get3A_464, %get3A_465] {strides = array<i32>} : memref<32x1024xf32, #tpu.memory_space<vmem>>, vector<16xf32>,
      %get3A_467 = arith.index_cast %scan3A_44 : i32 to index
      %get3A_468 = arith.constant 672 : index
      %get3A_469 = tpu.vector_load %arg9[%get3A_467, %get3A_468] {strides = array<i32>} : memref<32x1024xf32, #tpu.memory_space<vmem>>, vector<16xf32>,
      %add3A_470 = arith.addf %get3A_466, %get3A_469 : vector<16xf32>
      %swap3A_471 = arith.index_cast %scan3A_44 : i32 to index
      %swap3A_472 = arith.constant 672 : index
      %swap3A_473 = tpu.vector_load %arg10[%swap3A_471, %swap3A_472] {strides = array<i32>} : memref<32x1024xf32, #tpu.memory_space<vmem>>, vector<16xf32>,
      tpu.vector_store %arg10[%swap3A_471, %swap3A_472], %add3A_470 {strides = array<i32>} : memref<32x1024xf32, #tpu.memory_space<vmem>>, vector<16xf32>,
      %get3A_474 = arith.index_cast %scan3A_44 : i32 to index
      %get3A_475 = arith.constant 688 : index
      %get3A_476 = tpu.vector_load %arg8[%get3A_474, %get3A_475] {strides = array<i32>} : memref<32x1024xf32, #tpu.memory_space<vmem>>, vector<16xf32>,
      %get3A_477 = arith.index_cast %scan3A_44 : i32 to index
      %get3A_478 = arith.constant 688 : index
      %get3A_479 = tpu.vector_load %arg9[%get3A_477, %get3A_478] {strides = array<i32>} : memref<32x1024xf32, #tpu.memory_space<vmem>>, vector<16xf32>,
      %add3A_480 = arith.addf %get3A_476, %get3A_479 : vector<16xf32>
      %swap3A_481 = arith.index_cast %scan3A_44 : i32 to index
      %swap3A_482 = arith.constant 688 : index
      %swap3A_483 = tpu.vector_load %arg10[%swap3A_481, %swap3A_482] {strides = array<i32>} : memref<32x1024xf32, #tpu.memory_space<vmem>>, vector<16xf32>,
      tpu.vector_store %arg10[%swap3A_481, %swap3A_482], %add3A_480 {strides = array<i32>} : memref<32x1024xf32, #tpu.memory_space<vmem>>, vector<16xf32>,
      %get3A_484 = arith.index_cast %scan3A_44 : i32 to index
      %get3A_485 = arith.constant 704 : index
      %get3A_486 = tpu.vector_load %arg8[%get3A_484, %get3A_485] {strides = array<i32>} : memref<32x1024xf32, #tpu.memory_space<vmem>>, vector<16xf32>,
      %get3A_487 = arith.index_cast %scan3A_44 : i32 to index
      %get3A_488 = arith.constant 704 : index
      %get3A_489 = tpu.vector_load %arg9[%get3A_487, %get3A_488] {strides = array<i32>} : memref<32x1024xf32, #tpu.memory_space<vmem>>, vector<16xf32>,
      %add3A_490 = arith.addf %get3A_486, %get3A_489 : vector<16xf32>
      %swap3A_491 = arith.index_cast %scan3A_44 : i32 to index
      %swap3A_492 = arith.constant 704 : index
      %swap3A_493 = tpu.vector_load %arg10[%swap3A_491, %swap3A_492] {strides = array<i32>} : memref<32x1024xf32, #tpu.memory_space<vmem>>, vector<16xf32>,
      tpu.vector_store %arg10[%swap3A_491, %swap3A_492], %add3A_490 {strides = array<i32>} : memref<32x1024xf32, #tpu.memory_space<vmem>>, vector<16xf32>,
      %get3A_494 = arith.index_cast %scan3A_44 : i32 to index
      %get3A_495 = arith.constant 720 : index
      %get3A_496 = tpu.vector_load %arg8[%get3A_494, %get3A_495] {strides = array<i32>} : memref<32x1024xf32, #tpu.memory_space<vmem>>, vector<16xf32>,
      %get3A_497 = arith.index_cast %scan3A_44 : i32 to index
      %get3A_498 = arith.constant 720 : index
      %get3A_499 = tpu.vector_load %arg9[%get3A_497, %get3A_498] {strides = array<i32>} : memref<32x1024xf32, #tpu.memory_space<vmem>>, vector<16xf32>,
      %add3A_500 = arith.addf %get3A_496, %get3A_499 : vector<16xf32>
      %swap3A_501 = arith.index_cast %scan3A_44 : i32 to index
      %swap3A_502 = arith.constant 720 : index
      %swap3A_503 = tpu.vector_load %arg10[%swap3A_501, %swap3A_502] {strides = array<i32>} : memref<32x1024xf32, #tpu.memory_space<vmem>>, vector<16xf32>,
      tpu.vector_store %arg10[%swap3A_501, %swap3A_502], %add3A_500 {strides = array<i32>} : memref<32x1024xf32, #tpu.memory_space<vmem>>, vector<16xf32>,
      %get3A_504 = arith.index_cast %scan3A_44 : i32 to index
      %get3A_505 = arith.constant 736 : index
      %get3A_506 = tpu.vector_load %arg8[%get3A_504, %get3A_505] {strides = array<i32>} : memref<32x1024xf32, #tpu.memory_space<vmem>>, vector<16xf32>,
      %get3A_507 = arith.index_cast %scan3A_44 : i32 to index
      %get3A_508 = arith.constant 736 : index
      %get3A_509 = tpu.vector_load %arg9[%get3A_507, %get3A_508] {strides = array<i32>} : memref<32x1024xf32, #tpu.memory_space<vmem>>, vector<16xf32>,
      %add3A_510 = arith.addf %get3A_506, %get3A_509 : vector<16xf32>
      %swap3A_511 = arith.index_cast %scan3A_44 : i32 to index
      %swap3A_512 = arith.constant 736 : index
      %swap3A_513 = tpu.vector_load %arg10[%swap3A_511, %swap3A_512] {strides = array<i32>} : memref<32x1024xf32, #tpu.memory_space<vmem>>, vector<16xf32>,
      tpu.vector_store %arg10[%swap3A_511, %swap3A_512], %add3A_510 {strides = array<i32>} : memref<32x1024xf32, #tpu.memory_space<vmem>>, vector<16xf32>,
      %get3A_514 = arith.index_cast %scan3A_44 : i32 to index
      %get3A_515 = arith.constant 752 : index
      %get3A_516 = tpu.vector_load %arg8[%get3A_514, %get3A_515] {strides = array<i32>} : memref<32x1024xf32, #tpu.memory_space<vmem>>, vector<16xf32>,
      %get3A_517 = arith.index_cast %scan3A_44 : i32 to index
      %get3A_518 = arith.constant 752 : index
      %get3A_519 = tpu.vector_load %arg9[%get3A_517, %get3A_518] {strides = array<i32>} : memref<32x1024xf32, #tpu.memory_space<vmem>>, vector<16xf32>,
      %add3A_520 = arith.addf %get3A_516, %get3A_519 : vector<16xf32>
      %swap3A_521 = arith.index_cast %scan3A_44 : i32 to index
      %swap3A_522 = arith.constant 752 : index
      %swap3A_523 = tpu.vector_load %arg10[%swap3A_521, %swap3A_522] {strides = array<i32>} : memref<32x1024xf32, #tpu.memory_space<vmem>>, vector<16xf32>,
      tpu.vector_store %arg10[%swap3A_521, %swap3A_522], %add3A_520 {strides = array<i32>} : memref<32x1024xf32, #tpu.memory_space<vmem>>, vector<16xf32>,
      %get3A_524 = arith.index_cast %scan3A_44 : i32 to index
      %get3A_525 = arith.constant 768 : index
      %get3A_526 = tpu.vector_load %arg8[%get3A_524, %get3A_525] {strides = array<i32>} : memref<32x1024xf32, #tpu.memory_space<vmem>>, vector<16xf32>,
      %get3A_527 = arith.index_cast %scan3A_44 : i32 to index
      %get3A_528 = arith.constant 768 : index
      %get3A_529 = tpu.vector_load %arg9[%get3A_527, %get3A_528] {strides = array<i32>} : memref<32x1024xf32, #tpu.memory_space<vmem>>, vector<16xf32>,
      %add3A_530 = arith.addf %get3A_526, %get3A_529 : vector<16xf32>
      %swap3A_531 = arith.index_cast %scan3A_44 : i32 to index
      %swap3A_532 = arith.constant 768 : index
      %swap3A_533 = tpu.vector_load %arg10[%swap3A_531, %swap3A_532] {strides = array<i32>} : memref<32x1024xf32, #tpu.memory_space<vmem>>, vector<16xf32>,
      tpu.vector_store %arg10[%swap3A_531, %swap3A_532], %add3A_530 {strides = array<i32>} : memref<32x1024xf32, #tpu.memory_space<vmem>>, vector<16xf32>,
      %get3A_534 = arith.index_cast %scan3A_44 : i32 to index
      %get3A_535 = arith.constant 784 : index
      %get3A_536 = tpu.vector_load %arg8[%get3A_534, %get3A_535] {strides = array<i32>} : memref<32x1024xf32, #tpu.memory_space<vmem>>, vector<16xf32>,
      %get3A_537 = arith.index_cast %scan3A_44 : i32 to index
      %get3A_538 = arith.constant 784 : index
      %get3A_539 = tpu.vector_load %arg9[%get3A_537, %get3A_538] {strides = array<i32>} : memref<32x1024xf32, #tpu.memory_space<vmem>>, vector<16xf32>,
      %add3A_540 = arith.addf %get3A_536, %get3A_539 : vector<16xf32>
      %swap3A_541 = arith.index_cast %scan3A_44 : i32 to index
      %swap3A_542 = arith.constant 784 : index
      %swap3A_543 = tpu.vector_load %arg10[%swap3A_541, %swap3A_542] {strides = array<i32>} : memref<32x1024xf32, #tpu.memory_space<vmem>>, vector<16xf32>,
      tpu.vector_store %arg10[%swap3A_541, %swap3A_542], %add3A_540 {strides = array<i32>} : memref<32x1024xf32, #tpu.memory_space<vmem>>, vector<16xf32>,
      %get3A_544 = arith.index_cast %scan3A_44 : i32 to index
      %get3A_545 = arith.constant 800 : index
      %get3A_546 = tpu.vector_load %arg8[%get3A_544, %get3A_545] {strides = array<i32>} : memref<32x1024xf32, #tpu.memory_space<vmem>>, vector<16xf32>,
      %get3A_547 = arith.index_cast %scan3A_44 : i32 to index
      %get3A_548 = arith.constant 800 : index
      %get3A_549 = tpu.vector_load %arg9[%get3A_547, %get3A_548] {strides = array<i32>} : memref<32x1024xf32, #tpu.memory_space<vmem>>, vector<16xf32>,
      %add3A_550 = arith.addf %get3A_546, %get3A_549 : vector<16xf32>
      %swap3A_551 = arith.index_cast %scan3A_44 : i32 to index
      %swap3A_552 = arith.constant 800 : index
      %swap3A_553 = tpu.vector_load %arg10[%swap3A_551, %swap3A_552] {strides = array<i32>} : memref<32x1024xf32, #tpu.memory_space<vmem>>, vector<16xf32>,
      tpu.vector_store %arg10[%swap3A_551, %swap3A_552], %add3A_550 {strides = array<i32>} : memref<32x1024xf32, #tpu.memory_space<vmem>>, vector<16xf32>,
      %get3A_554 = arith.index_cast %scan3A_44 : i32 to index
      %get3A_555 = arith.constant 816 : index
      %get3A_556 = tpu.vector_load %arg8[%get3A_554, %get3A_555] {strides = array<i32>} : memref<32x1024xf32, #tpu.memory_space<vmem>>, vector<16xf32>,
      %get3A_557 = arith.index_cast %scan3A_44 : i32 to index
      %get3A_558 = arith.constant 816 : index
      %get3A_559 = tpu.vector_load %arg9[%get3A_557, %get3A_558] {strides = array<i32>} : memref<32x1024xf32, #tpu.memory_space<vmem>>, vector<16xf32>,
      %add3A_560 = arith.addf %get3A_556, %get3A_559 : vector<16xf32>
      %swap3A_561 = arith.index_cast %scan3A_44 : i32 to index
      %swap3A_562 = arith.constant 816 : index
      %swap3A_563 = tpu.vector_load %arg10[%swap3A_561, %swap3A_562] {strides = array<i32>} : memref<32x1024xf32, #tpu.memory_space<vmem>>, vector<16xf32>,
      tpu.vector_store %arg10[%swap3A_561, %swap3A_562], %add3A_560 {strides = array<i32>} : memref<32x1024xf32, #tpu.memory_space<vmem>>, vector<16xf32>,
      %get3A_564 = arith.index_cast %scan3A_44 : i32 to index
      %get3A_565 = arith.constant 832 : index
      %get3A_566 = tpu.vector_load %arg8[%get3A_564, %get3A_565] {strides = array<i32>} : memref<32x1024xf32, #tpu.memory_space<vmem>>, vector<16xf32>,
      %get3A_567 = arith.index_cast %scan3A_44 : i32 to index
      %get3A_568 = arith.constant 832 : index
      %get3A_569 = tpu.vector_load %arg9[%get3A_567, %get3A_568] {strides = array<i32>} : memref<32x1024xf32, #tpu.memory_space<vmem>>, vector<16xf32>,
      %add3A_570 = arith.addf %get3A_566, %get3A_569 : vector<16xf32>
      %swap3A_571 = arith.index_cast %scan3A_44 : i32 to index
      %swap3A_572 = arith.constant 832 : index
      %swap3A_573 = tpu.vector_load %arg10[%swap3A_571, %swap3A_572] {strides = array<i32>} : memref<32x1024xf32, #tpu.memory_space<vmem>>, vector<16xf32>,
      tpu.vector_store %arg10[%swap3A_571, %swap3A_572], %add3A_570 {strides = array<i32>} : memref<32x1024xf32, #tpu.memory_space<vmem>>, vector<16xf32>,
      %get3A_574 = arith.index_cast %scan3A_44 : i32 to index
      %get3A_575 = arith.constant 848 : index
      %get3A_576 = tpu.vector_load %arg8[%get3A_574, %get3A_575] {strides = array<i32>} : memref<32x1024xf32, #tpu.memory_space<vmem>>, vector<16xf32>,
      %get3A_577 = arith.index_cast %scan3A_44 : i32 to index
      %get3A_578 = arith.constant 848 : index
      %get3A_579 = tpu.vector_load %arg9[%get3A_577, %get3A_578] {strides = array<i32>} : memref<32x1024xf32, #tpu.memory_space<vmem>>, vector<16xf32>,
      %add3A_580 = arith.addf %get3A_576, %get3A_579 : vector<16xf32>
      %swap3A_581 = arith.index_cast %scan3A_44 : i32 to index
      %swap3A_582 = arith.constant 848 : index
      %swap3A_583 = tpu.vector_load %arg10[%swap3A_581, %swap3A_582] {strides = array<i32>} : memref<32x1024xf32, #tpu.memory_space<vmem>>, vector<16xf32>,
      tpu.vector_store %arg10[%swap3A_581, %swap3A_582], %add3A_580 {strides = array<i32>} : memref<32x1024xf32, #tpu.memory_space<vmem>>, vector<16xf32>,
      %get3A_584 = arith.index_cast %scan3A_44 : i32 to index
      %get3A_585 = arith.constant 864 : index
      %get3A_586 = tpu.vector_load %arg8[%get3A_584, %get3A_585] {strides = array<i32>} : memref<32x1024xf32, #tpu.memory_space<vmem>>, vector<16xf32>,
      %get3A_587 = arith.index_cast %scan3A_44 : i32 to index
      %get3A_588 = arith.constant 864 : index
      %get3A_589 = tpu.vector_load %arg9[%get3A_587, %get3A_588] {strides = array<i32>} : memref<32x1024xf32, #tpu.memory_space<vmem>>, vector<16xf32>,
      %add3A_590 = arith.addf %get3A_586, %get3A_589 : vector<16xf32>
      %swap3A_591 = arith.index_cast %scan3A_44 : i32 to index
      %swap3A_592 = arith.constant 864 : index
      %swap3A_593 = tpu.vector_load %arg10[%swap3A_591, %swap3A_592] {strides = array<i32>} : memref<32x1024xf32, #tpu.memory_space<vmem>>, vector<16xf32>,
      tpu.vector_store %arg10[%swap3A_591, %swap3A_592], %add3A_590 {strides = array<i32>} : memref<32x1024xf32, #tpu.memory_space<vmem>>, vector<16xf32>,
      %get3A_594 = arith.index_cast %scan3A_44 : i32 to index
      %get3A_595 = arith.constant 880 : index
      %get3A_596 = tpu.vector_load %arg8[%get3A_594, %get3A_595] {strides = array<i32>} : memref<32x1024xf32, #tpu.memory_space<vmem>>, vector<16xf32>,
      %get3A_597 = arith.index_cast %scan3A_44 : i32 to index
      %get3A_598 = arith.constant 880 : index
      %get3A_599 = tpu.vector_load %arg9[%get3A_597, %get3A_598] {strides = array<i32>} : memref<32x1024xf32, #tpu.memory_space<vmem>>, vector<16xf32>,
      %add3A_600 = arith.addf %get3A_596, %get3A_599 : vector<16xf32>
      %swap3A_601 = arith.index_cast %scan3A_44 : i32 to index
      %swap3A_602 = arith.constant 880 : index
      %swap3A_603 = tpu.vector_load %arg10[%swap3A_601, %swap3A_602] {strides = array<i32>} : memref<32x1024xf32, #tpu.memory_space<vmem>>, vector<16xf32>,
      tpu.vector_store %arg10[%swap3A_601, %swap3A_602], %add3A_600 {strides = array<i32>} : memref<32x1024xf32, #tpu.memory_space<vmem>>, vector<16xf32>,
      %get3A_604 = arith.index_cast %scan3A_44 : i32 to index
      %get3A_605 = arith.constant 896 : index
      %get3A_606 = tpu.vector_load %arg8[%get3A_604, %get3A_605] {strides = array<i32>} : memref<32x1024xf32, #tpu.memory_space<vmem>>, vector<16xf32>,
      %get3A_607 = arith.index_cast %scan3A_44 : i32 to index
      %get3A_608 = arith.constant 896 : index
      %get3A_609 = tpu.vector_load %arg9[%get3A_607, %get3A_608] {strides = array<i32>} : memref<32x1024xf32, #tpu.memory_space<vmem>>, vector<16xf32>,
      %add3A_610 = arith.addf %get3A_606, %get3A_609 : vector<16xf32>
      %swap3A_611 = arith.index_cast %scan3A_44 : i32 to index
      %swap3A_612 = arith.constant 896 : index
      %swap3A_613 = tpu.vector_load %arg10[%swap3A_611, %swap3A_612] {strides = array<i32>} : memref<32x1024xf32, #tpu.memory_space<vmem>>, vector<16xf32>,
      tpu.vector_store %arg10[%swap3A_611, %swap3A_612], %add3A_610 {strides = array<i32>} : memref<32x1024xf32, #tpu.memory_space<vmem>>, vector<16xf32>,
      %get3A_614 = arith.index_cast %scan3A_44 : i32 to index
      %get3A_615 = arith.constant 912 : index
      %get3A_616 = tpu.vector_load %arg8[%get3A_614, %get3A_615] {strides = array<i32>} : memref<32x1024xf32, #tpu.memory_space<vmem>>, vector<16xf32>,
      %get3A_617 = arith.index_cast %scan3A_44 : i32 to index
      %get3A_618 = arith.constant 912 : index
      %get3A_619 = tpu.vector_load %arg9[%get3A_617, %get3A_618] {strides = array<i32>} : memref<32x1024xf32, #tpu.memory_space<vmem>>, vector<16xf32>,
      %add3A_620 = arith.addf %get3A_616, %get3A_619 : vector<16xf32>
      %swap3A_621 = arith.index_cast %scan3A_44 : i32 to index
      %swap3A_622 = arith.constant 912 : index
      %swap3A_623 = tpu.vector_load %arg10[%swap3A_621, %swap3A_622] {strides = array<i32>} : memref<32x1024xf32, #tpu.memory_space<vmem>>, vector<16xf32>,
      tpu.vector_store %arg10[%swap3A_621, %swap3A_622], %add3A_620 {strides = array<i32>} : memref<32x1024xf32, #tpu.memory_space<vmem>>, vector<16xf32>,
      %get3A_624 = arith.index_cast %scan3A_44 : i32 to index
      %get3A_625 = arith.constant 928 : index
      %get3A_626 = tpu.vector_load %arg8[%get3A_624, %get3A_625] {strides = array<i32>} : memref<32x1024xf32, #tpu.memory_space<vmem>>, vector<16xf32>,
      %get3A_627 = arith.index_cast %scan3A_44 : i32 to index
      %get3A_628 = arith.constant 928 : index
      %get3A_629 = tpu.vector_load %arg9[%get3A_627, %get3A_628] {strides = array<i32>} : memref<32x1024xf32, #tpu.memory_space<vmem>>, vector<16xf32>,
      %add3A_630 = arith.addf %get3A_626, %get3A_629 : vector<16xf32>
      %swap3A_631 = arith.index_cast %scan3A_44 : i32 to index
      %swap3A_632 = arith.constant 928 : index
      %swap3A_633 = tpu.vector_load %arg10[%swap3A_631, %swap3A_632] {strides = array<i32>} : memref<32x1024xf32, #tpu.memory_space<vmem>>, vector<16xf32>,
      tpu.vector_store %arg10[%swap3A_631, %swap3A_632], %add3A_630 {strides = array<i32>} : memref<32x1024xf32, #tpu.memory_space<vmem>>, vector<16xf32>,
      %get3A_634 = arith.index_cast %scan3A_44 : i32 to index
      %get3A_635 = arith.constant 944 : index
      %get3A_636 = tpu.vector_load %arg8[%get3A_634, %get3A_635] {strides = array<i32>} : memref<32x1024xf32, #tpu.memory_space<vmem>>, vector<16xf32>,
      %get3A_637 = arith.index_cast %scan3A_44 : i32 to index
      %get3A_638 = arith.constant 944 : index
      %get3A_639 = tpu.vector_load %arg9[%get3A_637, %get3A_638] {strides = array<i32>} : memref<32x1024xf32, #tpu.memory_space<vmem>>, vector<16xf32>,
      %add3A_640 = arith.addf %get3A_636, %get3A_639 : vector<16xf32>
      %swap3A_641 = arith.index_cast %scan3A_44 : i32 to index
      %swap3A_642 = arith.constant 944 : index
      %swap3A_643 = tpu.vector_load %arg10[%swap3A_641, %swap3A_642] {strides = array<i32>} : memref<32x1024xf32, #tpu.memory_space<vmem>>, vector<16xf32>,
      tpu.vector_store %arg10[%swap3A_641, %swap3A_642], %add3A_640 {strides = array<i32>} : memref<32x1024xf32, #tpu.memory_space<vmem>>, vector<16xf32>,
      %get3A_644 = arith.index_cast %scan3A_44 : i32 to index
      %get3A_645 = arith.constant 960 : index
      %get3A_646 = tpu.vector_load %arg8[%get3A_644, %get3A_645] {strides = array<i32>} : memref<32x1024xf32, #tpu.memory_space<vmem>>, vector<16xf32>,
      %get3A_647 = arith.index_cast %scan3A_44 : i32 to index
      %get3A_648 = arith.constant 960 : index
      %get3A_649 = tpu.vector_load %arg9[%get3A_647, %get3A_648] {strides = array<i32>} : memref<32x1024xf32, #tpu.memory_space<vmem>>, vector<16xf32>,
      %add3A_650 = arith.addf %get3A_646, %get3A_649 : vector<16xf32>
      %swap3A_651 = arith.index_cast %scan3A_44 : i32 to index
      %swap3A_652 = arith.constant 960 : index
      %swap3A_653 = tpu.vector_load %arg10[%swap3A_651, %swap3A_652] {strides = array<i32>} : memref<32x1024xf32, #tpu.memory_space<vmem>>, vector<16xf32>,
      tpu.vector_store %arg10[%swap3A_651, %swap3A_652], %add3A_650 {strides = array<i32>} : memref<32x1024xf32, #tpu.memory_space<vmem>>, vector<16xf32>,
      %get3A_654 = arith.index_cast %scan3A_44 : i32 to index
      %get3A_655 = arith.constant 976 : index
      %get3A_656 = tpu.vector_load %arg8[%get3A_654, %get3A_655] {strides = array<i32>} : memref<32x1024xf32, #tpu.memory_space<vmem>>, vector<16xf32>,
      %get3A_657 = arith.index_cast %scan3A_44 : i32 to index
      %get3A_658 = arith.constant 976 : index
      %get3A_659 = tpu.vector_load %arg9[%get3A_657, %get3A_658] {strides = array<i32>} : memref<32x1024xf32, #tpu.memory_space<vmem>>, vector<16xf32>,
      %add3A_660 = arith.addf %get3A_656, %get3A_659 : vector<16xf32>
      %swap3A_661 = arith.index_cast %scan3A_44 : i32 to index
      %swap3A_662 = arith.constant 976 : index
      %swap3A_663 = tpu.vector_load %arg10[%swap3A_661, %swap3A_662] {strides = array<i32>} : memref<32x1024xf32, #tpu.memory_space<vmem>>, vector<16xf32>,
      tpu.vector_store %arg10[%swap3A_661, %swap3A_662], %add3A_660 {strides = array<i32>} : memref<32x1024xf32, #tpu.memory_space<vmem>>, vector<16xf32>,
      %get3A_664 = arith.index_cast %scan3A_44 : i32 to index
      %get3A_665 = arith.constant 992 : index
      %get3A_666 = tpu.vector_load %arg8[%get3A_664, %get3A_665] {strides = array<i32>} : memref<32x1024xf32, #tpu.memory_space<vmem>>, vector<16xf32>,
      %get3A_667 = arith.index_cast %scan3A_44 : i32 to index
      %get3A_668 = arith.constant 992 : index
      %get3A_669 = tpu.vector_load %arg9[%get3A_667, %get3A_668] {strides = array<i32>} : memref<32x1024xf32, #tpu.memory_space<vmem>>, vector<16xf32>,
      %add3A_670 = arith.addf %get3A_666, %get3A_669 : vector<16xf32>
      %swap3A_671 = arith.index_cast %scan3A_44 : i32 to index
      %swap3A_672 = arith.constant 992 : index
      %swap3A_673 = tpu.vector_load %arg10[%swap3A_671, %swap3A_672] {strides = array<i32>} : memref<32x1024xf32, #tpu.memory_space<vmem>>, vector<16xf32>,
      tpu.vector_store %arg10[%swap3A_671, %swap3A_672], %add3A_670 {strides = array<i32>} : memref<32x1024xf32, #tpu.memory_space<vmem>>, vector<16xf32>,
      %get3A_674 = arith.index_cast %scan3A_44 : i32 to index
      %get3A_675 = arith.constant 1008 : index
      %get3A_676 = tpu.vector_load %arg8[%get3A_674, %get3A_675] {strides = array<i32>} : memref<32x1024xf32, #tpu.memory_space<vmem>>, vector<16xf32>,
      %get3A_677 = arith.index_cast %scan3A_44 : i32 to index
      %get3A_678 = arith.constant 1008 : index
      %get3A_679 = tpu.vector_load %arg9[%get3A_677, %get3A_678] {strides = array<i32>} : memref<32x1024xf32, #tpu.memory_space<vmem>>, vector<16xf32>,
      %add3A_680 = arith.addf %get3A_676, %get3A_679 : vector<16xf32>
      %swap3A_681 = arith.index_cast %scan3A_44 : i32 to index
      %swap3A_682 = arith.constant 1008 : index
      %swap3A_683 = tpu.vector_load %arg10[%swap3A_681, %swap3A_682] {strides = array<i32>} : memref<32x1024xf32, #tpu.memory_space<vmem>>, vector<16xf32>,
      tpu.vector_store %arg10[%swap3A_681, %swap3A_682], %add3A_680 {strides = array<i32>} : memref<32x1024xf32, #tpu.memory_space<vmem>>, vector<16xf32>,
      %scan3A_684 = arith.constant 0 : i32
      scf.yield %scan3A_684 : i32
    }
    %scan3A_43 = arith.constant 32 : i32
    "tpu.region"() ({
      %run_scoped3A = tpu.sem_alloc : memref<!tpu.dma_semaphore, #tpu.memory_space<semaphore_mem>>
      %dma_start3A_44 = arith.constant 0 : i32
      %dma_start3A_45 = tpu.memref_slice %arg5[%add3A_24, %dma_start3A_44] : memref<2048x1024xf32, #tpu.memory_space<hbm>> -> memref<32x1024xf32, #tpu.memory_space<hbm>>
      %dma_start3A_46 = arith.constant 0 : i32
      %dma_start3A_47 = tpu.memref_slice %arg5[%add3A_24, %dma_start3A_46] : memref<2048x1024xf32, #tpu.memory_space<hbm>> -> memref<32x1024xf32, #tpu.memory_space<hbm>>
      tpu.enqueue_dma source(%arg10 : memref<32x1024xf32, #tpu.memory_space<vmem>>) target(%dma_start3A_47 : memref<32x1024xf32, #tpu.memory_space<hbm>>) target_semaphore(%run_scoped3A : memref<!tpu.dma_semaphore, #tpu.memory_space<semaphore_mem>>)
      %dma_wait3A_48 = arith.constant 0 : i32
      %dma_wait3A_49 = tpu.memref_slice %arg5[%add3A_24, %dma_wait3A_48] : memref<2048x1024xf32, #tpu.memory_space<hbm>> -> memref<32x1024xf32, #tpu.memory_space<hbm>>
      %dma_wait3A_50 = arith.constant 0 : i32
      %dma_wait3A_51 = tpu.memref_slice %arg5[%add3A_24, %dma_wait3A_50] : memref<2048x1024xf32, #tpu.memory_space<hbm>> -> memref<32x1024xf32, #tpu.memory_space<hbm>>
      tpu.wait_dma2 semaphore(%run_scoped3A : memref<!tpu.dma_semaphore, #tpu.memory_space<semaphore_mem>>) src(%arg10 : memref<32x1024xf32, #tpu.memory_space<vmem>>) dst(%dma_wait3A_51 : memref<32x1024xf32, #tpu.memory_space<hbm>>)
      tpu.yield
    }) : () -> ()
    return
  }
}

#map = affine_map<(d0, d1) -> (0)>
module attributes {stable_mosaic.version = 14 : i64} {
  func.func @_scatter_body(%arg0: i32, %arg1: i32, %arg2: memref<2048xi32, #tpu.memory_space<hbm>>, %arg3: memref<2048xi32, #tpu.memory_space<hbm>>, %arg4: memref<2048xi32, #tpu.memory_space<hbm>>, %arg5: memref<2048xi32, #tpu.memory_space<hbm>>, %arg6: memref<2048xf32, #tpu.memory_space<hbm>>, %arg7: memref<2048xf32, #tpu.memory_space<hbm>>, %arg8: memref<16xi32, #tpu.memory_space<hbm>>, %arg9: memref<6144xi32, #tpu.memory_space<hbm>>, %arg10: memref<6144xf32, #tpu.memory_space<hbm>>, %arg11: memref<2048xi32, #tpu.memory_space<hbm>>, %arg12: memref<2048xi32, #tpu.memory_space<hbm>>, %arg13: memref<2048xi32, #tpu.memory_space<vmem>>, %arg14: memref<2048xi32, #tpu.memory_space<vmem>>, %arg15: memref<2048xi32, #tpu.memory_space<vmem>>, %arg16: memref<2048xi32, #tpu.memory_space<vmem>>, %arg17: memref<2048xf32, #tpu.memory_space<vmem>>, %arg18: memref<2048xf32, #tpu.memory_space<vmem>>, %arg19: memref<16xi32, #tpu.memory_space<vmem>>, %arg20: memref<6144xi32, #tpu.memory_space<vmem>>, %arg21: memref<6144xf32, #tpu.memory_space<vmem>>, %arg22: memref<2048xi32, #tpu.memory_space<vmem>>, %arg23: memref<2048xi32, #tpu.memory_space<vmem>>) attributes {dimension_semantics = [#tpu.dimension_semantics<core_parallel>, #tpu.dimension_semantics<subcore_parallel>], iteration_bounds = array<i64: 2, 16>, scalar_prefetch = 0 : i64, scratch_operands = 11 : i64, tpu.core_type = #tpu.core_type<sc_vector_subcore>, window_params = [{transform_indices = #map}, {transform_indices = #map}, {transform_indices = #map}, {transform_indices = #map}, {transform_indices = #map}, {transform_indices = #map}, {transform_indices = #map}, {transform_indices = #map}, {transform_indices = #map}, {transform_indices = #map}, {transform_indices = #map}]} {
    %mul3A = arith.constant 2 : i32
    %mul3A_0 = arith.muli %arg1, %mul3A : i32
    %add3A = arith.addi %mul3A_0, %arg0 : i32
    %eq3A = arith.constant 0 : i32
    %eq3A_1 = arith.cmpi eq, %add3A, %eq3A : i32
    %convert_element_type3A = arith.extui %eq3A_1 : i1 to i32
    %cond3A = arith.constant 0 : i32
    %cond3A_2 = arith.cmpi ne, %convert_element_type3A, %cond3A : i32
    scf.if %cond3A_2 {
      "tpu.region"() ({
        %run_scoped3A = tpu.sem_alloc : memref<!tpu.dma_semaphore, #tpu.memory_space<semaphore_mem>>
        tpu.enqueue_dma source(%arg2 : memref<2048xi32, #tpu.memory_space<hbm>>) target(%arg13 : memref<2048xi32, #tpu.memory_space<vmem>>) target_semaphore(%run_scoped3A : memref<!tpu.dma_semaphore, #tpu.memory_space<semaphore_mem>>)
        tpu.wait_dma2 semaphore(%run_scoped3A : memref<!tpu.dma_semaphore, #tpu.memory_space<semaphore_mem>>) src(%arg2 : memref<2048xi32, #tpu.memory_space<hbm>>) dst(%arg13 : memref<2048xi32, #tpu.memory_space<vmem>>)
        tpu.yield
      }) : () -> ()
      "tpu.region"() ({
        %run_scoped3A = tpu.sem_alloc : memref<!tpu.dma_semaphore, #tpu.memory_space<semaphore_mem>>
        tpu.enqueue_dma source(%arg3 : memref<2048xi32, #tpu.memory_space<hbm>>) target(%arg14 : memref<2048xi32, #tpu.memory_space<vmem>>) target_semaphore(%run_scoped3A : memref<!tpu.dma_semaphore, #tpu.memory_space<semaphore_mem>>)
        tpu.wait_dma2 semaphore(%run_scoped3A : memref<!tpu.dma_semaphore, #tpu.memory_space<semaphore_mem>>) src(%arg3 : memref<2048xi32, #tpu.memory_space<hbm>>) dst(%arg14 : memref<2048xi32, #tpu.memory_space<vmem>>)
        tpu.yield
      }) : () -> ()
      "tpu.region"() ({
        %run_scoped3A = tpu.sem_alloc : memref<!tpu.dma_semaphore, #tpu.memory_space<semaphore_mem>>
        tpu.enqueue_dma source(%arg4 : memref<2048xi32, #tpu.memory_space<hbm>>) target(%arg15 : memref<2048xi32, #tpu.memory_space<vmem>>) target_semaphore(%run_scoped3A : memref<!tpu.dma_semaphore, #tpu.memory_space<semaphore_mem>>)
        tpu.wait_dma2 semaphore(%run_scoped3A : memref<!tpu.dma_semaphore, #tpu.memory_space<semaphore_mem>>) src(%arg4 : memref<2048xi32, #tpu.memory_space<hbm>>) dst(%arg15 : memref<2048xi32, #tpu.memory_space<vmem>>)
        tpu.yield
      }) : () -> ()
      "tpu.region"() ({
        %run_scoped3A = tpu.sem_alloc : memref<!tpu.dma_semaphore, #tpu.memory_space<semaphore_mem>>
        tpu.enqueue_dma source(%arg5 : memref<2048xi32, #tpu.memory_space<hbm>>) target(%arg16 : memref<2048xi32, #tpu.memory_space<vmem>>) target_semaphore(%run_scoped3A : memref<!tpu.dma_semaphore, #tpu.memory_space<semaphore_mem>>)
        tpu.wait_dma2 semaphore(%run_scoped3A : memref<!tpu.dma_semaphore, #tpu.memory_space<semaphore_mem>>) src(%arg5 : memref<2048xi32, #tpu.memory_space<hbm>>) dst(%arg16 : memref<2048xi32, #tpu.memory_space<vmem>>)
        tpu.yield
      }) : () -> ()
      "tpu.region"() ({
        %run_scoped3A = tpu.sem_alloc : memref<!tpu.dma_semaphore, #tpu.memory_space<semaphore_mem>>
        tpu.enqueue_dma source(%arg6 : memref<2048xf32, #tpu.memory_space<hbm>>) target(%arg17 : memref<2048xf32, #tpu.memory_space<vmem>>) target_semaphore(%run_scoped3A : memref<!tpu.dma_semaphore, #tpu.memory_space<semaphore_mem>>)
        tpu.wait_dma2 semaphore(%run_scoped3A : memref<!tpu.dma_semaphore, #tpu.memory_space<semaphore_mem>>) src(%arg6 : memref<2048xf32, #tpu.memory_space<hbm>>) dst(%arg17 : memref<2048xf32, #tpu.memory_space<vmem>>)
        tpu.yield
      }) : () -> ()
      "tpu.region"() ({
        %run_scoped3A = tpu.sem_alloc : memref<!tpu.dma_semaphore, #tpu.memory_space<semaphore_mem>>
        tpu.enqueue_dma source(%arg7 : memref<2048xf32, #tpu.memory_space<hbm>>) target(%arg18 : memref<2048xf32, #tpu.memory_space<vmem>>) target_semaphore(%run_scoped3A : memref<!tpu.dma_semaphore, #tpu.memory_space<semaphore_mem>>)
        tpu.wait_dma2 semaphore(%run_scoped3A : memref<!tpu.dma_semaphore, #tpu.memory_space<semaphore_mem>>) src(%arg7 : memref<2048xf32, #tpu.memory_space<hbm>>) dst(%arg18 : memref<2048xf32, #tpu.memory_space<vmem>>)
        tpu.yield
      }) : () -> ()
      "tpu.region"() ({
        %run_scoped3A = tpu.sem_alloc : memref<!tpu.dma_semaphore, #tpu.memory_space<semaphore_mem>>
        tpu.enqueue_dma source(%arg8 : memref<16xi32, #tpu.memory_space<hbm>>) target(%arg19 : memref<16xi32, #tpu.memory_space<vmem>>) target_semaphore(%run_scoped3A : memref<!tpu.dma_semaphore, #tpu.memory_space<semaphore_mem>>)
        tpu.wait_dma2 semaphore(%run_scoped3A : memref<!tpu.dma_semaphore, #tpu.memory_space<semaphore_mem>>) src(%arg8 : memref<16xi32, #tpu.memory_space<hbm>>) dst(%arg19 : memref<16xi32, #tpu.memory_space<vmem>>)
        tpu.yield
      }) : () -> ()
      %scan3A = arith.constant 0 : i32
      %scan3A_3 = arith.constant 0 : i32
      %scan3A_4 = arith.constant 384 : i32
      %scan3A_5 = arith.addi %scan3A_3, %scan3A_4 : i32
      %scan3A_6 = arith.constant 1 : i32
      %scan3A_7 = scf.for %scan3A_16 = %scan3A_3 to %scan3A_5 step %scan3A_6 iter_args(%scan3A_17 = %scan3A) -> (i32)  : i32 {
        %broadcast_in_dim3A = arith.constant 0 : i32
        %broadcast_in_dim3A_18 = vector.broadcast %broadcast_in_dim3A : i32 to vector<16xi32>
        %mul3A_19 = arith.constant 16 : i32
        %mul3A_20 = arith.muli %scan3A_16, %mul3A_19 : i32
        %swap3A = arith.index_cast %mul3A_20 : i32 to index
        %swap3A_21 = tpu.vector_load %arg20[%swap3A] {strides = array<i32>} : memref<6144xi32, #tpu.memory_space<vmem>>, vector<16xi32>,
        tpu.vector_store %arg20[%swap3A], %broadcast_in_dim3A_18 {strides = array<i32>} : memref<6144xi32, #tpu.memory_space<vmem>>, vector<16xi32>,
        %broadcast_in_dim3A_22 = arith.constant 0.000000e+00 : f32
        %broadcast_in_dim3A_23 = vector.broadcast %broadcast_in_dim3A_22 : f32 to vector<16xf32>
        %mul3A_24 = arith.constant 16 : i32
        %mul3A_25 = arith.muli %scan3A_16, %mul3A_24 : i32
        %swap3A_26 = arith.index_cast %mul3A_25 : i32 to index
        %swap3A_27 = tpu.vector_load %arg21[%swap3A_26] {strides = array<i32>} : memref<6144xf32, #tpu.memory_space<vmem>>, vector<16xf32>,
        tpu.vector_store %arg21[%swap3A_26], %broadcast_in_dim3A_23 {strides = array<i32>} : memref<6144xf32, #tpu.memory_space<vmem>>, vector<16xf32>,
        %scan3A_28 = arith.constant 0 : i32
        scf.yield %scan3A_28 : i32
      }
      %scan3A_8 = arith.constant 384 : i32
      %scan3A_9 = arith.constant 0 : i32
      %scan3A_10 = arith.constant 0 : i32
      %scan3A_11 = arith.constant 128 : i32
      %scan3A_12 = arith.addi %scan3A_10, %scan3A_11 : i32
      %scan3A_13 = arith.constant 1 : i32
      %scan3A_14 = scf.for %scan3A_16 = %scan3A_10 to %scan3A_12 step %scan3A_13 iter_args(%scan3A_17 = %scan3A_9) -> (i32)  : i32 {
        %mul3A_18 = arith.constant 16 : i32
        %mul3A_19 = arith.muli %scan3A_16, %mul3A_18 : i32
        %iota3A = tpu.iota {dimensions = array<i32: 0>} : vector<16xi32>
        %mul3A_20 = arith.constant 16 : i32
        %mul3A_21 = arith.muli %scan3A_16, %mul3A_20 : i32
        %add3A_22 = vector.broadcast %mul3A_21 : i32 to vector<16xi32>
        %add3A_23 = arith.addi %iota3A, %add3A_22 : vector<16xi32>
        %get3A = arith.index_cast %mul3A_19 : i32 to index
        %get3A_24 = tpu.vector_load %arg13[%get3A] {strides = array<i32>} : memref<2048xi32, #tpu.memory_space<vmem>>, vector<16xi32>,
        %gather3A = tpu.vector_load_idx %arg19[%get3A_24] : memref<16xi32, #tpu.memory_space<vmem>>[vector<16xi32>], vector<16xi32>,
        %get3A_25 = arith.index_cast %mul3A_19 : i32 to index
        %get3A_26 = tpu.vector_load %arg15[%get3A_25] {strides = array<i32>} : memref<2048xi32, #tpu.memory_space<vmem>>, vector<16xi32>,
        %add3A_27 = arith.addi %gather3A, %get3A_26 : vector<16xi32>
        tpu.vector_store_idx %arg20[%add3A_27], %add3A_23 : memref<6144xi32, #tpu.memory_space<vmem>>[vector<16xi32>], vector<16xi32>,
        %get3A_28 = arith.index_cast %mul3A_19 : i32 to index
        %get3A_29 = tpu.vector_load %arg17[%get3A_28] {strides = array<i32>} : memref<2048xf32, #tpu.memory_space<vmem>>, vector<16xf32>,
        tpu.vector_store_idx %arg21[%add3A_27], %get3A_29 : memref<6144xf32, #tpu.memory_space<vmem>>[vector<16xi32>], vector<16xf32>,
        %swap3A = arith.index_cast %mul3A_19 : i32 to index
        %swap3A_30 = tpu.vector_load %arg22[%swap3A] {strides = array<i32>} : memref<2048xi32, #tpu.memory_space<vmem>>, vector<16xi32>,
        tpu.vector_store %arg22[%swap3A], %add3A_27 {strides = array<i32>} : memref<2048xi32, #tpu.memory_space<vmem>>, vector<16xi32>,
        %get3A_31 = arith.index_cast %mul3A_19 : i32 to index
        %get3A_32 = tpu.vector_load %arg14[%get3A_31] {strides = array<i32>} : memref<2048xi32, #tpu.memory_space<vmem>>, vector<16xi32>,
        %gather3A_33 = tpu.vector_load_idx %arg19[%get3A_32] : memref<16xi32, #tpu.memory_space<vmem>>[vector<16xi32>], vector<16xi32>,
        %get3A_34 = arith.index_cast %mul3A_19 : i32 to index
        %get3A_35 = tpu.vector_load %arg16[%get3A_34] {strides = array<i32>} : memref<2048xi32, #tpu.memory_space<vmem>>, vector<16xi32>,
        %add3A_36 = arith.addi %gather3A_33, %get3A_35 : vector<16xi32>
        tpu.vector_store_idx %arg20[%add3A_36], %add3A_23 : memref<6144xi32, #tpu.memory_space<vmem>>[vector<16xi32>], vector<16xi32>,
        %get3A_37 = arith.index_cast %mul3A_19 : i32 to index
        %get3A_38 = tpu.vector_load %arg18[%get3A_37] {strides = array<i32>} : memref<2048xf32, #tpu.memory_space<vmem>>, vector<16xf32>,
        tpu.vector_store_idx %arg21[%add3A_36], %get3A_38 : memref<6144xf32, #tpu.memory_space<vmem>>[vector<16xi32>], vector<16xf32>,
        %swap3A_39 = arith.index_cast %mul3A_19 : i32 to index
        %swap3A_40 = tpu.vector_load %arg23[%swap3A_39] {strides = array<i32>} : memref<2048xi32, #tpu.memory_space<vmem>>, vector<16xi32>,
        tpu.vector_store %arg23[%swap3A_39], %add3A_36 {strides = array<i32>} : memref<2048xi32, #tpu.memory_space<vmem>>, vector<16xi32>,
        %scan3A_41 = arith.constant 0 : i32
        scf.yield %scan3A_41 : i32
      }
      %scan3A_15 = arith.constant 128 : i32
      "tpu.region"() ({
        %run_scoped3A = tpu.sem_alloc : memref<!tpu.dma_semaphore, #tpu.memory_space<semaphore_mem>>
        tpu.enqueue_dma source(%arg20 : memref<6144xi32, #tpu.memory_space<vmem>>) target(%arg9 : memref<6144xi32, #tpu.memory_space<hbm>>) target_semaphore(%run_scoped3A : memref<!tpu.dma_semaphore, #tpu.memory_space<semaphore_mem>>)
        tpu.wait_dma2 semaphore(%run_scoped3A : memref<!tpu.dma_semaphore, #tpu.memory_space<semaphore_mem>>) src(%arg20 : memref<6144xi32, #tpu.memory_space<vmem>>) dst(%arg9 : memref<6144xi32, #tpu.memory_space<hbm>>)
        tpu.yield
      }) : () -> ()
      "tpu.region"() ({
        %run_scoped3A = tpu.sem_alloc : memref<!tpu.dma_semaphore, #tpu.memory_space<semaphore_mem>>
        tpu.enqueue_dma source(%arg21 : memref<6144xf32, #tpu.memory_space<vmem>>) target(%arg10 : memref<6144xf32, #tpu.memory_space<hbm>>) target_semaphore(%run_scoped3A : memref<!tpu.dma_semaphore, #tpu.memory_space<semaphore_mem>>)
        tpu.wait_dma2 semaphore(%run_scoped3A : memref<!tpu.dma_semaphore, #tpu.memory_space<semaphore_mem>>) src(%arg21 : memref<6144xf32, #tpu.memory_space<vmem>>) dst(%arg10 : memref<6144xf32, #tpu.memory_space<hbm>>)
        tpu.yield
      }) : () -> ()
      "tpu.region"() ({
        %run_scoped3A = tpu.sem_alloc : memref<!tpu.dma_semaphore, #tpu.memory_space<semaphore_mem>>
        tpu.enqueue_dma source(%arg22 : memref<2048xi32, #tpu.memory_space<vmem>>) target(%arg11 : memref<2048xi32, #tpu.memory_space<hbm>>) target_semaphore(%run_scoped3A : memref<!tpu.dma_semaphore, #tpu.memory_space<semaphore_mem>>)
        tpu.wait_dma2 semaphore(%run_scoped3A : memref<!tpu.dma_semaphore, #tpu.memory_space<semaphore_mem>>) src(%arg22 : memref<2048xi32, #tpu.memory_space<vmem>>) dst(%arg11 : memref<2048xi32, #tpu.memory_space<hbm>>)
        tpu.yield
      }) : () -> ()
      "tpu.region"() ({
        %run_scoped3A = tpu.sem_alloc : memref<!tpu.dma_semaphore, #tpu.memory_space<semaphore_mem>>
        tpu.enqueue_dma source(%arg23 : memref<2048xi32, #tpu.memory_space<vmem>>) target(%arg12 : memref<2048xi32, #tpu.memory_space<hbm>>) target_semaphore(%run_scoped3A : memref<!tpu.dma_semaphore, #tpu.memory_space<semaphore_mem>>)
        tpu.wait_dma2 semaphore(%run_scoped3A : memref<!tpu.dma_semaphore, #tpu.memory_space<semaphore_mem>>) src(%arg23 : memref<2048xi32, #tpu.memory_space<vmem>>) dst(%arg12 : memref<2048xi32, #tpu.memory_space<hbm>>)
        tpu.yield
      }) : () -> ()
    } else {
    }
    return
  }
}

#map = affine_map<(d0, d1) -> (0, 0)>
#map1 = affine_map<(d0, d1) -> (0)>
module attributes {stable_mosaic.version = 14 : i64} {
  func.func @_gather_body(%arg0: i32, %arg1: i32, %arg2: memref<2048x512xi32, #tpu.memory_space<hbm>>, %arg3: memref<6144xi32, #tpu.memory_space<hbm>>, %arg4: memref<6144x512xi32, #tpu.memory_space<hbm>>, %arg5: memref<96xi32, #tpu.memory_space<vmem>>, %arg6: memref<96x512xi32, #tpu.memory_space<vmem>>, %arg7: memref<!tpu.dma_semaphore, #tpu.memory_space<semaphore_mem>>) attributes {dimension_semantics = [#tpu.dimension_semantics<core_parallel>, #tpu.dimension_semantics<subcore_parallel>], iteration_bounds = array<i64: 2, 16>, scalar_prefetch = 0 : i64, scratch_operands = 3 : i64, tpu.core_type = #tpu.core_type<sc_vector_subcore>, window_params = [{transform_indices = #map}, {transform_indices = #map1}, {transform_indices = #map}]} {
    %mul3A = arith.constant 2 : i32
    %mul3A_0 = arith.muli %arg1, %mul3A : i32
    %add3A = arith.addi %mul3A_0, %arg0 : i32
    %mul3A_1 = arith.constant 192 : i32
    %mul3A_2 = arith.muli %add3A, %mul3A_1 : i32
    %add3A_3 = arith.constant 0 : i32
    %add3A_4 = arith.addi %mul3A_2, %add3A_3 : i32
    "tpu.region"() ({
      %run_scoped3A = tpu.sem_alloc : memref<!tpu.dma_semaphore, #tpu.memory_space<semaphore_mem>>
      %dma_start3A_19 = tpu.memref_slice %arg3[%add3A_4] : memref<6144xi32, #tpu.memory_space<hbm>> -> memref<96xi32, #tpu.memory_space<hbm>>
      %dma_start3A_20 = tpu.memref_slice %arg3[%add3A_4] : memref<6144xi32, #tpu.memory_space<hbm>> -> memref<96xi32, #tpu.memory_space<hbm>>
      tpu.enqueue_dma source(%dma_start3A_20 : memref<96xi32, #tpu.memory_space<hbm>>) target(%arg5 : memref<96xi32, #tpu.memory_space<vmem>>) target_semaphore(%run_scoped3A : memref<!tpu.dma_semaphore, #tpu.memory_space<semaphore_mem>>)
      %dma_wait3A_21 = tpu.memref_slice %arg3[%add3A_4] : memref<6144xi32, #tpu.memory_space<hbm>> -> memref<96xi32, #tpu.memory_space<hbm>>
      %dma_wait3A_22 = tpu.memref_slice %arg3[%add3A_4] : memref<6144xi32, #tpu.memory_space<hbm>> -> memref<96xi32, #tpu.memory_space<hbm>>
      tpu.wait_dma2 semaphore(%run_scoped3A : memref<!tpu.dma_semaphore, #tpu.memory_space<semaphore_mem>>) src(%dma_wait3A_22 : memref<96xi32, #tpu.memory_space<hbm>>) dst(%arg5 : memref<96xi32, #tpu.memory_space<vmem>>)
      tpu.yield
    }) : () -> ()
    %dma_start3A = arith.constant 0 : i32
    %dma_start3A_5 = arith.constant 0 : i32
    %dma_start3A_6 = tpu.memref_slice %arg2[%dma_start3A, %dma_start3A_5] : memref<2048x512xi32, #tpu.memory_space<hbm>> -> memref<2048x512xi32, #tpu.memory_space<hbm>>
    tpu.enqueue_indirect_dma source(%dma_start3A_6 : memref<2048x512xi32, #tpu.memory_space<hbm>>) target(%arg6 : memref<96x512xi32, #tpu.memory_space<vmem>>) offsets(%arg5 : memref<96xi32, #tpu.memory_space<vmem>>) semaphore(%arg7 : memref<!tpu.dma_semaphore, #tpu.memory_space<semaphore_mem>>)
    %dma_wait3A = arith.constant 0 : i32
    %dma_wait3A_7 = arith.constant 0 : i32
    %dma_wait3A_8 = tpu.memref_slice %arg2[%dma_wait3A, %dma_wait3A_7] : memref<2048x512xi32, #tpu.memory_space<hbm>> -> memref<2048x512xi32, #tpu.memory_space<hbm>>
    tpu.wait_indirect_dma semaphore(%arg7 : memref<!tpu.dma_semaphore, #tpu.memory_space<semaphore_mem>>) src(%dma_wait3A_8 : memref<2048x512xi32, #tpu.memory_space<hbm>>) dst(%arg6 : memref<96x512xi32, #tpu.memory_space<vmem>>)
    "tpu.region"() ({
      %run_scoped3A = tpu.sem_alloc : memref<!tpu.dma_semaphore, #tpu.memory_space<semaphore_mem>>
      %dma_start3A_19 = arith.constant 0 : i32
      %dma_start3A_20 = tpu.memref_slice %arg4[%add3A_4, %dma_start3A_19] : memref<6144x512xi32, #tpu.memory_space<hbm>> -> memref<96x512xi32, #tpu.memory_space<hbm>>
      %dma_start3A_21 = arith.constant 0 : i32
      %dma_start3A_22 = tpu.memref_slice %arg4[%add3A_4, %dma_start3A_21] : memref<6144x512xi32, #tpu.memory_space<hbm>> -> memref<96x512xi32, #tpu.memory_space<hbm>>
      tpu.enqueue_dma source(%arg6 : memref<96x512xi32, #tpu.memory_space<vmem>>) target(%dma_start3A_22 : memref<96x512xi32, #tpu.memory_space<hbm>>) target_semaphore(%run_scoped3A : memref<!tpu.dma_semaphore, #tpu.memory_space<semaphore_mem>>)
      %dma_wait3A_23 = arith.constant 0 : i32
      %dma_wait3A_24 = tpu.memref_slice %arg4[%add3A_4, %dma_wait3A_23] : memref<6144x512xi32, #tpu.memory_space<hbm>> -> memref<96x512xi32, #tpu.memory_space<hbm>>
      %dma_wait3A_25 = arith.constant 0 : i32
      %dma_wait3A_26 = tpu.memref_slice %arg4[%add3A_4, %dma_wait3A_25] : memref<6144x512xi32, #tpu.memory_space<hbm>> -> memref<96x512xi32, #tpu.memory_space<hbm>>
      tpu.wait_dma2 semaphore(%run_scoped3A : memref<!tpu.dma_semaphore, #tpu.memory_space<semaphore_mem>>) src(%arg6 : memref<96x512xi32, #tpu.memory_space<vmem>>) dst(%dma_wait3A_26 : memref<96x512xi32, #tpu.memory_space<hbm>>)
      tpu.yield
    }) : () -> ()
    %mul3A_9 = arith.constant 192 : i32
    %mul3A_10 = arith.muli %add3A, %mul3A_9 : i32
    %add3A_11 = arith.constant 96 : i32
    %add3A_12 = arith.addi %mul3A_10, %add3A_11 : i32
    "tpu.region"() ({
      %run_scoped3A = tpu.sem_alloc : memref<!tpu.dma_semaphore, #tpu.memory_space<semaphore_mem>>
      %dma_start3A_19 = tpu.memref_slice %arg3[%add3A_12] : memref<6144xi32, #tpu.memory_space<hbm>> -> memref<96xi32, #tpu.memory_space<hbm>>
      %dma_start3A_20 = tpu.memref_slice %arg3[%add3A_12] : memref<6144xi32, #tpu.memory_space<hbm>> -> memref<96xi32, #tpu.memory_space<hbm>>
      tpu.enqueue_dma source(%dma_start3A_20 : memref<96xi32, #tpu.memory_space<hbm>>) target(%arg5 : memref<96xi32, #tpu.memory_space<vmem>>) target_semaphore(%run_scoped3A : memref<!tpu.dma_semaphore, #tpu.memory_space<semaphore_mem>>)
      %dma_wait3A_21 = tpu.memref_slice %arg3[%add3A_12] : memref<6144xi32, #tpu.memory_space<hbm>> -> memref<96xi32, #tpu.memory_space<hbm>>
      %dma_wait3A_22 = tpu.memref_slice %arg3[%add3A_12] : memref<6144xi32, #tpu.memory_space<hbm>> -> memref<96xi32, #tpu.memory_space<hbm>>
      tpu.wait_dma2 semaphore(%run_scoped3A : memref<!tpu.dma_semaphore, #tpu.memory_space<semaphore_mem>>) src(%dma_wait3A_22 : memref<96xi32, #tpu.memory_space<hbm>>) dst(%arg5 : memref<96xi32, #tpu.memory_space<vmem>>)
      tpu.yield
    }) : () -> ()
    %dma_start3A_13 = arith.constant 0 : i32
    %dma_start3A_14 = arith.constant 0 : i32
    %dma_start3A_15 = tpu.memref_slice %arg2[%dma_start3A_13, %dma_start3A_14] : memref<2048x512xi32, #tpu.memory_space<hbm>> -> memref<2048x512xi32, #tpu.memory_space<hbm>>
    tpu.enqueue_indirect_dma source(%dma_start3A_15 : memref<2048x512xi32, #tpu.memory_space<hbm>>) target(%arg6 : memref<96x512xi32, #tpu.memory_space<vmem>>) offsets(%arg5 : memref<96xi32, #tpu.memory_space<vmem>>) semaphore(%arg7 : memref<!tpu.dma_semaphore, #tpu.memory_space<semaphore_mem>>)
    %dma_wait3A_16 = arith.constant 0 : i32
    %dma_wait3A_17 = arith.constant 0 : i32
    %dma_wait3A_18 = tpu.memref_slice %arg2[%dma_wait3A_16, %dma_wait3A_17] : memref<2048x512xi32, #tpu.memory_space<hbm>> -> memref<2048x512xi32, #tpu.memory_space<hbm>>
    tpu.wait_indirect_dma semaphore(%arg7 : memref<!tpu.dma_semaphore, #tpu.memory_space<semaphore_mem>>) src(%dma_wait3A_18 : memref<2048x512xi32, #tpu.memory_space<hbm>>) dst(%arg6 : memref<96x512xi32, #tpu.memory_space<vmem>>)
    "tpu.region"() ({
      %run_scoped3A = tpu.sem_alloc : memref<!tpu.dma_semaphore, #tpu.memory_space<semaphore_mem>>
      %dma_start3A_19 = arith.constant 0 : i32
      %dma_start3A_20 = tpu.memref_slice %arg4[%add3A_12, %dma_start3A_19] : memref<6144x512xi32, #tpu.memory_space<hbm>> -> memref<96x512xi32, #tpu.memory_space<hbm>>
      %dma_start3A_21 = arith.constant 0 : i32
      %dma_start3A_22 = tpu.memref_slice %arg4[%add3A_12, %dma_start3A_21] : memref<6144x512xi32, #tpu.memory_space<hbm>> -> memref<96x512xi32, #tpu.memory_space<hbm>>
      tpu.enqueue_dma source(%arg6 : memref<96x512xi32, #tpu.memory_space<vmem>>) target(%dma_start3A_22 : memref<96x512xi32, #tpu.memory_space<hbm>>) target_semaphore(%run_scoped3A : memref<!tpu.dma_semaphore, #tpu.memory_space<semaphore_mem>>)
      %dma_wait3A_23 = arith.constant 0 : i32
      %dma_wait3A_24 = tpu.memref_slice %arg4[%add3A_12, %dma_wait3A_23] : memref<6144x512xi32, #tpu.memory_space<hbm>> -> memref<96x512xi32, #tpu.memory_space<hbm>>
      %dma_wait3A_25 = arith.constant 0 : i32
      %dma_wait3A_26 = tpu.memref_slice %arg4[%add3A_12, %dma_wait3A_25] : memref<6144x512xi32, #tpu.memory_space<hbm>> -> memref<96x512xi32, #tpu.memory_space<hbm>>
      tpu.wait_dma2 semaphore(%run_scoped3A : memref<!tpu.dma_semaphore, #tpu.memory_space<semaphore_mem>>) src(%arg6 : memref<96x512xi32, #tpu.memory_space<vmem>>) dst(%dma_wait3A_26 : memref<96x512xi32, #tpu.memory_space<hbm>>)
      tpu.yield
    }) : () -> ()
    return
  }
}

module attributes {stable_mosaic.version = 14 : i64} {
  func.func @_router_body(%arg0: i32, %arg1: memref<256x1024xf32, #tpu.memory_space<vmem>>, %arg2: memref<1024x8xf32, #tpu.memory_space<vmem>>, %arg3: memref<256x1xi32, #tpu.memory_space<vmem>>, %arg4: memref<256x1xi32, #tpu.memory_space<vmem>>, %arg5: memref<256x1xi32, #tpu.memory_space<vmem>>, %arg6: memref<256x1xi32, #tpu.memory_space<vmem>>, %arg7: memref<256x1xf32, #tpu.memory_space<vmem>>, %arg8: memref<256x1xf32, #tpu.memory_space<vmem>>, %arg9: memref<8x8xf32, #tpu.memory_space<vmem>>, %arg10: memref<8x128xf32, #tpu.memory_space<vmem>>) attributes {dimension_semantics = [#tpu.dimension_semantics<arbitrary>], iteration_bounds = array<i64: 8>, scalar_prefetch = 0 : i64, scratch_operands = 1 : i64, tpu.core_type = #tpu.core_type<tc>, window_params = [{transform_indices = @transform_0, window_bounds = array<i64: 256, 1024>}, {pipeline_mode = #tpu.pipeline_mode<synchronous>, transform_indices = @transform_1, window_bounds = array<i64: 1024, 8>}, {transform_indices = @transform_2, window_bounds = array<i64: 256, 1>}, {transform_indices = @transform_3, window_bounds = array<i64: 256, 1>}, {transform_indices = @transform_4, window_bounds = array<i64: 256, 1>}, {transform_indices = @transform_5, window_bounds = array<i64: 256, 1>}, {transform_indices = @transform_6, window_bounds = array<i64: 256, 1>}, {transform_indices = @transform_7, window_bounds = array<i64: 256, 1>}, {pipeline_mode = #tpu.pipeline_mode<synchronous>, transform_indices = @transform_8, window_bounds = array<i64: 8, 8>}]} {
    %get3A = arith.constant 0 : index
    %get3A_0 = arith.constant 0 : index
    %get3A_1 = vector.load %arg1[%get3A, %get3A_0] : memref<256x1024xf32, #tpu.memory_space<vmem>>, vector<256x1024xf32>
    %convert_element_type3A = arith.truncf %get3A_1 : vector<256x1024xf32> to vector<256x1024xbf16>
    %get3A_2 = arith.constant 0 : index
    %get3A_3 = arith.constant 0 : index
    %get3A_4 = vector.load %arg2[%get3A_2, %get3A_3] : memref<1024x8xf32, #tpu.memory_space<vmem>>, vector<1024x8xf32>
    %convert_element_type3A_5 = arith.truncf %get3A_4 : vector<1024x8xf32> to vector<1024x8xbf16>
    %dot_general3A = arith.constant dense<0.000000e+00> : vector<256x8xf32>
    %dot_general3A_6 = tpu.matmul %convert_element_type3A, %convert_element_type3A_5, %dot_general3A {dimension_numbers = #tpu.dot_dimension_numbers<[1], [0], [0], [1], [0, 0, 1, 1], [], []>, transpose_lhs_hint = false} : vector<256x1024xbf16>, vector<1024x8xbf16>, vector<256x8xf32> -> vector<256x8xf32>
    %iota3A = tpu.iota {dimensions = array<i32: 1>} : vector<256x8xi32>
    %reduce_max3A = arith.constant dense<0xFF800000> : vector<256xf32>
    %reduce_max3A_7 = vector.multi_reduction <maximumf>, %dot_general3A_6, %reduce_max3A [1] : vector<256x8xf32> to vector<256xf32>
    %broadcast_in_dim3A = vector.shape_cast %reduce_max3A_7 : vector<256xf32> to vector<256x1xf32>
    %eq3A = vector.broadcast %broadcast_in_dim3A : vector<256x1xf32> to vector<256x8xf32>
    %eq3A_8 = arith.cmpf oeq, %dot_general3A_6, %eq3A : vector<256x8xf32>
    %jit3A = arith.constant 8 : i32
    %broadcast_in_dim3A_9 = vector.broadcast %jit3A : i32 to vector<256x8xi32>
    %select_n3A = arith.select %eq3A_8, %iota3A, %broadcast_in_dim3A_9 : vector<256x8xi1>, vector<256x8xi32>
    %reduce_min3A = arith.constant dense<2147483647> : vector<256xi32>
    %reduce_min3A_10 = vector.multi_reduction <minsi>, %select_n3A, %reduce_min3A [1] : vector<256x8xi32> to vector<256xi32>
    %broadcast_in_dim3A_11 = vector.shape_cast %reduce_min3A_10 : vector<256xi32> to vector<256x1xi32>
    %eq3A_12 = vector.broadcast %broadcast_in_dim3A_11 : vector<256x1xi32> to vector<256x8xi32>
    %eq3A_13 = arith.cmpi eq, %iota3A, %eq3A_12 : vector<256x8xi32>
    %jit3A_14 = arith.constant 0xFF800000 : f32
    %broadcast_in_dim3A_15 = vector.broadcast %jit3A_14 : f32 to vector<256x8xf32>
    %select_n3A_16 = arith.select %eq3A_13, %broadcast_in_dim3A_15, %dot_general3A_6 : vector<256x8xi1>, vector<256x8xf32>
    %reduce_max3A_17 = arith.constant dense<0xFF800000> : vector<256xf32>
    %reduce_max3A_18 = vector.multi_reduction <maximumf>, %select_n3A_16, %reduce_max3A_17 [1] : vector<256x8xf32> to vector<256xf32>
    %broadcast_in_dim3A_19 = vector.shape_cast %reduce_max3A_18 : vector<256xf32> to vector<256x1xf32>
    %eq3A_20 = vector.broadcast %broadcast_in_dim3A_19 : vector<256x1xf32> to vector<256x8xf32>
    %eq3A_21 = arith.cmpf oeq, %select_n3A_16, %eq3A_20 : vector<256x8xf32>
    %jit3A_22 = arith.constant 8 : i32
    %broadcast_in_dim3A_23 = vector.broadcast %jit3A_22 : i32 to vector<256x8xi32>
    %select_n3A_24 = arith.select %eq3A_21, %iota3A, %broadcast_in_dim3A_23 : vector<256x8xi1>, vector<256x8xi32>
    %reduce_min3A_25 = arith.constant dense<2147483647> : vector<256xi32>
    %reduce_min3A_26 = vector.multi_reduction <minsi>, %select_n3A_24, %reduce_min3A_25 [1] : vector<256x8xi32> to vector<256xi32>
    %broadcast_in_dim3A_27 = vector.shape_cast %reduce_min3A_26 : vector<256xi32> to vector<256x1xi32>
    %sub3A = arith.subf %broadcast_in_dim3A, %broadcast_in_dim3A_19 : vector<256x1xf32>
    %exp3A = math.exp %sub3A : vector<256x1xf32>
    %add3A = arith.constant 1.000000e+00 : f32
    %add3A_28 = vector.broadcast %add3A : f32 to vector<256x1xf32>
    %add3A_29 = arith.addf %add3A_28, %exp3A : vector<256x1xf32>
    %div3A = arith.constant 1.000000e+00 : f32
    %div3A_30 = vector.broadcast %div3A : f32 to vector<256x1xf32>
    %div3A_31 = arith.divf %div3A_30, %add3A_29 : vector<256x1xf32>
    %sub3A_32 = arith.constant 1.000000e+00 : f32
    %sub3A_33 = vector.broadcast %sub3A_32 : f32 to vector<256x1xf32>
    %sub3A_34 = arith.subf %sub3A_33, %div3A_31 : vector<256x1xf32>
    %eq3A_35 = vector.broadcast %broadcast_in_dim3A_11 : vector<256x1xi32> to vector<256x8xi32>
    %eq3A_36 = arith.cmpi eq, %iota3A, %eq3A_35 : vector<256x8xi32>
    %eq3A_37 = vector.broadcast %broadcast_in_dim3A_27 : vector<256x1xi32> to vector<256x8xi32>
    %eq3A_38 = arith.cmpi eq, %iota3A, %eq3A_37 : vector<256x8xi32>
    %or3A = arith.ori %eq3A_36, %eq3A_38 : vector<256x8xi1>
    %convert_element_type3A_39 = arith.extui %or3A : vector<256x8xi1> to vector<256x8xi32>
    %convert_element_type3A_40 = arith.sitofp %convert_element_type3A_39 : vector<256x8xi32> to vector<256x8xf32>
    %convert_element_type3A_41 = arith.truncf %convert_element_type3A_40 : vector<256x8xf32> to vector<256x8xbf16>
    %iota3A_42 = tpu.iota {dimensions = array<i32: 0>} : vector<256x256xi32>
    %iota3A_43 = tpu.iota {dimensions = array<i32: 1>} : vector<256x256xi32>
    %lt3A = arith.cmpi slt, %iota3A_43, %iota3A_42 : vector<256x256xi32>
    %convert_element_type3A_44 = arith.extui %lt3A : vector<256x256xi1> to vector<256x256xi32>
    %convert_element_type3A_45 = arith.sitofp %convert_element_type3A_44 : vector<256x256xi32> to vector<256x256xf32>
    %convert_element_type3A_46 = arith.truncf %convert_element_type3A_45 : vector<256x256xf32> to vector<256x256xbf16>
    %dot_general3A_47 = arith.constant dense<0.000000e+00> : vector<256x8xf32>
    %dot_general3A_48 = tpu.matmul %convert_element_type3A_46, %convert_element_type3A_41, %dot_general3A_47 {dimension_numbers = #tpu.dot_dimension_numbers<[1], [0], [0], [1], [0, 0, 1, 1], [], []>, transpose_lhs_hint = false} : vector<256x256xbf16>, vector<256x8xbf16>, vector<256x8xf32> -> vector<256x8xf32>
    %eq3A_49 = arith.constant 0 : i32
    %eq3A_50 = arith.cmpi eq, %arg0, %eq3A_49 : i32
    %convert_element_type3A_51 = arith.extui %eq3A_50 : i1 to i32
    %cond3A = arith.constant 0 : i32
    %cond3A_52 = arith.cmpi ne, %convert_element_type3A_51, %cond3A : i32
    scf.if %cond3A_52 {
      %broadcast_in_dim3A_105 = arith.constant 0.000000e+00 : f32
      %broadcast_in_dim3A_106 = vector.broadcast %broadcast_in_dim3A_105 : f32 to vector<8x128xf32>
      %swap3A_107 = arith.constant 0 : index
      %swap3A_108 = arith.constant 0 : index
      %swap3A_109 = vector.load %arg10[%swap3A_107, %swap3A_108] : memref<8x128xf32, #tpu.memory_space<vmem>>, vector<8x128xf32>
      tpu.vector_store %arg10[%swap3A_107, %swap3A_108], %broadcast_in_dim3A_106 {strides = array<i32>} : memref<8x128xf32, #tpu.memory_space<vmem>>, vector<8x128xf32>,
    } else {
    }
    %get3A_53 = arith.constant 0 : index
    %get3A_54 = arith.constant 0 : index
    %get3A_55 = vector.load %arg10[%get3A_53, %get3A_54] : memref<8x128xf32, #tpu.memory_space<vmem>>, vector<1x8xf32>
    %add3A_56 = vector.broadcast %get3A_55 : vector<1x8xf32> to vector<256x8xf32>
    %add3A_57 = arith.addf %dot_general3A_48, %add3A_56 : vector<256x8xf32>
    %convert_element_type3A_58 = arith.extf %convert_element_type3A_41 : vector<256x8xbf16> to vector<256x8xf32>
    %reduce_sum3A = arith.constant dense<0.000000e+00> : vector<8xf32>
    %reduce_sum3A_59 = vector.multi_reduction <add>, %convert_element_type3A_58, %reduce_sum3A [0] : vector<256x8xf32> to vector<8xf32>
    %broadcast_in_dim3A_60 = vector.shape_cast %reduce_sum3A_59 : vector<8xf32> to vector<1x8xf32>
    %add3A_61 = arith.addf %get3A_55, %broadcast_in_dim3A_60 : vector<1x8xf32>
    %swap3A = arith.constant 0 : index
    %swap3A_62 = arith.constant 0 : index
    %swap3A_63 = vector.load %arg10[%swap3A, %swap3A_62] : memref<8x128xf32, #tpu.memory_space<vmem>>, vector<1x8xf32>
    tpu.vector_store %arg10[%swap3A, %swap3A_62], %add3A_61 {strides = array<i32>} : memref<8x128xf32, #tpu.memory_space<vmem>>, vector<1x8xf32>,
    %swap3A_64 = arith.constant 0 : index
    %swap3A_65 = arith.constant 0 : index
    %swap3A_66 = vector.load %arg3[%swap3A_64, %swap3A_65] : memref<256x1xi32, #tpu.memory_space<vmem>>, vector<256x1xi32>
    tpu.vector_store %arg3[%swap3A_64, %swap3A_65], %broadcast_in_dim3A_11 {strides = array<i32>} : memref<256x1xi32, #tpu.memory_space<vmem>>, vector<256x1xi32>,
    %swap3A_67 = arith.constant 0 : index
    %swap3A_68 = arith.constant 0 : index
    %swap3A_69 = vector.load %arg4[%swap3A_67, %swap3A_68] : memref<256x1xi32, #tpu.memory_space<vmem>>, vector<256x1xi32>
    tpu.vector_store %arg4[%swap3A_67, %swap3A_68], %broadcast_in_dim3A_27 {strides = array<i32>} : memref<256x1xi32, #tpu.memory_space<vmem>>, vector<256x1xi32>,
    %eq3A_70 = vector.broadcast %broadcast_in_dim3A_11 : vector<256x1xi32> to vector<256x8xi32>
    %eq3A_71 = arith.cmpi eq, %iota3A, %eq3A_70 : vector<256x8xi32>
    %jit3A_72 = arith.constant 0.000000e+00 : f32
    %broadcast_in_dim3A_73 = vector.broadcast %jit3A_72 : f32 to vector<256x8xf32>
    %select_n3A_74 = arith.select %eq3A_71, %add3A_57, %broadcast_in_dim3A_73 : vector<256x8xi1>, vector<256x8xf32>
    %reduce_sum3A_75 = arith.constant dense<0.000000e+00> : vector<256xf32>
    %reduce_sum3A_76 = vector.multi_reduction <add>, %select_n3A_74, %reduce_sum3A_75 [1] : vector<256x8xf32> to vector<256xf32>
    %broadcast_in_dim3A_77 = vector.shape_cast %reduce_sum3A_76 : vector<256xf32> to vector<256x1xf32>
    %convert_element_type3A_78 = arith.fptosi %broadcast_in_dim3A_77 : vector<256x1xf32> to vector<256x1xi32>
    %swap3A_79 = arith.constant 0 : index
    %swap3A_80 = arith.constant 0 : index
    %swap3A_81 = vector.load %arg5[%swap3A_79, %swap3A_80] : memref<256x1xi32, #tpu.memory_space<vmem>>, vector<256x1xi32>
    tpu.vector_store %arg5[%swap3A_79, %swap3A_80], %convert_element_type3A_78 {strides = array<i32>} : memref<256x1xi32, #tpu.memory_space<vmem>>, vector<256x1xi32>,
    %eq3A_82 = vector.broadcast %broadcast_in_dim3A_27 : vector<256x1xi32> to vector<256x8xi32>
    %eq3A_83 = arith.cmpi eq, %iota3A, %eq3A_82 : vector<256x8xi32>
    %jit3A_84 = arith.constant 0.000000e+00 : f32
    %broadcast_in_dim3A_85 = vector.broadcast %jit3A_84 : f32 to vector<256x8xf32>
    %select_n3A_86 = arith.select %eq3A_83, %add3A_57, %broadcast_in_dim3A_85 : vector<256x8xi1>, vector<256x8xf32>
    %reduce_sum3A_87 = arith.constant dense<0.000000e+00> : vector<256xf32>
    %reduce_sum3A_88 = vector.multi_reduction <add>, %select_n3A_86, %reduce_sum3A_87 [1] : vector<256x8xf32> to vector<256xf32>
    %broadcast_in_dim3A_89 = vector.shape_cast %reduce_sum3A_88 : vector<256xf32> to vector<256x1xf32>
    %convert_element_type3A_90 = arith.fptosi %broadcast_in_dim3A_89 : vector<256x1xf32> to vector<256x1xi32>
    %swap3A_91 = arith.constant 0 : index
    %swap3A_92 = arith.constant 0 : index
    %swap3A_93 = vector.load %arg6[%swap3A_91, %swap3A_92] : memref<256x1xi32, #tpu.memory_space<vmem>>, vector<256x1xi32>
    tpu.vector_store %arg6[%swap3A_91, %swap3A_92], %convert_element_type3A_90 {strides = array<i32>} : memref<256x1xi32, #tpu.memory_space<vmem>>, vector<256x1xi32>,
    %swap3A_94 = arith.constant 0 : index
    %swap3A_95 = arith.constant 0 : index
    %swap3A_96 = vector.load %arg7[%swap3A_94, %swap3A_95] : memref<256x1xf32, #tpu.memory_space<vmem>>, vector<256x1xf32>
    tpu.vector_store %arg7[%swap3A_94, %swap3A_95], %sub3A_34 {strides = array<i32>} : memref<256x1xf32, #tpu.memory_space<vmem>>, vector<256x1xf32>,
    %swap3A_97 = arith.constant 0 : index
    %swap3A_98 = arith.constant 0 : index
    %swap3A_99 = vector.load %arg8[%swap3A_97, %swap3A_98] : memref<256x1xf32, #tpu.memory_space<vmem>>, vector<256x1xf32>
    tpu.vector_store %arg8[%swap3A_97, %swap3A_98], %div3A_31 {strides = array<i32>} : memref<256x1xf32, #tpu.memory_space<vmem>>, vector<256x1xf32>,
    %eq3A_100 = arith.constant 7 : i32
    %eq3A_101 = arith.cmpi eq, %arg0, %eq3A_100 : i32
    %convert_element_type3A_102 = arith.extui %eq3A_101 : i1 to i32
    %cond3A_103 = arith.constant 0 : i32
    %cond3A_104 = arith.cmpi ne, %convert_element_type3A_102, %cond3A_103 : i32
    scf.if %cond3A_104 {
      %broadcast_in_dim3A_105 = vector.shape_cast %add3A_61 : vector<1x8xf32> to vector<1x8xf32>
      %broadcast_in_dim3A_106 = vector.broadcast %broadcast_in_dim3A_105 : vector<1x8xf32> to vector<8x8xf32>
      %swap3A_107 = arith.constant 0 : index
      %swap3A_108 = arith.constant 0 : index
      %swap3A_109 = vector.load %arg9[%swap3A_107, %swap3A_108] : memref<8x8xf32, #tpu.memory_space<vmem>>, vector<8x8xf32>
      tpu.vector_store %arg9[%swap3A_107, %swap3A_108], %broadcast_in_dim3A_106 {strides = array<i32>} : memref<8x8xf32, #tpu.memory_space<vmem>>, vector<8x8xf32>,
    } else {
    }
    return
  }
  func.func @transform_0(%arg0: i32) -> (i32, i32) {
    %c0_i32 = arith.constant 0 : i32
    %c0_i32_0 = arith.constant 0 : i32
    return %arg0, %c0_i32 : i32, i32
  }
  func.func @transform_1(%arg0: i32) -> (i32, i32) {
    %c0_i32 = arith.constant 0 : i32
    %c0_i32_0 = arith.constant 0 : i32
    %c0_i32_1 = arith.constant 0 : i32
    return %c0_i32, %c0_i32_0 : i32, i32
  }
  func.func @transform_2(%arg0: i32) -> (i32, i32) {
    %c0_i32 = arith.constant 0 : i32
    %c0_i32_0 = arith.constant 0 : i32
    return %arg0, %c0_i32 : i32, i32
  }
  func.func @transform_3(%arg0: i32) -> (i32, i32) {
    %c0_i32 = arith.constant 0 : i32
    %c0_i32_0 = arith.constant 0 : i32
    return %arg0, %c0_i32 : i32, i32
  }
  func.func @transform_4(%arg0: i32) -> (i32, i32) {
    %c0_i32 = arith.constant 0 : i32
    %c0_i32_0 = arith.constant 0 : i32
    return %arg0, %c0_i32 : i32, i32
  }
  func.func @transform_5(%arg0: i32) -> (i32, i32) {
    %c0_i32 = arith.constant 0 : i32
    %c0_i32_0 = arith.constant 0 : i32
    return %arg0, %c0_i32 : i32, i32
  }
  func.func @transform_6(%arg0: i32) -> (i32, i32) {
    %c0_i32 = arith.constant 0 : i32
    %c0_i32_0 = arith.constant 0 : i32
    return %arg0, %c0_i32 : i32, i32
  }
  func.func @transform_7(%arg0: i32) -> (i32, i32) {
    %c0_i32 = arith.constant 0 : i32
    %c0_i32_0 = arith.constant 0 : i32
    return %arg0, %c0_i32 : i32, i32
  }
  func.func @transform_8(%arg0: i32) -> (i32, i32) {
    %c0_i32 = arith.constant 0 : i32
    %c0_i32_0 = arith.constant 0 : i32
    %c0_i32_1 = arith.constant 0 : i32
    return %c0_i32, %c0_i32_0 : i32, i32
  }
}

module attributes {stable_mosaic.version = 14 : i64} {
  func.func @_ffn_body(%arg0: i32, %arg1: memref<24xi32, #tpu.memory_space<smem>>, %arg2: memref<256x1024xbf16, #tpu.memory_space<vmem>>, %arg3: memref<1x1024x2048xbf16, #tpu.memory_space<vmem>>, %arg4: memref<1x1024x2048xbf16, #tpu.memory_space<vmem>>, %arg5: memref<1x2048x1024xbf16, #tpu.memory_space<vmem>>, %arg6: memref<256x1xf32, #tpu.memory_space<vmem>>, %arg7: memref<256x1024xf32, #tpu.memory_space<vmem>>) attributes {dimension_semantics = [#tpu.dimension_semantics<arbitrary>], iteration_bounds = array<i64: 24>, scalar_prefetch = 1 : i64, scratch_operands = 0 : i64, tpu.core_type = #tpu.core_type<tc>, window_params = [{transform_indices = @transform_0, window_bounds = array<i64: 256, 1024>}, {transform_indices = @transform_1, window_bounds = array<i64: 1, 1024, 2048>}, {transform_indices = @transform_2, window_bounds = array<i64: 1, 1024, 2048>}, {transform_indices = @transform_3, window_bounds = array<i64: 1, 2048, 1024>}, {transform_indices = @transform_4, window_bounds = array<i64: 256, 1>}, {transform_indices = @transform_5, window_bounds = array<i64: 256, 1024>}]} {
    %get3A = arith.constant 0 : index
    %get3A_0 = arith.constant 0 : index
    %get3A_1 = vector.load %arg2[%get3A, %get3A_0] : memref<256x1024xbf16, #tpu.memory_space<vmem>>, vector<256x1024xbf16>
    %get3A_2 = arith.constant 0 : index
    %get3A_3 = arith.constant 0 : index
    %get3A_4 = arith.constant 0 : index
    %get3A_5 = vector.load %arg3[%get3A_2, %get3A_3, %get3A_4] : memref<1x1024x2048xbf16, #tpu.memory_space<vmem>>, vector<1x1024x2048xbf16>
    %get3A_6 = vector.shape_cast %get3A_5 : vector<1x1024x2048xbf16> to vector<1024x2048xbf16>
    %dot_general3A = arith.constant dense<0.000000e+00> : vector<256x2048xf32>
    %dot_general3A_7 = tpu.matmul %get3A_1, %get3A_6, %dot_general3A {dimension_numbers = #tpu.dot_dimension_numbers<[1], [0], [0], [1], [0, 0, 1, 1], [], []>, transpose_lhs_hint = false} : vector<256x1024xbf16>, vector<1024x2048xbf16>, vector<256x2048xf32> -> vector<256x2048xf32>
    %get3A_8 = arith.constant 0 : index
    %get3A_9 = arith.constant 0 : index
    %get3A_10 = arith.constant 0 : index
    %get3A_11 = vector.load %arg4[%get3A_8, %get3A_9, %get3A_10] : memref<1x1024x2048xbf16, #tpu.memory_space<vmem>>, vector<1x1024x2048xbf16>
    %get3A_12 = vector.shape_cast %get3A_11 : vector<1x1024x2048xbf16> to vector<1024x2048xbf16>
    %dot_general3A_13 = arith.constant dense<0.000000e+00> : vector<256x2048xf32>
    %dot_general3A_14 = tpu.matmul %get3A_1, %get3A_12, %dot_general3A_13 {dimension_numbers = #tpu.dot_dimension_numbers<[1], [0], [0], [1], [0, 0, 1, 1], [], []>, transpose_lhs_hint = false} : vector<256x1024xbf16>, vector<1024x2048xbf16>, vector<256x2048xf32> -> vector<256x2048xf32>
    %logistic3A = arith.negf %dot_general3A_7 : vector<256x2048xf32>
    %logistic3A_15 = math.exp %logistic3A : vector<256x2048xf32>
    %logistic3A_16 = arith.constant 1.000000e+00 : f32
    %logistic3A_17 = vector.broadcast %logistic3A_16 : f32 to vector<256x2048xf32>
    %logistic3A_18 = arith.addf %logistic3A_17, %logistic3A_15 : vector<256x2048xf32>
    %logistic3A_19 = arith.divf %logistic3A_17, %logistic3A_18 : vector<256x2048xf32>
    %mul3A = arith.mulf %dot_general3A_7, %logistic3A_19 : vector<256x2048xf32>
    %mul3A_20 = arith.mulf %mul3A, %dot_general3A_14 : vector<256x2048xf32>
    %convert_element_type3A = arith.truncf %mul3A_20 : vector<256x2048xf32> to vector<256x2048xbf16>
    %get3A_21 = arith.constant 0 : index
    %get3A_22 = arith.constant 0 : index
    %get3A_23 = arith.constant 0 : index
    %get3A_24 = vector.load %arg5[%get3A_21, %get3A_22, %get3A_23] : memref<1x2048x1024xbf16, #tpu.memory_space<vmem>>, vector<1x2048x1024xbf16>
    %get3A_25 = vector.shape_cast %get3A_24 : vector<1x2048x1024xbf16> to vector<2048x1024xbf16>
    %dot_general3A_26 = arith.constant dense<0.000000e+00> : vector<256x1024xf32>
    %dot_general3A_27 = tpu.matmul %convert_element_type3A, %get3A_25, %dot_general3A_26 {dimension_numbers = #tpu.dot_dimension_numbers<[1], [0], [0], [1], [0, 0, 1, 1], [], []>, transpose_lhs_hint = false} : vector<256x2048xbf16>, vector<2048x1024xbf16>, vector<256x1024xf32> -> vector<256x1024xf32>
    %get3A_28 = arith.constant 0 : index
    %get3A_29 = arith.constant 0 : index
    %get3A_30 = vector.load %arg6[%get3A_28, %get3A_29] : memref<256x1xf32, #tpu.memory_space<vmem>>, vector<256x1xf32>
    %mul3A_31 = vector.broadcast %get3A_30 : vector<256x1xf32> to vector<256x1024xf32>
    %mul3A_32 = arith.mulf %dot_general3A_27, %mul3A_31 : vector<256x1024xf32>
    %swap3A = arith.constant 0 : index
    %swap3A_33 = arith.constant 0 : index
    %swap3A_34 = vector.load %arg7[%swap3A, %swap3A_33] : memref<256x1024xf32, #tpu.memory_space<vmem>>, vector<256x1024xf32>
    tpu.vector_store %arg7[%swap3A, %swap3A_33], %mul3A_32 {strides = array<i32>} : memref<256x1024xf32, #tpu.memory_space<vmem>>, vector<256x1024xf32>,
    return
  }
  func.func @transform_0(%arg0: i32, %arg1: memref<24xi32, #tpu.memory_space<smem>>) -> (i32, i32) {
    %c0_i32 = arith.constant 0 : i32
    %c0_i32_0 = arith.constant 0 : i32
    return %arg0, %c0_i32 : i32, i32
  }
  func.func @transform_1(%arg0: i32, %arg1: memref<24xi32, #tpu.memory_space<smem>>) -> (i32, i32, i32) {
    %get3A = arith.index_cast %arg0 : i32 to index
    %get3A_0 = memref.load %arg1[%get3A] : memref<24xi32, #tpu.memory_space<smem>>
    %c0_i32 = arith.constant 0 : i32
    %c0_i32_1 = arith.constant 0 : i32
    %c0_i32_2 = arith.constant 0 : i32
    return %get3A_0, %c0_i32, %c0_i32_1 : i32, i32, i32
  }
  func.func @transform_2(%arg0: i32, %arg1: memref<24xi32, #tpu.memory_space<smem>>) -> (i32, i32, i32) {
    %get3A = arith.index_cast %arg0 : i32 to index
    %get3A_0 = memref.load %arg1[%get3A] : memref<24xi32, #tpu.memory_space<smem>>
    %c0_i32 = arith.constant 0 : i32
    %c0_i32_1 = arith.constant 0 : i32
    %c0_i32_2 = arith.constant 0 : i32
    return %get3A_0, %c0_i32, %c0_i32_1 : i32, i32, i32
  }
  func.func @transform_3(%arg0: i32, %arg1: memref<24xi32, #tpu.memory_space<smem>>) -> (i32, i32, i32) {
    %get3A = arith.index_cast %arg0 : i32 to index
    %get3A_0 = memref.load %arg1[%get3A] : memref<24xi32, #tpu.memory_space<smem>>
    %c0_i32 = arith.constant 0 : i32
    %c0_i32_1 = arith.constant 0 : i32
    %c0_i32_2 = arith.constant 0 : i32
    return %get3A_0, %c0_i32, %c0_i32_1 : i32, i32, i32
  }
  func.func @transform_4(%arg0: i32, %arg1: memref<24xi32, #tpu.memory_space<smem>>) -> (i32, i32) {
    %c0_i32 = arith.constant 0 : i32
    %c0_i32_0 = arith.constant 0 : i32
    return %arg0, %c0_i32 : i32, i32
  }
  func.func @transform_5(%arg0: i32, %arg1: memref<24xi32, #tpu.memory_space<smem>>) -> (i32, i32) {
    %c0_i32 = arith.constant 0 : i32
    %c0_i32_0 = arith.constant 0 : i32
    return %arg0, %c0_i32 : i32, i32
  }
}

</mosaic_0001>

<sc_bundles>
// kernel: kernel.10.cloned.1.call-start
scs
__scs_entry_jumppad:
0x0: {  	(pc) =	sbr.rel $0x88, $3  }
0x1: {  	(tag) =	ssettag $0x0;
	lr =	simm.s32 $0x1  }
0x2: {  	[smem:$0x3F9C] =	sst lr;
	_ =	strace $0xD0000000  }
0x3: {  	_ = 	snop  }
0x4: {  	_ = 	snop  }
0x5: {  	_ = 	snop  }
0x6: {  	_ = 	snop  }
0x7: {  	_ = 	snop  }
__scs_overlays_trampoline_lowered:
0x8: {  	[smem:$0x3FAB] =	sst s0  }
0x9: {  	[smem:$0x3FAC] =	sst s1  }
0xa: {  	[smem:$0x3FAD] =	sst s2  }
0xb: {  	[smem:$0x3FAE] =	sst s3  }
0xc: {  	[smem:$0x3FAF] =	sst s4  }
0xd: {  	[smem:$0x3FB0] =	sst s5  }
0xe: {  	[smem:$0x3FB1] =	sst s6  }
0xf: {  	[smem:$0x3FB2] =	sst s7  }
0x10: {  	[smem:$0x3FB3] =	sst s8  }
0x11: {  	[smem:$0x3FB4] =	sst s9;
	s0 =	simm.s32 @!p0 $0x0  }
0x12: {  	s1 =	sld [smem:$0x3F9A];
	s0 =	simm.s32 @p0 $0x1  }
0x13: {  	[smem:$0x3FB5] =	sst s0;
	s0 =	simm.s32 @!p1 $0x0  }
0x14: {  	s2 =	sld [smem:$0x3F99];
	s0 =	simm.s32 @p1 $0x1  }
0x15: {  	[smem:$0x3FB6] =	sst s0;
	s0 =	simm.s32 @!p2 $0x0  }
0x16: {  	s3 =	sld [smem:$0x3FDB];
	s0 =	simm.s32 @p2 $0x1  }
0x17: {  	s4 =	simm.s32 $0x1BF5;
	[smem:$0x3FB8] =	sst s0  }
0x18: {  	s0 =	sld [smem:$0x3F9B];
	_ =	swait.ge [sflag:s4], $0x0  }
0x19: {  	s7 =	sld [smem:$0x3F9C]  }
0x1a: {  	s8 =	sadd.s32 $0xFFFFE003, lr  }
0x1b: {  	s9 =	sadd.s32 $0xFFFFFEF7, lr;
	s5 =	simm.s32 $0xFFFFFFFF;
	p2 =	slt.u32 s8, $0xFFFFF086  }
0x1c: {  	p1 =	slt.u32 s9, $0xF7A;
	s5 =	simm.s32 @!p2 $0x0  }
0x1d: {  	s5 =	simm.s32 @p1 $0x1;
	p0 =	seq.s32 s7, s2  }
0x1e: {  	s7 =	smul.u32 @!p0 $0xF7A, s2;
	p2 =	seq.s32 @!p0 s5, $0x0  }
0x1f: {  	s9 =	smul.u32 $0xF7A, s1;
	s8 =	simm.s32 @!p0 $0x1BF5;
	p2 =	por !p2, p0  }
0x20: {  	[sflag:s8] =	ssyncset.s32 @!p0 $0xFFFFF086;
	s6 =	sadd.s32 @!p0 s3, s7;
	s7 =	simm.s32 @!p0 $0x108  }
0x21: {  	s3 =	sadd.s32 s3, s9;
	s6 =	sadd.s32 @!p0 $0x88, s6;
	s7 =	simm.s32 @p2 $0x1082  }
0x22: {  	[simem:s7], [sflag:s8] =	dma.local @!p0 [hbm:s6], $0xF7A  }
0x23: {  	s9 =	sor.u32 $0xD0000000, s2;
	s6 =	simm.s32 $0x108;
	_ =	swait.ge @!p0 [sflag:s8], $0x0  }
0x24: {  	s3 =	sadd.s32 $0x88, s3;
	s6 =	simm.s32 @!p1 $0x1082;
	[sflag:s4] =	ssyncset.s32 $0xFFFFF086  }
0x25: {  	[simem:s6], [sflag:s4] =	dma.local [hbm:s3], $0xF7A  }
0x26: {  	[smem:$0x3F9C] =	sst s1;
	(tag) =	ssettag s2;
	_ =	strace s9  }
0x27: {  	s1 =	sld [smem:$0x3FAC]  }
0x28: {  	s2 =	sld [smem:$0x3FAD]  }
0x29: {  	s4 =	sld [smem:$0x3FAF]  }
0x2a: {  	p0 =	seq.s32 s5, $0x0;
	s5 =	sld [smem:$0x3FB0]  }
0x2b: {  	s6 =	sld [smem:$0x3FB1]  }
0x2c: {  	s7 =	sld [smem:$0x3FB2]  }
0x2d: {  	s3 =	simm.s32 $0x108;
	s8 =	sld [smem:$0x3FB3]  }
0x2e: {  	s3 =	simm.s32 @!p0 $0x1082;
	s9 =	sld [smem:$0x3FB4]  }
0x2f: {  	lr =	sadd.s32 s0, s3;
	s0 =	sld [smem:$0x3FAB]  }
0x30: {  	s3 =	sld [smem:$0x3FAE]  }
0x31: {  	[smem:$0x3FB7] =	sst s10  }
0x32: {  	s10 =	sld [smem:$0x3FB5];
	_ =	sdelay $0x3  }
0x33: {  	p0 =	seq.s32 s10, $0x1;
	s10 =	sld [smem:$0x3FB7];
	_ =	sdelay $0x3  }
0x34: {  	[smem:$0x3FB7] =	sst s10  }
0x35: {  	s10 =	sld [smem:$0x3FB6];
	_ =	sdelay $0x3  }
0x36: {  	p1 =	seq.s32 s10, $0x1;
	s10 =	sld [smem:$0x3FB7];
	_ =	sdelay $0x3  }
0x37: {  	[smem:$0x3FB7] =	sst s10  }
0x38: {  	s10 =	sld [smem:$0x3FB8]  }
0x39: {  	_ = 	snop;
	(pc) =	sbr.ind lr, $3  }
0x3a: {  	_ = 	snop  }
0x3b: {  	_ = 	snop  }
0x3c: {  	p2 =	seq.s32 s10, $0x1;
	s10 =	sld [smem:$0x3FB7]  }
0x3d: {  	_ =	shalt  }
0x3e: {  	_ =	shalt  }
0x3f: {  	_ =	shalt  }
0x40: {  	_ =	shalt  }
0x41: {  	_ =	shalt  }
0x42: {  	_ =	shalt  }
0x43: {  	_ =	shalt  }
0x44: {  	_ =	shalt  }
0x45: {  	_ =	shalt  }
0x46: {  	_ =	shalt  }
0x47: {  	_ =	shalt  }
0x48: {  	_ =	shalt  }
0x49: {  	_ =	shalt  }
0x4a: {  	_ =	shalt  }
0x4b: {  	_ =	shalt  }
0x4c: {  	_ =	shalt  }
0x4d: {  	_ =	shalt  }
0x4e: {  	_ =	shalt  }
0x4f: {  	_ =	shalt  }
0x50: {  	_ =	shalt  }
0x51: {  	_ =	shalt  }
0x52: {  	_ =	shalt  }
0x53: {  	_ =	shalt  }
0x54: {  	_ =	shalt  }
0x55: {  	_ =	shalt  }
0x56: {  	_ =	shalt  }
0x57: {  	_ =	shalt  }
0x58: {  	_ =	shalt  }
0x59: {  	_ =	shalt  }
0x5a: {  	_ =	shalt  }
0x5b: {  	_ =	shalt  }
0x5c: {  	_ =	shalt  }
0x5d: {  	_ =	shalt  }
0x5e: {  	_ =	shalt  }
0x5f: {  	_ =	shalt  }
0x60: {  	_ =	shalt  }
0x61: {  	_ =	shalt  }
0x62: {  	_ =	shalt  }
0x63: {  	_ =	shalt  }
0x64: {  	_ =	shalt  }
0x65: {  	_ =	shalt  }
0x66: {  	_ =	shalt  }
0x67: {  	_ =	shalt  }
0x68: {  	_ =	shalt  }
0x69: {  	_ =	shalt  }
0x6a: {  	_ =	shalt  }
0x6b: {  	_ =	shalt  }
0x6c: {  	_ =	shalt  }
0x6d: {  	_ =	shalt  }
0x6e: {  	_ =	shalt  }
0x6f: {  	_ =	shalt  }
0x70: {  	_ =	shalt  }
0x71: {  	_ =	shalt  }
0x72: {  	_ =	shalt  }
0x73: {  	_ =	shalt  }
0x74: {  	_ =	shalt  }
0x75: {  	_ =	shalt  }
0x76: {  	_ =	shalt  }
0x77: {  	_ =	shalt  }
0x78: {  	_ =	shalt  }
0x79: {  	_ =	shalt  }
0x7a: {  	_ =	shalt  }
0x7b: {  	_ =	shalt  }
0x7c: {  	_ =	shalt  }
0x7d: {  	_ =	shalt  }
0x7e: {  	_ =	shalt  }
0x7f: {  	_ =	shalt  }
0x80: {  	_ =	shalt  }
0x81: {  	_ =	shalt  }
0x82: {  	_ =	shalt  }
0x83: {  	_ =	shalt  }
0x84: {  	_ =	shalt  }
0x85: {  	_ =	shalt  }
0x86: {  	_ =	shalt  }
0x87: {  	_ =	shalt  }
.Lfunc_end0:
.L_simem_size_0:
called_computation.1_lowered:
.L_overlay_start_0:
0x88: {  	s2 =	sld [smem:$0x3FD9]  }
0x89: {  	s3 =	sld [smem:$0x3FFE];
	_ =	sdelay $0x1  }
0x8a: {  	s1 =	srdreg.scid  }
0x8b: {  	s0 =	sand.u32 $0x1, s1  }
0x8c: {  	s17 =	sshll.u32 s0, $0xA;
	s2 =	sadd.s32 s3, s2  }
0x8d: {  	s2 =	sadd.s32 s2, s17  }
0x8e: {  	[smem:$0x3FC3] =	sst s2  }
0x8f: {  	_ = 	snop  }
0x90: {  	s2 =	sld [smem:$0x3FD0];
	(tm) =	ssettm $0x1  }
0x91: {  	s18 =	sld [smem:$0x3FFB];
	_ =	sdelay $0x3  }
0x92: {  	_ =	strace s18  }
0x93: {  	s3 =	sld [smem:$0x3FFC];
	_ =	sdelay $0x3  }
0x94: {  	_ =	strace s3  }
0x95: {  	s3 =	sld [smem:$0x3FFD];
	_ =	sdelay $0x3  }
0x96: {  	_ =	strace s3  }
0x97: {  	_ =	strace $0x8FFFFFFF  }
0x98: {  	s19 =	sld [smem:$0x3FDB];
	_ =	sdelay $0x1  }
0x99: {  	s4 =	simm.s32 $_scs_section_size  }
0x9a: {  	s5 =	simm.s32 $_size__tile_overlayer_lowered;
	s6 =	simm.s32 $_tile_overlayer_lowered  }
0x9b: {  	s22 =	simm.s32 $0x1BFF;
	s21 =	sshll.u32 s6, $0x1;
	s3 =	sadd.s32 s4, s19  }
0x9c: {  	s7 =	simm.s32 $0x0;
	s20 =	sshll.u32 s5, $0x1;
	s5 =	sadd.s32 s21, s3  }
0x9d: {  	[timem:s7], [sflag:s22] =	dma.local [hbm:s5], s20  }
0x9e: {  	_ =	swait.ge [sflag:s22], s20  }
0x9f: {  	s4 =	ssub.s32 $0x0, s20;
	[sflag:s22] =	ssyncset.done $0x0  }
0xa0: {  	[sflag:s22] =	ssyncadd.s32 s4;
	_ =	sdelay $0x1  }
0xa1: {  	s23 =	simm.s32 $0x1B8B  }
0xa2: {  	_ =	swait.ge [sflag:s23], $0x1  }
0xa3: {  	[sflag:s23] =	ssyncset.done $0x0  }
0xa4: {  	s25 =	simm.s32 $0x1B8E;
	s24 =	sld [smem:$0x3FFE];
	[sflag:s23] =	ssyncadd.s32 $0xFFFFFFFF  }
0xa5: {  	s26 =	simm.s32 $execute0_lowered;
	[smem:$0x3FD2] =	sst s25  }
0xa6: {  	s5 =	sshll.u32 s26, $0x1;
	_ =	strace $0x80000049;
	[dreg:$0x1] =	wrdreg $0xFFFFFFFF  }
0xa7: {  	s28 =	simm.s32 $_size_execute0_lowered;
	s3 =	sadd.s32 s3, s5;
	[dreg:$0x0] =	wrdreg $0x0  }
0xa8: {  	s5 =	sshll.u32 s28, $0x1;
	[dreg:$0x2] =	wrdreg s3  }
0xa9: {  	[dreg:$0x3] =	wrdreg s5  }
0xaa: {  	[dreg:$0x4] =	wrdreg $0xC0  }
0xab: {  	_ =	task [dreg:s7], $0x5FFFF  }
0xac: {  	[dreg:$0x1] =	wrdreg $0xFFFFFFFF  }
0xad: {  	[dreg:$0x0] =	wrdreg $0x60  }
0xae: {  	[dreg:$0x2] =	wrdreg s2  }
0xaf: {  	[dreg:$0x3] =	wrdreg s24  }
0xb0: {  	[dreg:$0x4] =	wrdreg $0x9  }
0xb1: {  	_ =	task.clear_ibuf [dreg:s7], $0x5FFFF;
	_ =	strace $0x90000049  }
0xb2: {  	s29 =	simm.s32 $0x9;
	_ =	strace $0x8000004B  }
0xb3: {  	_ =	swait.ge [sflag:s29], $0x1  }
0xb4: {  	[sflag:s29] =	ssyncadd.s32 $0xFFFFFFFF  }
0xb5: {  	_ =	strace $0x9000004B  }
0xb6: {  	_ =	sfence  }
0xb7: {  	s30 =	sld [smem:$0x0];
	_ =	sdelay $0x2  }
0xb8: {  	s31 =	sshll.u32 s1, $0xD;
	s1 =	sshrl.u32 s1, $0x2  }
0xb9: {  	s3 =	sand.u32 $0x4000, s31;
	s1 =	sadd.s32 s1, s30  }
0xba: {  	s0 =	sor.u32 s3, s0;
	s1 =	sshll.u32 s1, $0x11  }
0xbb: {  	s0 =	sor.u32 s1, s0  }
0xbc: {  	s0 =	sadd.s32 $0x8F2B, s0  }
0xbd: {  	[sflag:s0] =	ssyncadd.remote.s32 $0x1  }
0xbe: {  	_ =	sfence.sel $0xFFFF  }
0xbf: {  	[dreg:$0x0] =	wrdreg $0xFFFFFFFF;
	(pc) =	sbr.abs _section_cstart, $3  }
0xc0: {  	[dreg:$0x1] =	wrdreg $0xFFFFFFFF  }
0xc1: {  	_ =	task.clear_ibuf [dreg:s7], $0x2FFFF;
	_ =	strace $0x9FFFFFFF  }
0xc2: {  	(tm) =	ssettm $0x7FFFFFFF  }
0xc3: {  	_ =	shalt  }
tec
execute0_lowered:
.L_overlay_start_1:
0x0: {  	(tag) =	ssettag $0x1  }
0x1: {  	s2 =	rddreg [dreg:$0x0]  }
0x2: {  	s1 =	srdreg.scid;
	s0 =	stileid.u32  }
0x3: {  	s4 =	rddreg [dreg:$0x1];
	s3 =	simm.s32 $0x0;
	s9 =	simm.s32 $0x1080  }
0x4: {  	s10 =	simm.s32 $0x1880;
	s11 =	simm.s32 $0x2080;
	s12 =	simm.s32 $0x2880  }
0x5: {  	s13 =	simm.s32 $0x3080;
	s14 =	simm.s32 $0x3880;
	s15 =	simm.s32 $0x4080  }
0x6: {  	s16 =	simm.s32 $0x4880;
	s17 =	simm.s32 $0x5080;
	s18 =	simm.s32 $0x5880  }
0x7: {  	s19 =	simm.s32 $0x6080;
	s20 =	simm.s32 $0x6880;
	s21 =	simm.s32 $0x7080  }
0x8: {  	s22 =	simm.s32 $0x7880;
	s28 =	simm.s32 $0xA080;
	s29 =	simm.s32 $0xA880  }
0x9: {  	s30 =	simm.s32 $0xB080;
	s1 =	sand.u32 $0x1, s1;
	s5 =	sshll.u32 s0, $0x1  }
0xa: {  	s31 =	simm.s32 $0xB880;
	[smem:$0x7FF] =	sst s3;
	s5 =	sor.u32 s1, s5  }
0xb: {  	s7 =	sadd.s32 $0x1200, s4;
	s1 =	ssub.s32 $0x2, s1;
	s6 =	smul.u32 $0xC0, s5  }
0xc: {  	s4 =	sadd.s32 $0x1A00, s4;
	s5 =	smul.u32 $0x3000, s5;
	s25 =	sshrl.u32 s1, $0x1  }
0xd: {  	_ =	strace $0x8000004A;
	s1 =	ssub.s32 s1, s25;
	s25 =	simm.s32 $0x9080  }
0xe: {  	s8 =	sshrl.u32 s6, $0x3;
	s6 =	sadd.s32 $0x60, s6;
	s5 =	sadd.s32 s4, s5  }
0xf: {  	s8 =	sadd.s32 s7, s8;
	s23 =	sshrl.u32 s6, $0x3;
	[dreg:$0x4] =	wrdreg s5  }
0x10: {  	s6 =	sshll.u32 s6, $0x6;
	s5 =	smax.u32 s1, $0x1;
	s1 =	simm.s32 $0x1  }
0x11: {  	[dreg:$0x3] =	wrdreg s8;
	s24 =	sadd.s32 s7, s23;
	s26 =	sadd.s32 s4, s6  }
0x12: {  	v2 =	vlaneseq.u32;
	s4 =	sadd.s32 $0x100, s2;
	s6 =	simm.s32 $0x2;
	s7 =	simm.s32 $0x80  }
0x13: {  	vm0 =	vmmov $0xffff;
	v1 =	vshrl.u32 v2, $0x3;
	s8 =	simm.s32 $0x880;
	s23 =	simm.s32 $0x8080;
	[dreg:$0x5] =	wrdreg s24  }
0x14: {  	v0 =	vand.u32 $0x7, v2;
	v2 =	vor.u32 $0x8, v2;
	v1 =	vmul.u32 $0x8, v1;
	[dreg:$0x6] =	wrdreg s26;
	s24 =	simm.s32 $0x8880;
	s26 =	simm.s32 $0x9880  }
.LBB2_1:
0x15: {  	s0 =	rddreg [dreg:$0x3]  }
0x16: {  	[tilespmem:s3], [sflag:$0x2] =	stream.linear.gather [hbm4b:s0+s3], $0x60, $0x38;
	[tilespmem:$0xC080] =	vst v63  }
0x17: {  	_ =	swait.ge [sflag:s6], $0x60  }
0x18: {  	[sflag:s6] =	ssyncset.done $0x0  }
0x19: {  	[sflag:s6] =	ssyncadd.s32 $0xFFFFFFA0  }
0x1a: {  	v3 =	vld [tilespmem:$0x0];
	_ =	sdelay $0x4  }
0x1b: {  	v4 =	vshll.u32 v3, $0x2  }
0x1c: {  	v3 =	vand.u32 $0x7, v3;
	v4 =	vand.u32 $0xFFFFFFE0, v4  }
0x1d: {  	v3 =	vor.u32 v3, v4  }
0x1e: {  	v4 =	vperm.xlane v3, v0;
	_ =	sdelay $0x1  }
0x1f: {  	v4 =	vadd.s32 v1, v4;
	_ =	sdelay $0x1  }
0x20: {  	v3 =	vperm.xlane v3, v2;
	_ =	sdelay $0x1  }
0x21: {  	v3 =	vadd.s32 v1, v3  }
0x22: {  	[tilespmem:s7], [sflag:$0x1] =	stream.indirect_vreg.gather [hbm4b:s2+s3], $0x80, v4, vm0, $0xb8;
	[tilespmem:$0xC080] =	vst v63  }
0x23: {  	_ = 	snop  }
0x24: {  	[tilespmem:s8], [sflag:$0x1] =	stream.indirect_vreg.gather [hbm4b:s4+s3], $0x80, v4, vm0, $0xb8;
	[tilespmem:$0xC080] =	vst v63  }
0x25: {  	_ = 	snop  }
0x26: {  	[tilespmem:s9], [sflag:$0x1] =	stream.indirect_vreg.gather [hbm4b:s2+s3], $0x80, v3, vm0, $0xb8;
	[tilespmem:$0xC080] =	vst v63  }
0x27: {  	_ = 	snop  }
0x28: {  	[tilespmem:s10], [sflag:$0x1] =	stream.indirect_vreg.gather [hbm4b:s4+s3], $0x80, v3, vm0, $0xb8;
	[tilespmem:$0xC080] =	vst v63  }
0x29: {  	v3 =	vld [tilespmem:$0x10];
	_ =	sdelay $0x4  }
0x2a: {  	v53 =	vshll.u32 v3, $0x2  }
0x2b: {  	v3 =	vand.u32 $0x7, v3;
	v4 =	vand.u32 $0xFFFFFFE0, v53  }
0x2c: {  	v3 =	vor.u32 v3, v4  }
0x2d: {  	v4 =	vperm.xlane v3, v0;
	_ =	sdelay $0x1  }
0x2e: {  	v4 =	vadd.s32 v1, v4;
	_ =	sdelay $0x1  }
0x2f: {  	v3 =	vperm.xlane v3, v2;
	_ =	sdelay $0x1  }
0x30: {  	v3 =	vadd.s32 v1, v3  }
0x31: {  	[tilespmem:s11], [sflag:$0x1] =	stream.indirect_vreg.gather [hbm4b:s2+s3], $0x80, v4, vm0, $0xb8;
	[tilespmem:$0xC080] =	vst v63  }
0x32: {  	_ = 	snop  }
0x33: {  	[tilespmem:s12], [sflag:$0x1] =	stream.indirect_vreg.gather [hbm4b:s4+s3], $0x80, v4, vm0, $0xb8;
	[tilespmem:$0xC080] =	vst v63  }
0x34: {  	_ = 	snop  }
0x35: {  	[tilespmem:s13], [sflag:$0x1] =	stream.indirect_vreg.gather [hbm4b:s2+s3], $0x80, v3, vm0, $0xb8;
	[tilespmem:$0xC080] =	vst v63  }
0x36: {  	_ = 	snop  }
0x37: {  	[tilespmem:s14], [sflag:$0x1] =	stream.indirect_vreg.gather [hbm4b:s4+s3], $0x80, v3, vm0, $0xb8;
	[tilespmem:$0xC080] =	vst v63  }
0x38: {  	v3 =	vld [tilespmem:$0x20];
	_ =	sdelay $0x4  }
0x39: {  	v54 =	vshll.u32 v3, $0x2  }
0x3a: {  	v3 =	vand.u32 $0x7, v3;
	v4 =	vand.u32 $0xFFFFFFE0, v54  }
0x3b: {  	v3 =	vor.u32 v3, v4  }
0x3c: {  	v4 =	vperm.xlane v3, v0;
	_ =	sdelay $0x1  }
0x3d: {  	v4 =	vadd.s32 v1, v4;
	_ =	sdelay $0x1  }
0x3e: {  	v3 =	vperm.xlane v3, v2;
	_ =	sdelay $0x1  }
0x3f: {  	v3 =	vadd.s32 v1, v3  }
0x40: {  	[tilespmem:s15], [sflag:$0x1] =	stream.indirect_vreg.gather [hbm4b:s2+s3], $0x80, v4, vm0, $0xb8;
	[tilespmem:$0xC080] =	vst v63  }
0x41: {  	_ = 	snop  }
0x42: {  	[tilespmem:s16], [sflag:$0x1] =	stream.indirect_vreg.gather [hbm4b:s4+s3], $0x80, v4, vm0, $0xb8;
	[tilespmem:$0xC080] =	vst v63  }
0x43: {  	_ = 	snop  }
0x44: {  	[tilespmem:s17], [sflag:$0x1] =	stream.indirect_vreg.gather [hbm4b:s2+s3], $0x80, v3, vm0, $0xb8;
	[tilespmem:$0xC080] =	vst v63  }
0x45: {  	_ = 	snop  }
0x46: {  	[tilespmem:s18], [sflag:$0x1] =	stream.indirect_vreg.gather [hbm4b:s4+s3], $0x80, v3, vm0, $0xb8;
	[tilespmem:$0xC080] =	vst v63  }
0x47: {  	v3 =	vld [tilespmem:$0x30];
	_ =	sdelay $0x4  }
0x48: {  	v55 =	vshll.u32 v3, $0x2  }
0x49: {  	v3 =	vand.u32 $0x7, v3;
	v4 =	vand.u32 $0xFFFFFFE0, v55  }
0x4a: {  	v3 =	vor.u32 v3, v4  }
0x4b: {  	v4 =	vperm.xlane v3, v0;
	_ =	sdelay $0x1  }
0x4c: {  	v4 =	vadd.s32 v1, v4;
	_ =	sdelay $0x1  }
0x4d: {  	v3 =	vperm.xlane v3, v2;
	_ =	sdelay $0x1  }
0x4e: {  	v3 =	vadd.s32 v1, v3  }
0x4f: {  	[tilespmem:s19], [sflag:$0x1] =	stream.indirect_vreg.gather [hbm4b:s2+s3], $0x80, v4, vm0, $0xb8;
	[tilespmem:$0xC080] =	vst v63  }
0x50: {  	_ = 	snop  }
0x51: {  	[tilespmem:s20], [sflag:$0x1] =	stream.indirect_vreg.gather [hbm4b:s4+s3], $0x80, v4, vm0, $0xb8;
	[tilespmem:$0xC080] =	vst v63  }
0x52: {  	_ = 	snop  }
0x53: {  	[tilespmem:s21], [sflag:$0x1] =	stream.indirect_vreg.gather [hbm4b:s2+s3], $0x80, v3, vm0, $0xb8;
	[tilespmem:$0xC080] =	vst v63  }
0x54: {  	_ = 	snop  }
0x55: {  	[tilespmem:s22], [sflag:$0x1] =	stream.indirect_vreg.gather [hbm4b:s4+s3], $0x80, v3, vm0, $0xb8;
	[tilespmem:$0xC080] =	vst v63  }
0x56: {  	v3 =	vld [tilespmem:$0x40];
	_ =	sdelay $0x4  }
0x57: {  	v56 =	vshll.u32 v3, $0x2  }
0x58: {  	v3 =	vand.u32 $0x7, v3;
	v4 =	vand.u32 $0xFFFFFFE0, v56  }
0x59: {  	v3 =	vor.u32 v3, v4  }
0x5a: {  	v4 =	vperm.xlane v3, v0;
	_ =	sdelay $0x1  }
0x5b: {  	v4 =	vadd.s32 v1, v4;
	_ =	sdelay $0x1  }
0x5c: {  	v3 =	vperm.xlane v3, v2;
	_ =	sdelay $0x1  }
0x5d: {  	v3 =	vadd.s32 v1, v3  }
0x5e: {  	[tilespmem:s23], [sflag:$0x1] =	stream.indirect_vreg.gather [hbm4b:s2+s3], $0x80, v4, vm0, $0xb8;
	[tilespmem:$0xC080] =	vst v63  }
0x5f: {  	_ = 	snop  }
0x60: {  	[tilespmem:s24], [sflag:$0x1] =	stream.indirect_vreg.gather [hbm4b:s4+s3], $0x80, v4, vm0, $0xb8;
	[tilespmem:$0xC080] =	vst v63  }
0x61: {  	_ = 	snop  }
0x62: {  	[tilespmem:s25], [sflag:$0x1] =	stream.indirect_vreg.gather [hbm4b:s2+s3], $0x80, v3, vm0, $0xb8;
	[tilespmem:$0xC080] =	vst v63  }
0x63: {  	_ = 	snop  }
0x64: {  	[tilespmem:s26], [sflag:$0x1] =	stream.indirect_vreg.gather [hbm4b:s4+s3], $0x80, v3, vm0, $0xb8;
	[tilespmem:$0xC080] =	vst v63  }
0x65: {  	v3 =	vld [tilespmem:$0x50];
	_ =	sdelay $0x4  }
0x66: {  	v57 =	vshll.u32 v3, $0x2  }
0x67: {  	v3 =	vand.u32 $0x7, v3;
	v4 =	vand.u32 $0xFFFFFFE0, v57  }
0x68: {  	v3 =	vor.u32 v3, v4  }
0x69: {  	v4 =	vperm.xlane v3, v0;
	_ =	sdelay $0x1  }
0x6a: {  	v4 =	vadd.s32 v1, v4;
	_ =	sdelay $0x1  }
0x6b: {  	v3 =	vperm.xlane v3, v2;
	_ =	sdelay $0x1  }
0x6c: {  	v3 =	vadd.s32 v1, v3  }
0x6d: {  	[tilespmem:s28], [sflag:$0x1] =	stream.indirect_vreg.gather [hbm4b:s2+s3], $0x80, v4, vm0, $0xb8;
	[tilespmem:$0xC080] =	vst v63  }
0x6e: {  	_ = 	snop  }
0x6f: {  	[tilespmem:s29], [sflag:$0x1] =	stream.indirect_vreg.gather [hbm4b:s4+s3], $0x80, v4, vm0, $0xb8;
	[tilespmem:$0xC080] =	vst v63  }
0x70: {  	_ = 	snop  }
0x71: {  	[tilespmem:s30], [sflag:$0x1] =	stream.indirect_vreg.gather [hbm4b:s2+s3], $0x80, v3, vm0, $0xb8;
	[tilespmem:$0xC080] =	vst v63  }
0x72: {  	_ = 	snop  }
0x73: {  	[tilespmem:s31], [sflag:$0x1] =	stream.indirect_vreg.gather [hbm4b:s4+s3], $0x80, v3, vm0, $0xb8;
	[tilespmem:$0xC080] =	vst v63  }
0x74: {  	_ =	swait.ge [sflag:s1], $0xC000  }
0x75: {  	[sflag:s1] =	ssyncset.done $0x0  }
0x76: {  	s0 =	rddreg [dreg:$0x4];
	[sflag:s1] =	ssyncadd.s32 $0xFFFF4000  }
0x77: {  	[hbm4b:s0+s3] =	stream.linear.scatter [tilespmem:s7], [sflag:$0x2], $0xC000, $0x38;
	[tilespmem:$0xC080] =	vst v63  }
0x78: {  	_ =	swait.ge [sflag:s6], $0xC000  }
0x79: {  	[sflag:s6] =	ssyncset.done $0x0  }
0x7a: {  	s0 =	rddreg [dreg:$0x5];
	[sflag:s6] =	ssyncadd.s32 $0xFFFF4000  }
0x7b: {  	[tilespmem:s3], [sflag:$0x2] =	stream.linear.gather [hbm4b:s0+s3], $0x60, $0x38;
	[tilespmem:$0xC080] =	vst v63  }
0x7c: {  	_ =	swait.ge [sflag:s6], $0x60  }
0x7d: {  	[sflag:s6] =	ssyncset.done $0x0  }
0x7e: {  	[sflag:s6] =	ssyncadd.s32 $0xFFFFFFA0  }
0x7f: {  	v3 =	vld [tilespmem:$0x0];
	_ =	sdelay $0x4  }
0x80: {  	v58 =	vshll.u32 v3, $0x2  }
0x81: {  	v3 =	vand.u32 $0x7, v3;
	v4 =	vand.u32 $0xFFFFFFE0, v58  }
0x82: {  	v3 =	vor.u32 v3, v4  }
0x83: {  	v4 =	vperm.xlane v3, v0;
	_ =	sdelay $0x1  }
0x84: {  	v4 =	vadd.s32 v1, v4;
	_ =	sdelay $0x1  }
0x85: {  	v3 =	vperm.xlane v3, v2;
	_ =	sdelay $0x1  }
0x86: {  	v3 =	vadd.s32 v1, v3  }
0x87: {  	[tilespmem:s7], [sflag:$0x1] =	stream.indirect_vreg.gather [hbm4b:s2+s3], $0x80, v4, vm0, $0xb8;
	[tilespmem:$0xC080] =	vst v63  }
0x88: {  	_ = 	snop  }
0x89: {  	[tilespmem:s8], [sflag:$0x1] =	stream.indirect_vreg.gather [hbm4b:s4+s3], $0x80, v4, vm0, $0xb8;
	[tilespmem:$0xC080] =	vst v63  }
0x8a: {  	_ = 	snop  }
0x8b: {  	[tilespmem:s9], [sflag:$0x1] =	stream.indirect_vreg.gather [hbm4b:s2+s3], $0x80, v3, vm0, $0xb8;
	[tilespmem:$0xC080] =	vst v63  }
0x8c: {  	_ = 	snop  }
0x8d: {  	[tilespmem:s10], [sflag:$0x1] =	stream.indirect_vreg.gather [hbm4b:s4+s3], $0x80, v3, vm0, $0xb8;
	[tilespmem:$0xC080] =	vst v63  }
0x8e: {  	v3 =	vld [tilespmem:$0x10];
	_ =	sdelay $0x4  }
0x8f: {  	v59 =	vshll.u32 v3, $0x2  }
0x90: {  	v3 =	vand.u32 $0x7, v3;
	v4 =	vand.u32 $0xFFFFFFE0, v59  }
0x91: {  	v3 =	vor.u32 v3, v4  }
0x92: {  	v4 =	vperm.xlane v3, v0;
	_ =	sdelay $0x1  }
0x93: {  	v4 =	vadd.s32 v1, v4;
	_ =	sdelay $0x1  }
0x94: {  	v3 =	vperm.xlane v3, v2;
	_ =	sdelay $0x1  }
0x95: {  	v3 =	vadd.s32 v1, v3  }
0x96: {  	[tilespmem:s11], [sflag:$0x1] =	stream.indirect_vreg.gather [hbm4b:s2+s3], $0x80, v4, vm0, $0xb8;
	[tilespmem:$0xC080] =	vst v63  }
0x97: {  	_ = 	snop  }
0x98: {  	[tilespmem:s12], [sflag:$0x1] =	stream.indirect_vreg.gather [hbm4b:s4+s3], $0x80, v4, vm0, $0xb8;
	[tilespmem:$0xC080] =	vst v63  }
0x99: {  	_ = 	snop  }
0x9a: {  	[tilespmem:s13], [sflag:$0x1] =	stream.indirect_vreg.gather [hbm4b:s2+s3], $0x80, v3, vm0, $0xb8;
	[tilespmem:$0xC080] =	vst v63  }
0x9b: {  	_ = 	snop  }
0x9c: {  	[tilespmem:s14], [sflag:$0x1] =	stream.indirect_vreg.gather [hbm4b:s4+s3], $0x80, v3, vm0, $0xb8;
	[tilespmem:$0xC080] =	vst v63  }
0x9d: {  	v3 =	vld [tilespmem:$0x20];
	_ =	sdelay $0x4  }
0x9e: {  	v60 =	vshll.u32 v3, $0x2  }
0x9f: {  	v3 =	vand.u32 $0x7, v3;
	v4 =	vand.u32 $0xFFFFFFE0, v60  }
0xa0: {  	v3 =	vor.u32 v3, v4  }
0xa1: {  	v4 =	vperm.xlane v3, v0;
	_ =	sdelay $0x1  }
0xa2: {  	v4 =	vadd.s32 v1, v4;
	_ =	sdelay $0x1  }
0xa3: {  	v3 =	vperm.xlane v3, v2;
	_ =	sdelay $0x1  }
0xa4: {  	v3 =	vadd.s32 v1, v3  }
0xa5: {  	[tilespmem:s15], [sflag:$0x1] =	stream.indirect_vreg.gather [hbm4b:s2+s3], $0x80, v4, vm0, $0xb8;
	[tilespmem:$0xC080] =	vst v63  }
0xa6: {  	_ = 	snop  }
0xa7: {  	[tilespmem:s16], [sflag:$0x1] =	stream.indirect_vreg.gather [hbm4b:s4+s3], $0x80, v4, vm0, $0xb8;
	[tilespmem:$0xC080] =	vst v63  }
0xa8: {  	_ = 	snop  }
0xa9: {  	[tilespmem:s17], [sflag:$0x1] =	stream.indirect_vreg.gather [hbm4b:s2+s3], $0x80, v3, vm0, $0xb8;
	[tilespmem:$0xC080] =	vst v63  }
0xaa: {  	_ = 	snop  }
0xab: {  	[tilespmem:s18], [sflag:$0x1] =	stream.indirect_vreg.gather [hbm4b:s4+s3], $0x80, v3, vm0, $0xb8;
	[tilespmem:$0xC080] =	vst v63  }
0xac: {  	v3 =	vld [tilespmem:$0x30];
	_ =	sdelay $0x4  }
0xad: {  	v61 =	vshll.u32 v3, $0x2  }
0xae: {  	v3 =	vand.u32 $0x7, v3;
	v4 =	vand.u32 $0xFFFFFFE0, v61  }
0xaf: {  	v3 =	vor.u32 v3, v4  }
0xb0: {  	v4 =	vperm.xlane v3, v0;
	_ =	sdelay $0x1  }
0xb1: {  	v4 =	vadd.s32 v1, v4;
	_ =	sdelay $0x1  }
0xb2: {  	v3 =	vperm.xlane v3, v2;
	_ =	sdelay $0x1  }
0xb3: {  	v3 =	vadd.s32 v1, v3  }
0xb4: {  	[tilespmem:s19], [sflag:$0x1] =	stream.indirect_vreg.gather [hbm4b:s2+s3], $0x80, v4, vm0, $0xb8;
	[tilespmem:$0xC080] =	vst v63  }
0xb5: {  	_ = 	snop  }
0xb6: {  	[tilespmem:s20], [sflag:$0x1] =	stream.indirect_vreg.gather [hbm4b:s4+s3], $0x80, v4, vm0, $0xb8;
	[tilespmem:$0xC080] =	vst v63  }
0xb7: {  	_ = 	snop  }
0xb8: {  	[tilespmem:s21], [sflag:$0x1] =	stream.indirect_vreg.gather [hbm4b:s2+s3], $0x80, v3, vm0, $0xb8;
	[tilespmem:$0xC080] =	vst v63  }
0xb9: {  	_ = 	snop  }
0xba: {  	[tilespmem:s22], [sflag:$0x1] =	stream.indirect_vreg.gather [hbm4b:s4+s3], $0x80, v3, vm0, $0xb8;
	[tilespmem:$0xC080] =	vst v63  }
0xbb: {  	v3 =	vld [tilespmem:$0x40];
	_ =	sdelay $0x4  }
0xbc: {  	v62 =	vshll.u32 v3, $0x2  }
0xbd: {  	v3 =	vand.u32 $0x7, v3;
	v4 =	vand.u32 $0xFFFFFFE0, v62  }
0xbe: {  	v3 =	vor.u32 v3, v4  }
0xbf: {  	v4 =	vperm.xlane v3, v0;
	_ =	sdelay $0x1  }
0xc0: {  	v4 =	vadd.s32 v1, v4;
	_ =	sdelay $0x1  }
0xc1: {  	v3 =	vperm.xlane v3, v2;
	_ =	sdelay $0x1  }
0xc2: {  	v3 =	vadd.s32 v1, v3  }
0xc3: {  	[tilespmem:s23], [sflag:$0x1] =	stream.indirect_vreg.gather [hbm4b:s2+s3], $0x80, v4, vm0, $0xb8;
	[tilespmem:$0xC080] =	vst v63  }
0xc4: {  	_ = 	snop  }
0xc5: {  	[tilespmem:s24], [sflag:$0x1] =	stream.indirect_vreg.gather [hbm4b:s4+s3], $0x80, v4, vm0, $0xb8;
	[tilespmem:$0xC080] =	vst v63  }
0xc6: {  	_ = 	snop  }
0xc7: {  	[tilespmem:s25], [sflag:$0x1] =	stream.indirect_vreg.gather [hbm4b:s2+s3], $0x80, v3, vm0, $0xb8;
	[tilespmem:$0xC080] =	vst v63  }
0xc8: {  	_ = 	snop  }
0xc9: {  	[tilespmem:s26], [sflag:$0x1] =	stream.indirect_vreg.gather [hbm4b:s4+s3], $0x80, v3, vm0, $0xb8;
	[tilespmem:$0xC080] =	vst v63  }
0xca: {  	v3 =	vld [tilespmem:$0x50];
	_ =	sdelay $0x4  }
0xcb: {  	v63 =	vshll.u32 v3, $0x2  }
0xcc: {  	v3 =	vand.u32 $0x7, v3;
	v4 =	vand.u32 $0xFFFFFFE0, v63  }
0xcd: {  	v3 =	vor.u32 v3, v4  }
0xce: {  	v4 =	vperm.xlane v3, v0;
	_ =	sdelay $0x1  }
0xcf: {  	v4 =	vadd.s32 v1, v4;
	_ =	sdelay $0x1  }
0xd0: {  	v3 =	vperm.xlane v3, v2;
	_ =	sdelay $0x1  }
0xd1: {  	v3 =	vadd.s32 v1, v3  }
0xd2: {  	[tilespmem:s28], [sflag:$0x1] =	stream.indirect_vreg.gather [hbm4b:s2+s3], $0x80, v4, vm0, $0xb8;
	[tilespmem:$0xC080] =	vst v63  }
0xd3: {  	_ = 	snop  }
0xd4: {  	[tilespmem:s29], [sflag:$0x1] =	stream.indirect_vreg.gather [hbm4b:s4+s3], $0x80, v4, vm0, $0xb8;
	[tilespmem:$0xC080] =	vst v63  }
0xd5: {  	_ = 	snop  }
0xd6: {  	[tilespmem:s30], [sflag:$0x1] =	stream.indirect_vreg.gather [hbm4b:s2+s3], $0x80, v3, vm0, $0xb8;
	[tilespmem:$0xC080] =	vst v63  }
0xd7: {  	_ = 	snop  }
0xd8: {  	[tilespmem:s31], [sflag:$0x1] =	stream.indirect_vreg.gather [hbm4b:s4+s3], $0x80, v3, vm0, $0xb8;
	[tilespmem:$0xC080] =	vst v63  }
0xd9: {  	_ =	swait.ge [sflag:s1], $0xC000  }
0xda: {  	p0 =	sne.s32 s5, $0x1;
	[sflag:s1] =	ssyncset.done $0x0  }
.Ltmp0:
0xdb: {  	s0 =	rddreg [dreg:$0x6];
	[sflag:s1] =	ssyncadd.s32 $0xFFFF4000;
	(pc) =	sbr.rel @p0 .LBB2_1-.Ltmp0, $4  }
0xdc: {  	[hbm4b:s0+s3] =	stream.linear.scatter [tilespmem:s7], [sflag:$0x2], $0xC000, $0x38;
	[tilespmem:$0xC080] =	vst v63  }
0xdd: {  	_ =	swait.ge [sflag:s6], $0xC000  }
0xde: {  	[sflag:s6] =	ssyncset.done $0x0  }
0xdf: {  	s5 =	sadd.s32 $0xFFFFFFFF, s5;
	[sflag:s6] =	ssyncadd.s32 $0xFFFF4000  }
0xe0: {  	_ =	sfence.sel $0x180000  }
0xe1: {  	[bflag:$0x0] =	sbarrier.arrive $0xFFFF  }
0xe2: {  	_ =	strace $0x9000004A  }
0xe3: {  	s0 =	stileid.u32;
	[bflag:$0x2] =	sbarrier.arrive $0xFFFF  }
0xe4: {  	p0 =	sne.s32 s0, $0x0;
	s0 =	rddreg [dreg:$0x2]  }
0xe5: {  	s0 =	sadd.s32 @!p0 $0x100000, s0  }
0xe6: {  	[sflag:s0] =	ssyncadd.tile.s32 @!p0 $0x1;
	_ =	shalt  }
.Lfunc_end2:
_tile_overlayer_lowered:
.L_overlay_start_2:
0xe7: {  	(tag) =	ssettag $0x2  }
0xe8: {  	s0 =	rddreg [dreg:$0x0];
	s2 =	stileid.u32  }
0xe9: {  	s1 =	rddreg [dreg:$0x1];
	p0 =	sne.s32 s2, $0x0  }
0xea: {  	s3 =	rddreg [dreg:$0x2];
	[bflag:$0x3] =	sbarrier.arrive $0xFFFF;
	s2 =	simm.s32 @!p0 $0x1C02  }
0xeb: {  	[timem:s3], [sflag:s2] =	dma.local @!p0 [hbm:s0], s1  }
0xec: {  	s0 =	simm.s32 @!p0 $0x2  }
0xed: {  	_ =	swait.ge @!p0 [sflag:s0], s1  }
0xee: {  	s1 =	ssub.s32 @!p0 $0x0, s1;
	[sflag:s0] =	ssyncset.done @!p0 $0x0  }
0xef: {  	[sflag:s0] =	ssyncadd.s32 @!p0 s1  }
0xf0: {  	[bflag:$0x3] =	sbarrier.arrive $0xFFFF  }
0xf1: {  	_ =	shalt  }

// kernel: kernel.13.cloned.1.call-start
scs
__scs_entry_jumppad:
0x0: {  	(pc) =	sbr.rel $0x88, $3  }
0x1: {  	(tag) =	ssettag $0x0;
	lr =	simm.s32 $0x1  }
0x2: {  	[smem:$0x3F9C] =	sst lr;
	_ =	strace $0xD0000000  }
0x3: {  	_ = 	snop  }
0x4: {  	_ = 	snop  }
0x5: {  	_ = 	snop  }
0x6: {  	_ = 	snop  }
0x7: {  	_ = 	snop  }
__scs_overlays_trampoline_lowered:
0x8: {  	[smem:$0x3FAB] =	sst s0  }
0x9: {  	[smem:$0x3FAC] =	sst s1  }
0xa: {  	[smem:$0x3FAD] =	sst s2  }
0xb: {  	[smem:$0x3FAE] =	sst s3  }
0xc: {  	[smem:$0x3FAF] =	sst s4  }
0xd: {  	[smem:$0x3FB0] =	sst s5  }
0xe: {  	[smem:$0x3FB1] =	sst s6  }
0xf: {  	[smem:$0x3FB2] =	sst s7  }
0x10: {  	[smem:$0x3FB3] =	sst s8  }
0x11: {  	[smem:$0x3FB4] =	sst s9;
	s0 =	simm.s32 @!p0 $0x0  }
0x12: {  	s1 =	sld [smem:$0x3F9A];
	s0 =	simm.s32 @p0 $0x1  }
0x13: {  	[smem:$0x3FB5] =	sst s0;
	s0 =	simm.s32 @!p1 $0x0  }
0x14: {  	s2 =	sld [smem:$0x3F99];
	s0 =	simm.s32 @p1 $0x1  }
0x15: {  	[smem:$0x3FB6] =	sst s0;
	s0 =	simm.s32 @!p2 $0x0  }
0x16: {  	s3 =	sld [smem:$0x3FDB];
	s0 =	simm.s32 @p2 $0x1  }
0x17: {  	s4 =	simm.s32 $0x1BF5;
	[smem:$0x3FB8] =	sst s0  }
0x18: {  	s0 =	sld [smem:$0x3F9B];
	_ =	swait.ge [sflag:s4], $0x0  }
0x19: {  	s7 =	sld [smem:$0x3F9C]  }
0x1a: {  	s8 =	sadd.s32 $0xFFFFE003, lr  }
0x1b: {  	s9 =	sadd.s32 $0xFFFFFEF7, lr;
	s5 =	simm.s32 $0xFFFFFFFF;
	p2 =	slt.u32 s8, $0xFFFFF086  }
0x1c: {  	p1 =	slt.u32 s9, $0xF7A;
	s5 =	simm.s32 @!p2 $0x0  }
0x1d: {  	s5 =	simm.s32 @p1 $0x1;
	p0 =	seq.s32 s7, s2  }
0x1e: {  	s7 =	smul.u32 @!p0 $0xF7A, s2;
	p2 =	seq.s32 @!p0 s5, $0x0  }
0x1f: {  	s9 =	smul.u32 $0xF7A, s1;
	s8 =	simm.s32 @!p0 $0x1BF5;
	p2 =	por !p2, p0  }
0x20: {  	[sflag:s8] =	ssyncset.s32 @!p0 $0xFFFFF086;
	s6 =	sadd.s32 @!p0 s3, s7;
	s7 =	simm.s32 @!p0 $0x108  }
0x21: {  	s3 =	sadd.s32 s3, s9;
	s6 =	sadd.s32 @!p0 $0x88, s6;
	s7 =	simm.s32 @p2 $0x1082  }
0x22: {  	[simem:s7], [sflag:s8] =	dma.local @!p0 [hbm:s6], $0xF7A  }
0x23: {  	s9 =	sor.u32 $0xD0000000, s2;
	s6 =	simm.s32 $0x108;
	_ =	swait.ge @!p0 [sflag:s8], $0x0  }
0x24: {  	s3 =	sadd.s32 $0x88, s3;
	s6 =	simm.s32 @!p1 $0x1082;
	[sflag:s4] =	ssyncset.s32 $0xFFFFF086  }
0x25: {  	[simem:s6], [sflag:s4] =	dma.local [hbm:s3], $0xF7A  }
0x26: {  	[smem:$0x3F9C] =	sst s1;
	(tag) =	ssettag s2;
	_ =	strace s9  }
0x27: {  	s1 =	sld [smem:$0x3FAC]  }
0x28: {  	s2 =	sld [smem:$0x3FAD]  }
0x29: {  	s4 =	sld [smem:$0x3FAF]  }
0x2a: {  	p0 =	seq.s32 s5, $0x0;
	s5 =	sld [smem:$0x3FB0]  }
0x2b: {  	s6 =	sld [smem:$0x3FB1]  }
0x2c: {  	s7 =	sld [smem:$0x3FB2]  }
0x2d: {  	s3 =	simm.s32 $0x108;
	s8 =	sld [smem:$0x3FB3]  }
0x2e: {  	s3 =	simm.s32 @!p0 $0x1082;
	s9 =	sld [smem:$0x3FB4]  }
0x2f: {  	lr =	sadd.s32 s0, s3;
	s0 =	sld [smem:$0x3FAB]  }
0x30: {  	s3 =	sld [smem:$0x3FAE]  }
0x31: {  	[smem:$0x3FB7] =	sst s10  }
0x32: {  	s10 =	sld [smem:$0x3FB5];
	_ =	sdelay $0x3  }
0x33: {  	p0 =	seq.s32 s10, $0x1;
	s10 =	sld [smem:$0x3FB7];
	_ =	sdelay $0x3  }
0x34: {  	[smem:$0x3FB7] =	sst s10  }
0x35: {  	s10 =	sld [smem:$0x3FB6];
	_ =	sdelay $0x3  }
0x36: {  	p1 =	seq.s32 s10, $0x1;
	s10 =	sld [smem:$0x3FB7];
	_ =	sdelay $0x3  }
0x37: {  	[smem:$0x3FB7] =	sst s10  }
0x38: {  	s10 =	sld [smem:$0x3FB8]  }
0x39: {  	_ = 	snop;
	(pc) =	sbr.ind lr, $3  }
0x3a: {  	_ = 	snop  }
0x3b: {  	_ = 	snop  }
0x3c: {  	p2 =	seq.s32 s10, $0x1;
	s10 =	sld [smem:$0x3FB7]  }
0x3d: {  	_ =	shalt  }
0x3e: {  	_ =	shalt  }
0x3f: {  	_ =	shalt  }
0x40: {  	_ =	shalt  }
0x41: {  	_ =	shalt  }
0x42: {  	_ =	shalt  }
0x43: {  	_ =	shalt  }
0x44: {  	_ =	shalt  }
0x45: {  	_ =	shalt  }
0x46: {  	_ =	shalt  }
0x47: {  	_ =	shalt  }
0x48: {  	_ =	shalt  }
0x49: {  	_ =	shalt  }
0x4a: {  	_ =	shalt  }
0x4b: {  	_ =	shalt  }
0x4c: {  	_ =	shalt  }
0x4d: {  	_ =	shalt  }
0x4e: {  	_ =	shalt  }
0x4f: {  	_ =	shalt  }
0x50: {  	_ =	shalt  }
0x51: {  	_ =	shalt  }
0x52: {  	_ =	shalt  }
0x53: {  	_ =	shalt  }
0x54: {  	_ =	shalt  }
0x55: {  	_ =	shalt  }
0x56: {  	_ =	shalt  }
0x57: {  	_ =	shalt  }
0x58: {  	_ =	shalt  }
0x59: {  	_ =	shalt  }
0x5a: {  	_ =	shalt  }
0x5b: {  	_ =	shalt  }
0x5c: {  	_ =	shalt  }
0x5d: {  	_ =	shalt  }
0x5e: {  	_ =	shalt  }
0x5f: {  	_ =	shalt  }
0x60: {  	_ =	shalt  }
0x61: {  	_ =	shalt  }
0x62: {  	_ =	shalt  }
0x63: {  	_ =	shalt  }
0x64: {  	_ =	shalt  }
0x65: {  	_ =	shalt  }
0x66: {  	_ =	shalt  }
0x67: {  	_ =	shalt  }
0x68: {  	_ =	shalt  }
0x69: {  	_ =	shalt  }
0x6a: {  	_ =	shalt  }
0x6b: {  	_ =	shalt  }
0x6c: {  	_ =	shalt  }
0x6d: {  	_ =	shalt  }
0x6e: {  	_ =	shalt  }
0x6f: {  	_ =	shalt  }
0x70: {  	_ =	shalt  }
0x71: {  	_ =	shalt  }
0x72: {  	_ =	shalt  }
0x73: {  	_ =	shalt  }
0x74: {  	_ =	shalt  }
0x75: {  	_ =	shalt  }
0x76: {  	_ =	shalt  }
0x77: {  	_ =	shalt  }
0x78: {  	_ =	shalt  }
0x79: {  	_ =	shalt  }
0x7a: {  	_ =	shalt  }
0x7b: {  	_ =	shalt  }
0x7c: {  	_ =	shalt  }
0x7d: {  	_ =	shalt  }
0x7e: {  	_ =	shalt  }
0x7f: {  	_ =	shalt  }
0x80: {  	_ =	shalt  }
0x81: {  	_ =	shalt  }
0x82: {  	_ =	shalt  }
0x83: {  	_ =	shalt  }
0x84: {  	_ =	shalt  }
0x85: {  	_ =	shalt  }
0x86: {  	_ =	shalt  }
0x87: {  	_ =	shalt  }
.Lfunc_end0:
.L_simem_size_0:
called_computation.2_lowered:
.L_overlay_start_0:
0x88: {  	s2 =	sld [smem:$0x3FD9]  }
0x89: {  	s3 =	sld [smem:$0x3FFE];
	_ =	sdelay $0x1  }
0x8a: {  	s1 =	srdreg.scid  }
0x8b: {  	s0 =	sand.u32 $0x1, s1  }
0x8c: {  	s17 =	sshll.u32 s0, $0xA;
	s2 =	sadd.s32 s3, s2  }
0x8d: {  	s2 =	sadd.s32 s2, s17  }
0x8e: {  	[smem:$0x3FC3] =	sst s2  }
0x8f: {  	_ = 	snop  }
0x90: {  	s2 =	sld [smem:$0x3FD0];
	(tm) =	ssettm $0x1  }
0x91: {  	s18 =	sld [smem:$0x3FFB];
	_ =	sdelay $0x3  }
0x92: {  	_ =	strace s18  }
0x93: {  	s3 =	sld [smem:$0x3FFC];
	_ =	sdelay $0x3  }
0x94: {  	_ =	strace s3  }
0x95: {  	s3 =	sld [smem:$0x3FFD];
	_ =	sdelay $0x3  }
0x96: {  	_ =	strace s3  }
0x97: {  	_ =	strace $0x8FFFFFFF  }
0x98: {  	s19 =	sld [smem:$0x3FDB];
	_ =	sdelay $0x1  }
0x99: {  	s4 =	simm.s32 $_scs_section_size  }
0x9a: {  	s5 =	simm.s32 $_size__tile_overlayer_lowered;
	s6 =	simm.s32 $_tile_overlayer_lowered  }
0x9b: {  	s22 =	simm.s32 $0x1BFF;
	s21 =	sshll.u32 s6, $0x1;
	s3 =	sadd.s32 s4, s19  }
0x9c: {  	s7 =	simm.s32 $0x0;
	s20 =	sshll.u32 s5, $0x1;
	s5 =	sadd.s32 s21, s3  }
0x9d: {  	[timem:s7], [sflag:s22] =	dma.local [hbm:s5], s20  }
0x9e: {  	_ =	swait.ge [sflag:s22], s20  }
0x9f: {  	s4 =	ssub.s32 $0x0, s20;
	[sflag:s22] =	ssyncset.done $0x0  }
0xa0: {  	[sflag:s22] =	ssyncadd.s32 s4;
	_ =	sdelay $0x1  }
0xa1: {  	s23 =	simm.s32 $0x1B8B  }
0xa2: {  	_ =	swait.ge [sflag:s23], $0x1  }
0xa3: {  	[sflag:s23] =	ssyncset.done $0x0  }
0xa4: {  	s25 =	simm.s32 $0x1B8E;
	s24 =	sld [smem:$0x3FFE];
	[sflag:s23] =	ssyncadd.s32 $0xFFFFFFFF  }
0xa5: {  	s26 =	simm.s32 $execute0_lowered;
	[smem:$0x3FD2] =	sst s25  }
0xa6: {  	s5 =	sshll.u32 s26, $0x1;
	_ =	strace $0x8000004C;
	[dreg:$0x1] =	wrdreg $0xFFFFFFFF  }
0xa7: {  	s28 =	simm.s32 $_size_execute0_lowered;
	s3 =	sadd.s32 s3, s5;
	[dreg:$0x0] =	wrdreg $0x0  }
0xa8: {  	s5 =	sshll.u32 s28, $0x1;
	[dreg:$0x2] =	wrdreg s3  }
0xa9: {  	[dreg:$0x3] =	wrdreg s5  }
0xaa: {  	[dreg:$0x4] =	wrdreg $0xC0  }
0xab: {  	_ =	task [dreg:s7], $0x5FFFF  }
0xac: {  	[dreg:$0x1] =	wrdreg $0xFFFFFFFF  }
0xad: {  	[dreg:$0x0] =	wrdreg $0x60  }
0xae: {  	[dreg:$0x2] =	wrdreg s24  }
0xaf: {  	[dreg:$0x3] =	wrdreg s2  }
0xb0: {  	[dreg:$0x4] =	wrdreg $0x9  }
0xb1: {  	_ =	task.clear_ibuf [dreg:s7], $0x5FFFF;
	_ =	strace $0x9000004C  }
0xb2: {  	s29 =	simm.s32 $0x9;
	_ =	strace $0x8000004E  }
0xb3: {  	_ =	swait.ge [sflag:s29], $0x1  }
0xb4: {  	[sflag:s29] =	ssyncadd.s32 $0xFFFFFFFF  }
0xb5: {  	_ =	strace $0x9000004E  }
0xb6: {  	_ =	sfence  }
0xb7: {  	s30 =	sld [smem:$0x0];
	_ =	sdelay $0x2  }
0xb8: {  	s31 =	sshll.u32 s1, $0xD;
	s1 =	sshrl.u32 s1, $0x2  }
0xb9: {  	s3 =	sand.u32 $0x4000, s31;
	s1 =	sadd.s32 s1, s30  }
0xba: {  	s0 =	sor.u32 s3, s0;
	s1 =	sshll.u32 s1, $0x11  }
0xbb: {  	s0 =	sor.u32 s1, s0  }
0xbc: {  	s0 =	sadd.s32 $0x8F2B, s0  }
0xbd: {  	[sflag:s0] =	ssyncadd.remote.s32 $0x1  }
0xbe: {  	_ =	sfence.sel $0xFFFF  }
0xbf: {  	[dreg:$0x0] =	wrdreg $0xFFFFFFFF;
	(pc) =	sbr.abs _section_cstart, $3  }
0xc0: {  	[dreg:$0x1] =	wrdreg $0xFFFFFFFF  }
0xc1: {  	_ =	task.clear_ibuf [dreg:s7], $0x2FFFF;
	_ =	strace $0x9FFFFFFF  }
0xc2: {  	(tm) =	ssettm $0x7FFFFFFF  }
0xc3: {  	_ =	shalt  }
tec
execute0_lowered:
.L_overlay_start_1:
0x0: {  	(tag) =	ssettag $0x1  }
0x1: {  	s0 =	rddreg [dreg:$0x0]  }
0x2: {  	s1 =	rddreg [dreg:$0x1]  }
0x3: {  	s2 =	simm.s32 $0x0;
	s3 =	srdreg.scid;
	s5 =	stileid.u32  }
0x4: {  	s14 =	simm.s32 $0x3;
	s15 =	simm.s32 $0x9900;
	s16 =	simm.s32 $0xA100  }
0x5: {  	s17 =	simm.s32 $0xA900;
	s18 =	simm.s32 $0xB100;
	s19 =	simm.s32 $0xB900  }
0x6: {  	s20 =	simm.s32 $0xC900;
	s21 =	simm.s32 $0xD100;
	s22 =	simm.s32 $0xD900  }
0x7: {  	s23 =	simm.s32 $0xE900;
	s11 =	simm.s32 $0xF100;
	s12 =	simm.s32 $0x1  }
0x8: {  	s13 =	simm.s32 $0x10100;
	[smem:$0x7FF] =	sst s2;
	s4 =	sand.u32 $0x1, s3  }
0x9: {  	s5 =	sshll.u32 s5, $0x7;
	s3 =	sadd.s32 $0x361A00, s0;
	s9 =	sadd.s32 $0x1600, s0  }
0xa: {  	s10 =	sadd.s32 $0x1800, s0;
	s8 =	sadd.s32 $0x361D00, s0;
	s6 =	sshll.u32 s4, $0x6  }
0xb: {  	_ =	strace $0x8000004D;
	s4 =	ssub.s32 $0x2, s4;
	s5 =	sor.u32 s6, s5  }
0xc: {  	s24 =	sshrl.u32 s4, $0x1;
	s6 =	sadd.s32 $0x361B00, s0;
	s7 =	sshrl.u32 s5, $0x3  }
0xd: {  	s4 =	ssub.s32 s4, s24;
	s28 =	sshll.u32 s5, $0x7;
	s5 =	sor.u32 $0x20, s5  }
0xe: {  	s24 =	simm.s32 $0xF900;
	s25 =	sadd.s32 s9, s7;
	s26 =	sadd.s32 s10, s7  }
0xf: {  	s7 =	sadd.s32 $0x361C00, s0;
	s0 =	sadd.s32 s1, s28;
	[dreg:$0x3] =	wrdreg s25  }
0x10: {  	s29 =	sshrl.u32 s5, $0x3;
	s5 =	sshll.u32 s5, $0x7;
	[dreg:$0x4] =	wrdreg s26  }
0x11: {  	s31 =	smax.u32 s4, $0x1;
	s4 =	simm.s32 $0x8900;
	[dreg:$0x5] =	wrdreg s0  }
0x12: {  	s9 =	sadd.s32 s9, s29;
	s0 =	sadd.s32 s10, s29;
	[dreg:$0x9] =	wrdreg s31  }
0x13: {  	v2 =	vlaneseq.u32;
	s30 =	sadd.s32 s1, s5;
	s5 =	simm.s32 $0x9100;
	[dreg:$0x6] =	wrdreg s9  }
0x14: {  	vm0 =	vmmov $0xffff;
	v1 =	vshrl.u32 v2, $0x3;
	s10 =	simm.s32 $0xE100;
	s25 =	simm.s32 $0x2;
	[dreg:$0x7] =	wrdreg s0  }
0x15: {  	v0 =	vand.u32 $0x7, v2;
	v2 =	vor.u32 $0x8, v2;
	v1 =	vmul.u32 $0x8, v1;
	s26 =	simm.s32 $0x0;
	[dreg:$0x8] =	wrdreg s30;
	s9 =	simm.s32 $0xC100  }
.LBB2_1:
0x16: {  	s0 =	rddreg [dreg:$0x3]  }
0x17: {  	[tilespmem:s2], [sflag:$0x3] =	stream.linear.gather [hbm4b:s0+s2], $0x20, $0x38;
	[tilespmem:$0x18100] =	vst v63  }
0x18: {  	_ =	swait.ge [sflag:s14], $0x20  }
0x19: {  	[sflag:s14] =	ssyncset.done $0x0  }
0x1a: {  	s1 =	simm.s32 $0x80;
	s0 =	rddreg [dreg:$0x4];
	[sflag:s14] =	ssyncadd.s32 $0xFFFFFFE0  }
0x1b: {  	[tilespmem:s1], [sflag:$0x3] =	stream.linear.gather [hbm4b:s0+s2], $0x20, $0x38;
	[tilespmem:$0x18100] =	vst v63  }
0x1c: {  	_ =	swait.ge [sflag:s14], $0x20  }
0x1d: {  	[sflag:s14] =	ssyncset.done $0x0  }
0x1e: {  	[sflag:s14] =	ssyncadd.s32 $0xFFFFFFE0  }
0x1f: {  	v3 =	vld [tilespmem:$0x0];
	_ =	sdelay $0x4  }
0x20: {  	v4 =	vshll.u32 v3, $0x3  }
0x21: {  	v3 =	vand.u32 $0x7, v3;
	v4 =	vand.u32 $0xFFFFFFC0, v4  }
0x22: {  	v3 =	vor.u32 v3, v4  }
0x23: {  	v4 =	vperm.xlane v3, v0;
	_ =	sdelay $0x1  }
0x24: {  	v4 =	vadd.s32 v1, v4;
	_ =	sdelay $0x3  }
0x25: {  	s1 =	simm.s32 $0x100  }
0x26: {  	[tilespmem:s1], [sflag:$0x1] =	stream.indirect_vreg.gather [hbm4b:s3+s2], $0x80, v4, vm0, $0xb8;
	[tilespmem:$0x18100] =	vst v63  }
0x27: {  	v3 =	vperm.xlane v3, v2;
	s1 =	simm.s32 $0x900  }
0x28: {  	[tilespmem:s1], [sflag:$0x1] =	stream.indirect_vreg.gather [hbm4b:s6+s2], $0x80, v4, vm0, $0xb8;
	[tilespmem:$0x18100] =	vst v63  }
0x29: {  	v3 =	vadd.s32 v1, v3;
	s1 =	simm.s32 $0x1100  }
0x2a: {  	[tilespmem:s1], [sflag:$0x1] =	stream.indirect_vreg.gather [hbm4b:s7+s2], $0x80, v4, vm0, $0xb8;
	[tilespmem:$0x18100] =	vst v63  }
0x2b: {  	s1 =	simm.s32 $0x1900  }
0x2c: {  	[tilespmem:s1], [sflag:$0x1] =	stream.indirect_vreg.gather [hbm4b:s8+s2], $0x80, v4, vm0, $0xb8;
	[tilespmem:$0x18100] =	vst v63  }
0x2d: {  	s1 =	simm.s32 $0x2100  }
0x2e: {  	[tilespmem:s1], [sflag:$0x1] =	stream.indirect_vreg.gather [hbm4b:s3+s2], $0x80, v3, vm0, $0xb8;
	[tilespmem:$0x18100] =	vst v63  }
0x2f: {  	s1 =	simm.s32 $0x2900  }
0x30: {  	[tilespmem:s1], [sflag:$0x1] =	stream.indirect_vreg.gather [hbm4b:s6+s2], $0x80, v3, vm0, $0xb8;
	[tilespmem:$0x18100] =	vst v63  }
0x31: {  	s1 =	simm.s32 $0x3100  }
0x32: {  	[tilespmem:s1], [sflag:$0x1] =	stream.indirect_vreg.gather [hbm4b:s7+s2], $0x80, v3, vm0, $0xb8;
	[tilespmem:$0x18100] =	vst v63  }
0x33: {  	s1 =	simm.s32 $0x3900  }
0x34: {  	[tilespmem:s1], [sflag:$0x1] =	stream.indirect_vreg.gather [hbm4b:s8+s2], $0x80, v3, vm0, $0xb8;
	[tilespmem:$0x18100] =	vst v63  }
0x35: {  	v3 =	vld [tilespmem:$0x10];
	_ =	sdelay $0x4  }
0x36: {  	v61 =	vshll.u32 v3, $0x3  }
0x37: {  	v3 =	vand.u32 $0x7, v3;
	v4 =	vand.u32 $0xFFFFFFC0, v61  }
0x38: {  	v3 =	vor.u32 v3, v4  }
0x39: {  	v4 =	vperm.xlane v3, v0;
	_ =	sdelay $0x1  }
0x3a: {  	v4 =	vadd.s32 v1, v4;
	_ =	sdelay $0x3  }
0x3b: {  	s1 =	simm.s32 $0x4100  }
0x3c: {  	[tilespmem:s1], [sflag:$0x1] =	stream.indirect_vreg.gather [hbm4b:s3+s2], $0x80, v4, vm0, $0xb8;
	[tilespmem:$0x18100] =	vst v63  }
0x3d: {  	v3 =	vperm.xlane v3, v2;
	s1 =	simm.s32 $0x4900  }
0x3e: {  	[tilespmem:s1], [sflag:$0x1] =	stream.indirect_vreg.gather [hbm4b:s6+s2], $0x80, v4, vm0, $0xb8;
	[tilespmem:$0x18100] =	vst v63  }
0x3f: {  	v3 =	vadd.s32 v1, v3;
	s1 =	simm.s32 $0x5100  }
0x40: {  	[tilespmem:s1], [sflag:$0x1] =	stream.indirect_vreg.gather [hbm4b:s7+s2], $0x80, v4, vm0, $0xb8;
	[tilespmem:$0x18100] =	vst v63  }
0x41: {  	s1 =	simm.s32 $0x5900  }
0x42: {  	[tilespmem:s1], [sflag:$0x1] =	stream.indirect_vreg.gather [hbm4b:s8+s2], $0x80, v4, vm0, $0xb8;
	[tilespmem:$0x18100] =	vst v63  }
0x43: {  	s1 =	simm.s32 $0x6100  }
0x44: {  	[tilespmem:s1], [sflag:$0x1] =	stream.indirect_vreg.gather [hbm4b:s3+s2], $0x80, v3, vm0, $0xb8;
	[tilespmem:$0x18100] =	vst v63  }
0x45: {  	s1 =	simm.s32 $0x6900  }
0x46: {  	[tilespmem:s1], [sflag:$0x1] =	stream.indirect_vreg.gather [hbm4b:s6+s2], $0x80, v3, vm0, $0xb8;
	[tilespmem:$0x18100] =	vst v63  }
0x47: {  	s1 =	simm.s32 $0x7100  }
0x48: {  	[tilespmem:s1], [sflag:$0x1] =	stream.indirect_vreg.gather [hbm4b:s7+s2], $0x80, v3, vm0, $0xb8;
	[tilespmem:$0x18100] =	vst v63  }
0x49: {  	s1 =	simm.s32 $0x7900  }
0x4a: {  	[tilespmem:s1], [sflag:$0x1] =	stream.indirect_vreg.gather [hbm4b:s8+s2], $0x80, v3, vm0, $0xb8;
	[tilespmem:$0x18100] =	vst v63  }
0x4b: {  	v3 =	vld [tilespmem:$0x80];
	_ =	sdelay $0x4  }
0x4c: {  	v62 =	vshll.u32 v3, $0x3  }
0x4d: {  	v3 =	vand.u32 $0x7, v3;
	v4 =	vand.u32 $0xFFFFFFC0, v62  }
0x4e: {  	v3 =	vor.u32 v3, v4  }
0x4f: {  	v4 =	vperm.xlane v3, v0;
	_ =	sdelay $0x1  }
0x50: {  	v4 =	vadd.s32 v1, v4;
	_ =	sdelay $0x3  }
0x51: {  	s1 =	simm.s32 $0x8100  }
0x52: {  	[tilespmem:s1], [sflag:$0x2] =	stream.indirect_vreg.gather [hbm4b:s3+s2], $0x80, v4, vm0, $0xb8;
	[tilespmem:$0x18100] =	vst v63  }
0x53: {  	v3 =	vperm.xlane v3, v2  }
0x54: {  	[tilespmem:s4], [sflag:$0x2] =	stream.indirect_vreg.gather [hbm4b:s6+s2], $0x80, v4, vm0, $0xb8;
	[tilespmem:$0x18100] =	vst v63  }
0x55: {  	v3 =	vadd.s32 v1, v3  }
0x56: {  	[tilespmem:s5], [sflag:$0x2] =	stream.indirect_vreg.gather [hbm4b:s7+s2], $0x80, v4, vm0, $0xb8;
	[tilespmem:$0x18100] =	vst v63  }
0x57: {  	_ = 	snop  }
0x58: {  	[tilespmem:s15], [sflag:$0x2] =	stream.indirect_vreg.gather [hbm4b:s8+s2], $0x80, v4, vm0, $0xb8;
	[tilespmem:$0x18100] =	vst v63  }
0x59: {  	_ = 	snop  }
0x5a: {  	[tilespmem:s16], [sflag:$0x2] =	stream.indirect_vreg.gather [hbm4b:s3+s2], $0x80, v3, vm0, $0xb8;
	[tilespmem:$0x18100] =	vst v63  }
0x5b: {  	_ = 	snop  }
0x5c: {  	[tilespmem:s17], [sflag:$0x2] =	stream.indirect_vreg.gather [hbm4b:s6+s2], $0x80, v3, vm0, $0xb8;
	[tilespmem:$0x18100] =	vst v63  }
0x5d: {  	_ = 	snop  }
0x5e: {  	[tilespmem:s18], [sflag:$0x2] =	stream.indirect_vreg.gather [hbm4b:s7+s2], $0x80, v3, vm0, $0xb8;
	[tilespmem:$0x18100] =	vst v63  }
0x5f: {  	_ = 	snop  }
0x60: {  	[tilespmem:s19], [sflag:$0x2] =	stream.indirect_vreg.gather [hbm4b:s8+s2], $0x80, v3, vm0, $0xb8;
	[tilespmem:$0x18100] =	vst v63  }
0x61: {  	v3 =	vld [tilespmem:$0x90];
	_ =	sdelay $0x4  }
0x62: {  	v63 =	vshll.u32 v3, $0x3  }
0x63: {  	v3 =	vand.u32 $0x7, v3;
	v4 =	vand.u32 $0xFFFFFFC0, v63  }
0x64: {  	v3 =	vor.u32 v3, v4  }
0x65: {  	v4 =	vperm.xlane v3, v0;
	_ =	sdelay $0x1  }
0x66: {  	v4 =	vadd.s32 v1, v4;
	_ =	sdelay $0x4  }
0x67: {  	[tilespmem:s9], [sflag:$0x2] =	stream.indirect_vreg.gather [hbm4b:s3+s2], $0x80, v4, vm0, $0xb8;
	[tilespmem:$0x18100] =	vst v63  }
0x68: {  	v3 =	vperm.xlane v3, v2  }
0x69: {  	[tilespmem:s20], [sflag:$0x2] =	stream.indirect_vreg.gather [hbm4b:s6+s2], $0x80, v4, vm0, $0xb8;
	[tilespmem:$0x18100] =	vst v63  }
0x6a: {  	v3 =	vadd.s32 v1, v3  }
0x6b: {  	[tilespmem:s21], [sflag:$0x2] =	stream.indirect_vreg.gather [hbm4b:s7+s2], $0x80, v4, vm0, $0xb8;
	[tilespmem:$0x18100] =	vst v63  }
0x6c: {  	_ = 	snop  }
0x6d: {  	[tilespmem:s22], [sflag:$0x2] =	stream.indirect_vreg.gather [hbm4b:s8+s2], $0x80, v4, vm0, $0xb8;
	[tilespmem:$0x18100] =	vst v63  }
0x6e: {  	_ = 	snop  }
0x6f: {  	[tilespmem:s10], [sflag:$0x2] =	stream.indirect_vreg.gather [hbm4b:s3+s2], $0x80, v3, vm0, $0xb8;
	[tilespmem:$0x18100] =	vst v63  }
0x70: {  	_ = 	snop  }
0x71: {  	[tilespmem:s23], [sflag:$0x2] =	stream.indirect_vreg.gather [hbm4b:s6+s2], $0x80, v3, vm0, $0xb8;
	[tilespmem:$0x18100] =	vst v63  }
0x72: {  	_ = 	snop  }
0x73: {  	[tilespmem:s11], [sflag:$0x2] =	stream.indirect_vreg.gather [hbm4b:s7+s2], $0x80, v3, vm0, $0xb8;
	[tilespmem:$0x18100] =	vst v63  }
0x74: {  	_ = 	snop  }
0x75: {  	[tilespmem:s24], [sflag:$0x2] =	stream.indirect_vreg.gather [hbm4b:s8+s2], $0x80, v3, vm0, $0xb8;
	[tilespmem:$0x18100] =	vst v63  }
0x76: {  	_ =	swait.ge [sflag:s12], $0x8000  }
0x77: {  	[sflag:s12] =	ssyncset.done $0x0  }
0x78: {  	[sflag:s12] =	ssyncadd.s32 $0xFFFF8000  }
0x79: {  	_ =	swait.ge [sflag:s25], $0x8000  }
0x7a: {  	s28 =	simm.s32 $0xFFFF8000;
	s29 =	simm.s32 $0x0;
	[sflag:s25] =	ssyncset.done $0x0  }
0x7b: {  	s30 =	simm.s32 $0x0;
	s31 =	simm.s32 $0x0;
	[sflag:s25] =	ssyncadd.s32 $0xFFFF8000  }
.LBB2_2:
0x7c: {  	s0 =	sadd.s32 $0x8000, s28  }
0x7d: {  	s1 =	sand.u32 $0x380, s31;
	s0 =	sand.u32 $0x6000, s0  }
0x7e: {  	s0 =	sor.u32 s1, s0  }
0x7f: {  	v3 =	vld [tilespmem:s0+$0x100]  }
0x80: {  	v4 =	vld [tilespmem:s0+$0x8100]  }
0x81: {  	v5 =	vld [tilespmem:s0+$0x110]  }
0x82: {  	v6 =	vld [tilespmem:s0+$0x8110]  }
0x83: {  	v7 =	vld [tilespmem:s0+$0x120]  }
0x84: {  	v8 =	vld [tilespmem:s0+$0x8120]  }
0x85: {  	v9 =	vld [tilespmem:s0+$0x130]  }
0x86: {  	v10 =	vld [tilespmem:s0+$0x8130]  }
0x87: {  	v11 =	vld [tilespmem:s0+$0x140]  }
0x88: {  	v12 =	vld [tilespmem:s0+$0x8140]  }
0x89: {  	v13 =	vld [tilespmem:s0+$0x150]  }
0x8a: {  	v14 =	vld [tilespmem:s0+$0x8150]  }
0x8b: {  	v15 =	vld [tilespmem:s0+$0x160]  }
0x8c: {  	v16 =	vld [tilespmem:s0+$0x8160]  }
0x8d: {  	v17 =	vld [tilespmem:s0+$0x170]  }
0x8e: {  	v18 =	vld [tilespmem:s0+$0x8170]  }
0x8f: {  	v19 =	vld [tilespmem:s0+$0x500]  }
0x90: {  	v20 =	vld [tilespmem:s0+$0x8500]  }
0x91: {  	v21 =	vld [tilespmem:s0+$0x510]  }
0x92: {  	v22 =	vld [tilespmem:s0+$0x8510]  }
0x93: {  	v23 =	vld [tilespmem:s0+$0x520]  }
0x94: {  	v24 =	vld [tilespmem:s0+$0x8520]  }
0x95: {  	v25 =	vld [tilespmem:s0+$0x530]  }
0x96: {  	v26 =	vld [tilespmem:s0+$0x8530]  }
0x97: {  	v27 =	vld [tilespmem:s0+$0x540]  }
0x98: {  	v28 =	vld [tilespmem:s0+$0x8540]  }
0x99: {  	v29 =	vld [tilespmem:s0+$0x550]  }
0x9a: {  	v30 =	vld [tilespmem:s0+$0x8550]  }
0x9b: {  	v31 =	vld [tilespmem:s0+$0x560]  }
0x9c: {  	v32 =	vld [tilespmem:s0+$0x8560]  }
0x9d: {  	v33 =	vld [tilespmem:s0+$0x570]  }
0x9e: {  	v34 =	vld [tilespmem:s0+$0x8570]  }
0x9f: {  	v35 =	vld [tilespmem:s0+$0x900]  }
0xa0: {  	v36 =	vld [tilespmem:s0+$0x8900]  }
0xa1: {  	v37 =	vld [tilespmem:s0+$0x910]  }
0xa2: {  	v38 =	vld [tilespmem:s0+$0x8910]  }
0xa3: {  	v39 =	vld [tilespmem:s0+$0x920]  }
0xa4: {  	v40 =	vld [tilespmem:s0+$0x8920]  }
0xa5: {  	v41 =	vld [tilespmem:s0+$0x930]  }
0xa6: {  	v42 =	vld [tilespmem:s0+$0x8930]  }
0xa7: {  	v43 =	vld [tilespmem:s0+$0x940]  }
0xa8: {  	v44 =	vld [tilespmem:s0+$0x8940]  }
0xa9: {  	v45 =	vld [tilespmem:s0+$0x950]  }
0xaa: {  	v46 =	vld [tilespmem:s0+$0x8950]  }
0xab: {  	v47 =	vld [tilespmem:s0+$0x960]  }
0xac: {  	v48 =	vld [tilespmem:s0+$0x8960]  }
0xad: {  	v49 =	vld [tilespmem:s0+$0x970]  }
0xae: {  	v50 =	vld [tilespmem:s0+$0x8970]  }
0xaf: {  	v51 =	vld [tilespmem:s0+$0xD00]  }
0xb0: {  	v52 =	vld [tilespmem:s0+$0x8D00]  }
0xb1: {  	v53 =	vld [tilespmem:s0+$0xD10]  }
0xb2: {  	v54 =	vld [tilespmem:s0+$0x8D10]  }
0xb3: {  	v55 =	vld [tilespmem:s0+$0xD20]  }
0xb4: {  	v56 =	vld [tilespmem:s0+$0x8D20]  }
0xb5: {  	v57 =	vld [tilespmem:s0+$0xD30]  }
0xb6: {  	v58 =	vld [tilespmem:s0+$0x8D30]  }
0xb7: {  	v59 =	vld [tilespmem:s0+$0xD40]  }
0xb8: {  	v60 =	vld [tilespmem:s0+$0x8D40]  }
0xb9: {  	v61 =	vld [tilespmem:s0+$0xD50]  }
0xba: {  	v62 =	vld [tilespmem:s0+$0x8D50]  }
0xbb: {  	v63 =	vld [tilespmem:s0+$0xD60]  }
0xbc: {  	v3 =	vadd.f32 v4, v3;
	v4 =	vld [tilespmem:s0+$0x8D60]  }
0xbd: {  	v5 =	vadd.f32 v6, v5;
	v6 =	vld [tilespmem:s0+$0xD70]  }
0xbe: {  	v14 =	vadd.f32 v14, v13;
	v13 =	vld [tilespmem:s0+$0x9120];
	[tilespmem:s0+$0x10100] =	vst v3  }
0xbf: {  	v18 =	vadd.f32 v18, v17;
	v17 =	vld [tilespmem:s0+$0x9140];
	v3 =	vadd.f32 v8, v7;
	[tilespmem:s0+$0x10110] =	vst v5  }
0xc0: {  	v22 =	vadd.f32 v22, v21;
	v21 =	vld [tilespmem:s0+$0x9160];
	[tilespmem:s0+$0x10150] =	vst v14  }
0xc1: {  	v7 =	vld [tilespmem:s0+$0x8D70];
	[tilespmem:s0+$0x10120] =	vst v3;
	v3 =	vadd.f32 v12, v11  }
0xc2: {  	v8 =	vld [tilespmem:s0+$0x1100];
	[tilespmem:s0+$0x10170] =	vst v18  }
0xc3: {  	v5 =	vadd.f32 v10, v9;
	v9 =	vld [tilespmem:s0+$0x9100];
	[tilespmem:s0+$0x10140] =	vst v3;
	v3 =	vadd.f32 v16, v15  }
0xc4: {  	v26 =	vadd.f32 v26, v25;
	v10 =	vld [tilespmem:s0+$0x1110];
	[tilespmem:s0+$0x10510] =	vst v22  }
0xc5: {  	v14 =	vld [tilespmem:s0+$0x1130];
	[tilespmem:s0+$0x10160] =	vst v3;
	v3 =	vadd.f32 v20, v19  }
0xc6: {  	v30 =	vadd.f32 v30, v29;
	[tilespmem:s0+$0x10530] =	vst v26;
	v18 =	vld [tilespmem:s0+$0x1150]  }
0xc7: {  	v19 =	vld [tilespmem:s0+$0x9150];
	[tilespmem:s0+$0x10500] =	vst v3;
	v3 =	vadd.f32 v24, v23  }
0xc8: {  	v34 =	vadd.f32 v34, v33;
	[tilespmem:s0+$0x10550] =	vst v30;
	v22 =	vld [tilespmem:s0+$0x1170]  }
0xc9: {  	v11 =	vld [tilespmem:s0+$0x9110];
	[tilespmem:s0+$0x10520] =	vst v3;
	v3 =	vadd.f32 v28, v27  }
0xca: {  	[tilespmem:s0+$0x10570] =	vst v34;
	v12 =	vld [tilespmem:s0+$0x1120]  }
0xcb: {  	v15 =	vld [tilespmem:s0+$0x9130];
	[tilespmem:s0+$0x10540] =	vst v3;
	v3 =	vadd.f32 v32, v31  }
0xcc: {  	[tilespmem:s0+$0x10130] =	vst v5;
	v16 =	vld [tilespmem:s0+$0x1140];
	v19 =	vadd.f32 v19, v18  }
0xcd: {  	v20 =	vld [tilespmem:s0+$0x1160];
	[tilespmem:s0+$0x10560] =	vst v3;
	v3 =	vadd.f32 v36, v35  }
0xce: {  	v24 =	vld [tilespmem:s0+$0x1500];
	[tilespmem:s0+$0x11150] =	vst v19;
	v36 =	vadd.f32 v38, v37  }
0xcf: {  	v37 =	vld [tilespmem:s0+$0x9170];
	[tilespmem:s0+$0x10900] =	vst v3;
	v3 =	vadd.f32 v40, v39  }
0xd0: {  	v38 =	vadd.f32 v42, v41;
	v41 =	vld [tilespmem:s0+$0x1510];
	[tilespmem:s0+$0x10910] =	vst v36  }
0xd1: {  	v42 =	vld [tilespmem:s0+$0x9510];
	[tilespmem:s0+$0x10920] =	vst v3;
	v3 =	vadd.f32 v44, v43  }
0xd2: {  	v35 =	vld [tilespmem:s0+$0x1910];
	[tilespmem:s0+$0x10930] =	vst v38;
	v40 =	vadd.f32 v46, v45  }
0xd3: {  	v39 =	vld [tilespmem:s0+$0x9500];
	[tilespmem:s0+$0x10940] =	vst v3;
	v3 =	vadd.f32 v48, v47  }
0xd4: {  	v45 =	vld [tilespmem:s0+$0x9520];
	v46 =	vadd.f32 v54, v53;
	[tilespmem:s0+$0x10950] =	vst v40  }
0xd5: {  	v53 =	vld [tilespmem:s0+$0x1550];
	[tilespmem:s0+$0x10960] =	vst v3;
	v3 =	vadd.f32 v52, v51  }
0xd6: {  	v54 =	vld [tilespmem:s0+$0x9550];
	v43 =	vadd.f32 v50, v49;
	[tilespmem:s0+$0x10D10] =	vst v46  }
0xd7: {  	v36 =	vld [tilespmem:s0+$0x9910];
	[tilespmem:s0+$0x10D00] =	vst v3;
	v3 =	vadd.f32 v56, v55  }
0xd8: {  	v38 =	vld [tilespmem:s0+$0x1920];
	v49 =	vadd.f32 v58, v57;
	[tilespmem:s0+$0x10970] =	vst v43  }
0xd9: {  	v44 =	vld [tilespmem:s0+$0x1520];
	[tilespmem:s0+$0x10D20] =	vst v3;
	v3 =	vadd.f32 v60, v59  }
0xda: {  	v50 =	vld [tilespmem:s0+$0x1540];
	v58 =	vadd.f32 v11, v10;
	[tilespmem:s0+$0x10D30] =	vst v49  }
0xdb: {  	v57 =	vld [tilespmem:s0+$0x9560];
	[tilespmem:s0+$0x10D40] =	vst v3;
	v3 =	vadd.f32 v4, v63  }
0xdc: {  	v46 =	vld [tilespmem:s0+$0x1950];
	v37 =	vadd.f32 v37, v22;
	[tilespmem:s0+$0x11110] =	vst v58  }
0xdd: {  	v40 =	vadd.f32 v42, v41;
	v41 =	vld [tilespmem:s0+$0x1930];
	[tilespmem:s0+$0x10D60] =	vst v3;
	v3 =	vadd.f32 v9, v8  }
0xde: {  	v42 =	vld [tilespmem:s0+$0x9930];
	[tilespmem:s0+$0x11170] =	vst v37  }
0xdf: {  	v47 =	vld [tilespmem:s0+$0x1530];
	[tilespmem:s0+$0x11100] =	vst v3;
	v3 =	vadd.f32 v13, v12  }
0xe0: {  	v48 =	vld [tilespmem:s0+$0x9530];
	[tilespmem:s0+$0x11510] =	vst v40;
	v52 =	vadd.f32 v62, v61  }
0xe1: {  	v49 =	vld [tilespmem:s0+$0x1960];
	[tilespmem:s0+$0x11120] =	vst v3;
	v3 =	vadd.f32 v17, v16  }
0xe2: {  	v51 =	vld [tilespmem:s0+$0x9540];
	v61 =	vadd.f32 v15, v14;
	[tilespmem:s0+$0x10D50] =	vst v52  }
0xe3: {  	v62 =	vld [tilespmem:s0+$0x1900];
	[tilespmem:s0+$0x11140] =	vst v3;
	v3 =	vadd.f32 v21, v20  }
0xe4: {  	v55 =	vadd.f32 v7, v6;
	v56 =	vld [tilespmem:s0+$0x1560];
	[tilespmem:s0+$0x11130] =	vst v61  }
0xe5: {  	v52 =	vld [tilespmem:s0+$0x1970];
	[tilespmem:s0+$0x11160] =	vst v3;
	v3 =	vadd.f32 v39, v24  }
0xe6: {  	v43 =	vadd.f32 v48, v47;
	v47 =	vld [tilespmem:s0+$0x9950];
	[tilespmem:s0+$0x10D70] =	vst v55  }
0xe7: {  	v59 =	vld [tilespmem:s0+$0x1570];
	[tilespmem:s0+$0x11500] =	vst v3;
	v3 =	vadd.f32 v45, v44  }
0xe8: {  	[tilespmem:s0+$0x11530] =	vst v43;
	v63 =	vld [tilespmem:s0+$0x9900];
	v4 =	vadd.f32 v54, v53  }
0xe9: {  	v60 =	vld [tilespmem:s0+$0x9570];
	[tilespmem:s0+$0x11520] =	vst v3;
	v3 =	vadd.f32 v51, v50  }
0xea: {  	v54 =	vadd.f32 v42, v41;
	[tilespmem:s0+$0x11550] =	vst v4;
	v39 =	vld [tilespmem:s0+$0x9920]  }
0xeb: {  	v44 =	vld [tilespmem:s0+$0x1940];
	[tilespmem:s0+$0x11540] =	vst v3;
	v3 =	vadd.f32 v57, v56  }
0xec: {  	[tilespmem:s0+$0x11930] =	vst v54;
	v55 =	vadd.f32 v47, v46;
	v45 =	vld [tilespmem:s0+$0x9940]  }
0xed: {  	v53 =	vld [tilespmem:s0+$0x9970];
	[tilespmem:s0+$0x11560] =	vst v3;
	v3 =	vadd.f32 v63, v62  }
0xee: {  	v48 =	vadd.f32 v60, v59;
	[tilespmem:s0+$0x11950] =	vst v55;
	v50 =	vld [tilespmem:s0+$0x9960]  }
0xef: {  	[tilespmem:s0+$0x11900] =	vst v3;
	v3 =	vadd.f32 v39, v38  }
0xf0: {  	[tilespmem:s0+$0x11570] =	vst v48;
	v51 =	vadd.f32 v36, v35  }
0xf1: {  	[tilespmem:s0+$0x11920] =	vst v3;
	v3 =	vadd.f32 v45, v44  }
0xf2: {  	s1 =	sand.u32 $0x7, s29;
	[tilespmem:s0+$0x11910] =	vst v51;
	v56 =	vadd.f32 v53, v52  }
0xf3: {  	s1 =	sshll.u32 s1, $0x7;
	[tilespmem:s0+$0x11940] =	vst v3;
	v3 =	vadd.f32 v50, v49  }
0xf4: {  	s1 =	sadd.s32 s1, s30;
	[tilespmem:s0+$0x11970] =	vst v56  }
0xf5: {  	[tilespmem:s0+$0x11960] =	vst v3;
	s0 =	sor.u32 $0x1C00, s1  }
0xf6: {  	v3 =	vld [tilespmem:s0+$0x100]  }
0xf7: {  	v4 =	vld [tilespmem:s0+$0x8100];
	_ =	sdelay $0x4  }
0xf8: {  	v3 =	vadd.f32 v4, v3;
	_ =	sdelay $0x1  }
0xf9: {  	[tilespmem:s0+$0x10100] =	vst v3;
	s0 =	sor.u32 $0x1C10, s1  }
0xfa: {  	v3 =	vld [tilespmem:s0+$0x100]  }
0xfb: {  	v57 =	vld [tilespmem:s0+$0x8100];
	_ =	sdelay $0x4  }
0xfc: {  	v3 =	vadd.f32 v57, v3;
	_ =	sdelay $0x1  }
0xfd: {  	[tilespmem:s0+$0x10100] =	vst v3;
	s0 =	sor.u32 $0x1C20, s1  }
0xfe: {  	v3 =	vld [tilespmem:s0+$0x100]  }
0xff: {  	v58 =	vld [tilespmem:s0+$0x8100];
	_ =	sdelay $0x4  }
0x100: {  	v3 =	vadd.f32 v58, v3;
	_ =	sdelay $0x1  }
0x101: {  	[tilespmem:s0+$0x10100] =	vst v3;
	s0 =	sor.u32 $0x1C30, s1  }
0x102: {  	v3 =	vld [tilespmem:s0+$0x100]  }
0x103: {  	v59 =	vld [tilespmem:s0+$0x8100];
	_ =	sdelay $0x4  }
0x104: {  	v3 =	vadd.f32 v59, v3;
	_ =	sdelay $0x1  }
0x105: {  	[tilespmem:s0+$0x10100] =	vst v3;
	s0 =	sor.u32 $0x1C40, s1  }
0x106: {  	v3 =	vld [tilespmem:s0+$0x100]  }
0x107: {  	v60 =	vld [tilespmem:s0+$0x8100];
	_ =	sdelay $0x4  }
0x108: {  	v3 =	vadd.f32 v60, v3;
	_ =	sdelay $0x1  }
0x109: {  	[tilespmem:s0+$0x10100] =	vst v3;
	s0 =	sor.u32 $0x1C50, s1  }
0x10a: {  	v3 =	vld [tilespmem:s0+$0x100]  }
0x10b: {  	v61 =	vld [tilespmem:s0+$0x8100];
	_ =	sdelay $0x4  }
0x10c: {  	v3 =	vadd.f32 v61, v3;
	_ =	sdelay $0x1  }
0x10d: {  	[tilespmem:s0+$0x10100] =	vst v3;
	s0 =	sor.u32 $0x1C60, s1  }
0x10e: {  	v3 =	vld [tilespmem:s0+$0x100]  }
0x10f: {  	v62 =	vld [tilespmem:s0+$0x8100];
	_ =	sdelay $0x4  }
0x110: {  	v3 =	vadd.f32 v62, v3;
	_ =	sdelay $0x1  }
0x111: {  	s1 =	sor.u32 $0x1C70, s1;
	[tilespmem:s0+$0x10100] =	vst v3  }
0x112: {  	v3 =	vld [tilespmem:s1+$0x100]  }
0x113: {  	v63 =	vld [tilespmem:s1+$0x8100];
	_ =	sdelay $0x1  }
0x114: {  	p0 =	sne.s32 s31, $0xF80  }
.Ltmp0:
0x115: {  	_ = 	snop;
	(pc) =	sbr.rel @p0 .LBB2_2-.Ltmp0, $4  }
0x116: {  	_ = 	snop  }
0x117: {  	v3 =	vadd.f32 v63, v3  }
0x118: {  	s28 =	sadd.s32 $0x400, s28  }
0x119: {  	s31 =	sadd.s32 $0x80, s31;
	s29 =	sadd.s32 $0x1, s29;
	s30 =	sadd.s32 $0x400, s30;
	[tilespmem:s1+$0x10100] =	vst v3  }
0x11a: {  	s28 =	simm.s32 $0x0;
	s0 =	rddreg [dreg:$0x5]  }
0x11b: {  	[hbm4b:s0+s28] =	stream.linear.scatter [tilespmem:s13], [sflag:$0x3], $0x8000, $0x38;
	[tilespmem:$0x18100] =	vst v63  }
0x11c: {  	_ =	swait.ge [sflag:s14], $0x8000  }
0x11d: {  	[sflag:s14] =	ssyncset.done $0x0  }
0x11e: {  	s1 =	rddreg [dreg:$0x6];
	[sflag:s14] =	ssyncadd.s32 $0xFFFF8000  }
0x11f: {  	[tilespmem:s28], [sflag:$0x3] =	stream.linear.gather [hbm4b:s1+s28], $0x20, $0x38;
	[tilespmem:$0x18100] =	vst v63  }
0x120: {  	_ =	swait.ge [sflag:s14], $0x20  }
0x121: {  	[sflag:s14] =	ssyncset.done $0x0  }
0x122: {  	s1 =	simm.s32 $0x80;
	s0 =	rddreg [dreg:$0x7];
	[sflag:s14] =	ssyncadd.s32 $0xFFFFFFE0  }
0x123: {  	[tilespmem:s1], [sflag:$0x3] =	stream.linear.gather [hbm4b:s0+s28], $0x20, $0x38;
	[tilespmem:$0x18100] =	vst v63  }
0x124: {  	_ =	swait.ge [sflag:s14], $0x20  }
0x125: {  	[sflag:s14] =	ssyncset.done $0x0  }
0x126: {  	[sflag:s14] =	ssyncadd.s32 $0xFFFFFFE0  }
0x127: {  	v3 =	vld [tilespmem:$0x0];
	_ =	sdelay $0x4  }
0x128: {  	v4 =	vshll.u32 v3, $0x3  }
0x129: {  	v3 =	vand.u32 $0x7, v3;
	v4 =	vand.u32 $0xFFFFFFC0, v4  }
0x12a: {  	v3 =	vor.u32 v3, v4  }
0x12b: {  	v4 =	vperm.xlane v3, v0;
	_ =	sdelay $0x1  }
0x12c: {  	v4 =	vadd.s32 v1, v4;
	_ =	sdelay $0x3  }
0x12d: {  	s1 =	simm.s32 $0x100  }
0x12e: {  	[tilespmem:s1], [sflag:$0x1] =	stream.indirect_vreg.gather [hbm4b:s3+s28], $0x80, v4, vm0, $0xb8;
	[tilespmem:$0x18100] =	vst v63  }
0x12f: {  	v3 =	vperm.xlane v3, v2;
	s1 =	simm.s32 $0x900  }
0x130: {  	[tilespmem:s1], [sflag:$0x1] =	stream.indirect_vreg.gather [hbm4b:s6+s28], $0x80, v4, vm0, $0xb8;
	[tilespmem:$0x18100] =	vst v63  }
0x131: {  	v3 =	vadd.s32 v1, v3;
	s1 =	simm.s32 $0x1100  }
0x132: {  	[tilespmem:s1], [sflag:$0x1] =	stream.indirect_vreg.gather [hbm4b:s7+s28], $0x80, v4, vm0, $0xb8;
	[tilespmem:$0x18100] =	vst v63  }
0x133: {  	s1 =	simm.s32 $0x1900  }
0x134: {  	[tilespmem:s1], [sflag:$0x1] =	stream.indirect_vreg.gather [hbm4b:s8+s28], $0x80, v4, vm0, $0xb8;
	[tilespmem:$0x18100] =	vst v63  }
0x135: {  	s1 =	simm.s32 $0x2100  }
0x136: {  	[tilespmem:s1], [sflag:$0x1] =	stream.indirect_vreg.gather [hbm4b:s3+s28], $0x80, v3, vm0, $0xb8;
	[tilespmem:$0x18100] =	vst v63  }
0x137: {  	s1 =	simm.s32 $0x2900  }
0x138: {  	[tilespmem:s1], [sflag:$0x1] =	stream.indirect_vreg.gather [hbm4b:s6+s28], $0x80, v3, vm0, $0xb8;
	[tilespmem:$0x18100] =	vst v63  }
0x139: {  	s1 =	simm.s32 $0x3100  }
0x13a: {  	[tilespmem:s1], [sflag:$0x1] =	stream.indirect_vreg.gather [hbm4b:s7+s28], $0x80, v3, vm0, $0xb8;
	[tilespmem:$0x18100] =	vst v63  }
0x13b: {  	s1 =	simm.s32 $0x3900  }
0x13c: {  	[tilespmem:s1], [sflag:$0x1] =	stream.indirect_vreg.gather [hbm4b:s8+s28], $0x80, v3, vm0, $0xb8;
	[tilespmem:$0x18100] =	vst v63  }
0x13d: {  	v3 =	vld [tilespmem:$0x10];
	_ =	sdelay $0x4  }
0x13e: {  	v61 =	vshll.u32 v3, $0x3  }
0x13f: {  	v3 =	vand.u32 $0x7, v3;
	v4 =	vand.u32 $0xFFFFFFC0, v61  }
0x140: {  	v3 =	vor.u32 v3, v4  }
0x141: {  	v4 =	vperm.xlane v3, v0;
	_ =	sdelay $0x1  }
0x142: {  	v4 =	vadd.s32 v1, v4;
	_ =	sdelay $0x3  }
0x143: {  	s1 =	simm.s32 $0x4100  }
0x144: {  	[tilespmem:s1], [sflag:$0x1] =	stream.indirect_vreg.gather [hbm4b:s3+s28], $0x80, v4, vm0, $0xb8;
	[tilespmem:$0x18100] =	vst v63  }
0x145: {  	v3 =	vperm.xlane v3, v2;
	s1 =	simm.s32 $0x4900  }
0x146: {  	[tilespmem:s1], [sflag:$0x1] =	stream.indirect_vreg.gather [hbm4b:s6+s28], $0x80, v4, vm0, $0xb8;
	[tilespmem:$0x18100] =	vst v63  }
0x147: {  	v3 =	vadd.s32 v1, v3;
	s1 =	simm.s32 $0x5100  }
0x148: {  	[tilespmem:s1], [sflag:$0x1] =	stream.indirect_vreg.gather [hbm4b:s7+s28], $0x80, v4, vm0, $0xb8;
	[tilespmem:$0x18100] =	vst v63  }
0x149: {  	s1 =	simm.s32 $0x5900  }
0x14a: {  	[tilespmem:s1], [sflag:$0x1] =	stream.indirect_vreg.gather [hbm4b:s8+s28], $0x80, v4, vm0, $0xb8;
	[tilespmem:$0x18100] =	vst v63  }
0x14b: {  	s1 =	simm.s32 $0x6100  }
0x14c: {  	[tilespmem:s1], [sflag:$0x1] =	stream.indirect_vreg.gather [hbm4b:s3+s28], $0x80, v3, vm0, $0xb8;
	[tilespmem:$0x18100] =	vst v63  }
0x14d: {  	s1 =	simm.s32 $0x6900  }
0x14e: {  	[tilespmem:s1], [sflag:$0x1] =	stream.indirect_vreg.gather [hbm4b:s6+s28], $0x80, v3, vm0, $0xb8;
	[tilespmem:$0x18100] =	vst v63  }
0x14f: {  	s1 =	simm.s32 $0x7100  }
0x150: {  	[tilespmem:s1], [sflag:$0x1] =	stream.indirect_vreg.gather [hbm4b:s7+s28], $0x80, v3, vm0, $0xb8;
	[tilespmem:$0x18100] =	vst v63  }
0x151: {  	s1 =	simm.s32 $0x7900  }
0x152: {  	[tilespmem:s1], [sflag:$0x1] =	stream.indirect_vreg.gather [hbm4b:s8+s28], $0x80, v3, vm0, $0xb8;
	[tilespmem:$0x18100] =	vst v63  }
0x153: {  	v3 =	vld [tilespmem:$0x80];
	_ =	sdelay $0x4  }
0x154: {  	v62 =	vshll.u32 v3, $0x3  }
0x155: {  	v3 =	vand.u32 $0x7, v3;
	v4 =	vand.u32 $0xFFFFFFC0, v62  }
0x156: {  	v3 =	vor.u32 v3, v4  }
0x157: {  	v4 =	vperm.xlane v3, v0;
	_ =	sdelay $0x1  }
0x158: {  	v4 =	vadd.s32 v1, v4;
	_ =	sdelay $0x3  }
0x159: {  	s1 =	simm.s32 $0x8100  }
0x15a: {  	[tilespmem:s1], [sflag:$0x2] =	stream.indirect_vreg.gather [hbm4b:s3+s28], $0x80, v4, vm0, $0xb8;
	[tilespmem:$0x18100] =	vst v63  }
0x15b: {  	v3 =	vperm.xlane v3, v2  }
0x15c: {  	[tilespmem:s4], [sflag:$0x2] =	stream.indirect_vreg.gather [hbm4b:s6+s28], $0x80, v4, vm0, $0xb8;
	[tilespmem:$0x18100] =	vst v63  }
0x15d: {  	v3 =	vadd.s32 v1, v3  }
0x15e: {  	[tilespmem:s5], [sflag:$0x2] =	stream.indirect_vreg.gather [hbm4b:s7+s28], $0x80, v4, vm0, $0xb8;
	[tilespmem:$0x18100] =	vst v63  }
0x15f: {  	_ = 	snop  }
0x160: {  	[tilespmem:s15], [sflag:$0x2] =	stream.indirect_vreg.gather [hbm4b:s8+s28], $0x80, v4, vm0, $0xb8;
	[tilespmem:$0x18100] =	vst v63  }
0x161: {  	_ = 	snop  }
0x162: {  	[tilespmem:s16], [sflag:$0x2] =	stream.indirect_vreg.gather [hbm4b:s3+s28], $0x80, v3, vm0, $0xb8;
	[tilespmem:$0x18100] =	vst v63  }
0x163: {  	_ = 	snop  }
0x164: {  	[tilespmem:s17], [sflag:$0x2] =	stream.indirect_vreg.gather [hbm4b:s6+s28], $0x80, v3, vm0, $0xb8;
	[tilespmem:$0x18100] =	vst v63  }
0x165: {  	_ = 	snop  }
0x166: {  	[tilespmem:s18], [sflag:$0x2] =	stream.indirect_vreg.gather [hbm4b:s7+s28], $0x80, v3, vm0, $0xb8;
	[tilespmem:$0x18100] =	vst v63  }
0x167: {  	_ = 	snop  }
0x168: {  	[tilespmem:s19], [sflag:$0x2] =	stream.indirect_vreg.gather [hbm4b:s8+s28], $0x80, v3, vm0, $0xb8;
	[tilespmem:$0x18100] =	vst v63  }
0x169: {  	v3 =	vld [tilespmem:$0x90];
	_ =	sdelay $0x4  }
0x16a: {  	v63 =	vshll.u32 v3, $0x3  }
0x16b: {  	v3 =	vand.u32 $0x7, v3;
	v4 =	vand.u32 $0xFFFFFFC0, v63  }
0x16c: {  	v3 =	vor.u32 v3, v4  }
0x16d: {  	v4 =	vperm.xlane v3, v0;
	_ =	sdelay $0x1  }
0x16e: {  	v4 =	vadd.s32 v1, v4;
	_ =	sdelay $0x4  }
0x16f: {  	[tilespmem:s9], [sflag:$0x2] =	stream.indirect_vreg.gather [hbm4b:s3+s28], $0x80, v4, vm0, $0xb8;
	[tilespmem:$0x18100] =	vst v63  }
0x170: {  	v3 =	vperm.xlane v3, v2  }
0x171: {  	[tilespmem:s20], [sflag:$0x2] =	stream.indirect_vreg.gather [hbm4b:s6+s28], $0x80, v4, vm0, $0xb8;
	[tilespmem:$0x18100] =	vst v63  }
0x172: {  	v3 =	vadd.s32 v1, v3  }
0x173: {  	[tilespmem:s21], [sflag:$0x2] =	stream.indirect_vreg.gather [hbm4b:s7+s28], $0x80, v4, vm0, $0xb8;
	[tilespmem:$0x18100] =	vst v63  }
0x174: {  	_ = 	snop  }
0x175: {  	[tilespmem:s22], [sflag:$0x2] =	stream.indirect_vreg.gather [hbm4b:s8+s28], $0x80, v4, vm0, $0xb8;
	[tilespmem:$0x18100] =	vst v63  }
0x176: {  	_ = 	snop  }
0x177: {  	[tilespmem:s10], [sflag:$0x2] =	stream.indirect_vreg.gather [hbm4b:s3+s28], $0x80, v3, vm0, $0xb8;
	[tilespmem:$0x18100] =	vst v63  }
0x178: {  	_ = 	snop  }
0x179: {  	[tilespmem:s23], [sflag:$0x2] =	stream.indirect_vreg.gather [hbm4b:s6+s28], $0x80, v3, vm0, $0xb8;
	[tilespmem:$0x18100] =	vst v63  }
0x17a: {  	_ = 	snop  }
0x17b: {  	[tilespmem:s11], [sflag:$0x2] =	stream.indirect_vreg.gather [hbm4b:s7+s28], $0x80, v3, vm0, $0xb8;
	[tilespmem:$0x18100] =	vst v63  }
0x17c: {  	_ = 	snop  }
0x17d: {  	[tilespmem:s24], [sflag:$0x2] =	stream.indirect_vreg.gather [hbm4b:s8+s28], $0x80, v3, vm0, $0xb8;
	[tilespmem:$0x18100] =	vst v63  }
0x17e: {  	_ =	swait.ge [sflag:s12], $0x8000  }
0x17f: {  	[sflag:s12] =	ssyncset.done $0x0  }
0x180: {  	[sflag:s12] =	ssyncadd.s32 $0xFFFF8000  }
0x181: {  	_ =	swait.ge [sflag:s25], $0x8000  }
0x182: {  	s29 =	simm.s32 $0xFFFF8000;
	[sflag:s25] =	ssyncset.done $0x0  }
0x183: {  	s30 =	simm.s32 $0x0;
	s31 =	simm.s32 $0x0;
	[sflag:s25] =	ssyncadd.s32 $0xFFFF8000  }
.LBB2_4:
0x184: {  	s0 =	sadd.s32 $0x8000, s29  }
0x185: {  	s1 =	sand.u32 $0x380, s31;
	s0 =	sand.u32 $0x6000, s0  }
0x186: {  	s0 =	sor.u32 s1, s0  }
0x187: {  	v3 =	vld [tilespmem:s0+$0x100]  }
0x188: {  	v4 =	vld [tilespmem:s0+$0x8100]  }
0x189: {  	v5 =	vld [tilespmem:s0+$0x110]  }
0x18a: {  	v6 =	vld [tilespmem:s0+$0x8110]  }
0x18b: {  	v7 =	vld [tilespmem:s0+$0x120]  }
0x18c: {  	v8 =	vld [tilespmem:s0+$0x8120]  }
0x18d: {  	v9 =	vld [tilespmem:s0+$0x130]  }
0x18e: {  	v10 =	vld [tilespmem:s0+$0x8130]  }
0x18f: {  	v11 =	vld [tilespmem:s0+$0x140]  }
0x190: {  	v12 =	vld [tilespmem:s0+$0x8140]  }
0x191: {  	v13 =	vld [tilespmem:s0+$0x150]  }
0x192: {  	v14 =	vld [tilespmem:s0+$0x8150]  }
0x193: {  	v15 =	vld [tilespmem:s0+$0x160]  }
0x194: {  	v16 =	vld [tilespmem:s0+$0x8160]  }
0x195: {  	v17 =	vld [tilespmem:s0+$0x170]  }
0x196: {  	v18 =	vld [tilespmem:s0+$0x8170]  }
0x197: {  	v19 =	vld [tilespmem:s0+$0x500]  }
0x198: {  	v20 =	vld [tilespmem:s0+$0x8500]  }
0x199: {  	v21 =	vld [tilespmem:s0+$0x510]  }
0x19a: {  	v22 =	vld [tilespmem:s0+$0x8510]  }
0x19b: {  	v23 =	vld [tilespmem:s0+$0x520]  }
0x19c: {  	v24 =	vld [tilespmem:s0+$0x8520]  }
0x19d: {  	v25 =	vld [tilespmem:s0+$0x530]  }
0x19e: {  	v26 =	vld [tilespmem:s0+$0x8530]  }
0x19f: {  	v27 =	vld [tilespmem:s0+$0x540]  }
0x1a0: {  	v28 =	vld [tilespmem:s0+$0x8540]  }
0x1a1: {  	v29 =	vld [tilespmem:s0+$0x550]  }
0x1a2: {  	v30 =	vld [tilespmem:s0+$0x8550]  }
0x1a3: {  	v31 =	vld [tilespmem:s0+$0x560]  }
0x1a4: {  	v32 =	vld [tilespmem:s0+$0x8560]  }
0x1a5: {  	v33 =	vld [tilespmem:s0+$0x570]  }
0x1a6: {  	v34 =	vld [tilespmem:s0+$0x8570]  }
0x1a7: {  	v35 =	vld [tilespmem:s0+$0x900]  }
0x1a8: {  	v36 =	vld [tilespmem:s0+$0x8900]  }
0x1a9: {  	v37 =	vld [tilespmem:s0+$0x910]  }
0x1aa: {  	v38 =	vld [tilespmem:s0+$0x8910]  }
0x1ab: {  	v39 =	vld [tilespmem:s0+$0x920]  }
0x1ac: {  	v40 =	vld [tilespmem:s0+$0x8920]  }
0x1ad: {  	v41 =	vld [tilespmem:s0+$0x930]  }
0x1ae: {  	v42 =	vld [tilespmem:s0+$0x8930]  }
0x1af: {  	v43 =	vld [tilespmem:s0+$0x940]  }
0x1b0: {  	v44 =	vld [tilespmem:s0+$0x8940]  }
0x1b1: {  	v45 =	vld [tilespmem:s0+$0x950]  }
0x1b2: {  	v46 =	vld [tilespmem:s0+$0x8950]  }
0x1b3: {  	v47 =	vld [tilespmem:s0+$0x960]  }
0x1b4: {  	v48 =	vld [tilespmem:s0+$0x8960]  }
0x1b5: {  	v49 =	vld [tilespmem:s0+$0x970]  }
0x1b6: {  	v50 =	vld [tilespmem:s0+$0x8970]  }
0x1b7: {  	v51 =	vld [tilespmem:s0+$0xD00]  }
0x1b8: {  	v52 =	vld [tilespmem:s0+$0x8D00]  }
0x1b9: {  	v53 =	vld [tilespmem:s0+$0xD10]  }
0x1ba: {  	v54 =	vld [tilespmem:s0+$0x8D10]  }
0x1bb: {  	v55 =	vld [tilespmem:s0+$0xD20]  }
0x1bc: {  	v56 =	vld [tilespmem:s0+$0x8D20]  }
0x1bd: {  	v57 =	vld [tilespmem:s0+$0xD30]  }
0x1be: {  	v58 =	vld [tilespmem:s0+$0x8D30]  }
0x1bf: {  	v59 =	vld [tilespmem:s0+$0xD40]  }
0x1c0: {  	v60 =	vld [tilespmem:s0+$0x8D40]  }
0x1c1: {  	v61 =	vld [tilespmem:s0+$0xD50]  }
0x1c2: {  	v62 =	vld [tilespmem:s0+$0x8D50]  }
0x1c3: {  	v63 =	vld [tilespmem:s0+$0xD60]  }
0x1c4: {  	v3 =	vadd.f32 v4, v3;
	v4 =	vld [tilespmem:s0+$0x8D60]  }
0x1c5: {  	v5 =	vadd.f32 v6, v5;
	v6 =	vld [tilespmem:s0+$0xD70]  }
0x1c6: {  	v14 =	vadd.f32 v14, v13;
	v13 =	vld [tilespmem:s0+$0x9120];
	[tilespmem:s0+$0x10100] =	vst v3  }
0x1c7: {  	v18 =	vadd.f32 v18, v17;
	v17 =	vld [tilespmem:s0+$0x9140];
	v3 =	vadd.f32 v8, v7;
	[tilespmem:s0+$0x10110] =	vst v5  }
0x1c8: {  	v22 =	vadd.f32 v22, v21;
	v21 =	vld [tilespmem:s0+$0x9160];
	[tilespmem:s0+$0x10150] =	vst v14  }
0x1c9: {  	v7 =	vld [tilespmem:s0+$0x8D70];
	[tilespmem:s0+$0x10120] =	vst v3;
	v3 =	vadd.f32 v12, v11  }
0x1ca: {  	v8 =	vld [tilespmem:s0+$0x1100];
	[tilespmem:s0+$0x10170] =	vst v18  }
0x1cb: {  	v5 =	vadd.f32 v10, v9;
	v9 =	vld [tilespmem:s0+$0x9100];
	[tilespmem:s0+$0x10140] =	vst v3;
	v3 =	vadd.f32 v16, v15  }
0x1cc: {  	v26 =	vadd.f32 v26, v25;
	v10 =	vld [tilespmem:s0+$0x1110];
	[tilespmem:s0+$0x10510] =	vst v22  }
0x1cd: {  	v14 =	vld [tilespmem:s0+$0x1130];
	[tilespmem:s0+$0x10160] =	vst v3;
	v3 =	vadd.f32 v20, v19  }
0x1ce: {  	v30 =	vadd.f32 v30, v29;
	[tilespmem:s0+$0x10530] =	vst v26;
	v18 =	vld [tilespmem:s0+$0x1150]  }
0x1cf: {  	v19 =	vld [tilespmem:s0+$0x9150];
	[tilespmem:s0+$0x10500] =	vst v3;
	v3 =	vadd.f32 v24, v23  }
0x1d0: {  	v34 =	vadd.f32 v34, v33;
	[tilespmem:s0+$0x10550] =	vst v30;
	v22 =	vld [tilespmem:s0+$0x1170]  }
0x1d1: {  	v11 =	vld [tilespmem:s0+$0x9110];
	[tilespmem:s0+$0x10520] =	vst v3;
	v3 =	vadd.f32 v28, v27  }
0x1d2: {  	[tilespmem:s0+$0x10570] =	vst v34;
	v12 =	vld [tilespmem:s0+$0x1120]  }
0x1d3: {  	v15 =	vld [tilespmem:s0+$0x9130];
	[tilespmem:s0+$0x10540] =	vst v3;
	v3 =	vadd.f32 v32, v31  }
0x1d4: {  	[tilespmem:s0+$0x10130] =	vst v5;
	v16 =	vld [tilespmem:s0+$0x1140];
	v19 =	vadd.f32 v19, v18  }
0x1d5: {  	v20 =	vld [tilespmem:s0+$0x1160];
	[tilespmem:s0+$0x10560] =	vst v3;
	v3 =	vadd.f32 v36, v35  }
0x1d6: {  	v24 =	vld [tilespmem:s0+$0x1500];
	[tilespmem:s0+$0x11150] =	vst v19;
	v36 =	vadd.f32 v38, v37  }
0x1d7: {  	v37 =	vld [tilespmem:s0+$0x9170];
	[tilespmem:s0+$0x10900] =	vst v3;
	v3 =	vadd.f32 v40, v39  }
0x1d8: {  	v38 =	vadd.f32 v42, v41;
	v41 =	vld [tilespmem:s0+$0x1510];
	[tilespmem:s0+$0x10910] =	vst v36  }
0x1d9: {  	v42 =	vld [tilespmem:s0+$0x9510];
	[tilespmem:s0+$0x10920] =	vst v3;
	v3 =	vadd.f32 v44, v43  }
0x1da: {  	v35 =	vld [tilespmem:s0+$0x1910];
	[tilespmem:s0+$0x10930] =	vst v38;
	v40 =	vadd.f32 v46, v45  }
0x1db: {  	v39 =	vld [tilespmem:s0+$0x9500];
	[tilespmem:s0+$0x10940] =	vst v3;
	v3 =	vadd.f32 v48, v47  }
0x1dc: {  	v45 =	vld [tilespmem:s0+$0x9520];
	v46 =	vadd.f32 v54, v53;
	[tilespmem:s0+$0x10950] =	vst v40  }
0x1dd: {  	v53 =	vld [tilespmem:s0+$0x1550];
	[tilespmem:s0+$0x10960] =	vst v3;
	v3 =	vadd.f32 v52, v51  }
0x1de: {  	v54 =	vld [tilespmem:s0+$0x9550];
	v43 =	vadd.f32 v50, v49;
	[tilespmem:s0+$0x10D10] =	vst v46  }
0x1df: {  	v36 =	vld [tilespmem:s0+$0x9910];
	[tilespmem:s0+$0x10D00] =	vst v3;
	v3 =	vadd.f32 v56, v55  }
0x1e0: {  	v38 =	vld [tilespmem:s0+$0x1920];
	v49 =	vadd.f32 v58, v57;
	[tilespmem:s0+$0x10970] =	vst v43  }
0x1e1: {  	v44 =	vld [tilespmem:s0+$0x1520];
	[tilespmem:s0+$0x10D20] =	vst v3;
	v3 =	vadd.f32 v60, v59  }
0x1e2: {  	v50 =	vld [tilespmem:s0+$0x1540];
	v58 =	vadd.f32 v11, v10;
	[tilespmem:s0+$0x10D30] =	vst v49  }
0x1e3: {  	v57 =	vld [tilespmem:s0+$0x9560];
	[tilespmem:s0+$0x10D40] =	vst v3;
	v3 =	vadd.f32 v4, v63  }
0x1e4: {  	v46 =	vld [tilespmem:s0+$0x1950];
	v37 =	vadd.f32 v37, v22;
	[tilespmem:s0+$0x11110] =	vst v58  }
0x1e5: {  	v40 =	vadd.f32 v42, v41;
	v41 =	vld [tilespmem:s0+$0x1930];
	[tilespmem:s0+$0x10D60] =	vst v3;
	v3 =	vadd.f32 v9, v8  }
0x1e6: {  	v42 =	vld [tilespmem:s0+$0x9930];
	[tilespmem:s0+$0x11170] =	vst v37  }
0x1e7: {  	v47 =	vld [tilespmem:s0+$0x1530];
	[tilespmem:s0+$0x11100] =	vst v3;
	v3 =	vadd.f32 v13, v12  }
0x1e8: {  	v48 =	vld [tilespmem:s0+$0x9530];
	[tilespmem:s0+$0x11510] =	vst v40;
	v52 =	vadd.f32 v62, v61  }
0x1e9: {  	v49 =	vld [tilespmem:s0+$0x1960];
	[tilespmem:s0+$0x11120] =	vst v3;
	v3 =	vadd.f32 v17, v16  }
0x1ea: {  	v51 =	vld [tilespmem:s0+$0x9540];
	v61 =	vadd.f32 v15, v14;
	[tilespmem:s0+$0x10D50] =	vst v52  }
0x1eb: {  	v62 =	vld [tilespmem:s0+$0x1900];
	[tilespmem:s0+$0x11140] =	vst v3;
	v3 =	vadd.f32 v21, v20  }
0x1ec: {  	v55 =	vadd.f32 v7, v6;
	v56 =	vld [tilespmem:s0+$0x1560];
	[tilespmem:s0+$0x11130] =	vst v61  }
0x1ed: {  	v52 =	vld [tilespmem:s0+$0x1970];
	[tilespmem:s0+$0x11160] =	vst v3;
	v3 =	vadd.f32 v39, v24  }
0x1ee: {  	v43 =	vadd.f32 v48, v47;
	v47 =	vld [tilespmem:s0+$0x9950];
	[tilespmem:s0+$0x10D70] =	vst v55  }
0x1ef: {  	v59 =	vld [tilespmem:s0+$0x1570];
	[tilespmem:s0+$0x11500] =	vst v3;
	v3 =	vadd.f32 v45, v44  }
0x1f0: {  	[tilespmem:s0+$0x11530] =	vst v43;
	v63 =	vld [tilespmem:s0+$0x9900];
	v4 =	vadd.f32 v54, v53  }
0x1f1: {  	v60 =	vld [tilespmem:s0+$0x9570];
	[tilespmem:s0+$0x11520] =	vst v3;
	v3 =	vadd.f32 v51, v50  }
0x1f2: {  	v54 =	vadd.f32 v42, v41;
	[tilespmem:s0+$0x11550] =	vst v4;
	v39 =	vld [tilespmem:s0+$0x9920]  }
0x1f3: {  	v44 =	vld [tilespmem:s0+$0x1940];
	[tilespmem:s0+$0x11540] =	vst v3;
	v3 =	vadd.f32 v57, v56  }
0x1f4: {  	[tilespmem:s0+$0x11930] =	vst v54;
	v55 =	vadd.f32 v47, v46;
	v45 =	vld [tilespmem:s0+$0x9940]  }
0x1f5: {  	v53 =	vld [tilespmem:s0+$0x9970];
	[tilespmem:s0+$0x11560] =	vst v3;
	v3 =	vadd.f32 v63, v62  }
0x1f6: {  	v48 =	vadd.f32 v60, v59;
	[tilespmem:s0+$0x11950] =	vst v55;
	v50 =	vld [tilespmem:s0+$0x9960]  }
0x1f7: {  	[tilespmem:s0+$0x11900] =	vst v3;
	v3 =	vadd.f32 v39, v38  }
0x1f8: {  	[tilespmem:s0+$0x11570] =	vst v48;
	v51 =	vadd.f32 v36, v35  }
0x1f9: {  	[tilespmem:s0+$0x11920] =	vst v3;
	v3 =	vadd.f32 v45, v44  }
0x1fa: {  	s1 =	sand.u32 $0x7, s28;
	[tilespmem:s0+$0x11910] =	vst v51;
	v56 =	vadd.f32 v53, v52  }
0x1fb: {  	s1 =	sshll.u32 s1, $0x7;
	[tilespmem:s0+$0x11940] =	vst v3;
	v3 =	vadd.f32 v50, v49  }
0x1fc: {  	s1 =	sadd.s32 s1, s30;
	[tilespmem:s0+$0x11970] =	vst v56  }
0x1fd: {  	[tilespmem:s0+$0x11960] =	vst v3;
	s0 =	sor.u32 $0x1C00, s1  }
0x1fe: {  	v3 =	vld [tilespmem:s0+$0x100]  }
0x1ff: {  	v4 =	vld [tilespmem:s0+$0x8100];
	_ =	sdelay $0x4  }
0x200: {  	v3 =	vadd.f32 v4, v3;
	_ =	sdelay $0x1  }
0x201: {  	[tilespmem:s0+$0x10100] =	vst v3;
	s0 =	sor.u32 $0x1C10, s1  }
0x202: {  	v3 =	vld [tilespmem:s0+$0x100]  }
0x203: {  	v57 =	vld [tilespmem:s0+$0x8100];
	_ =	sdelay $0x4  }
0x204: {  	v3 =	vadd.f32 v57, v3;
	_ =	sdelay $0x1  }
0x205: {  	[tilespmem:s0+$0x10100] =	vst v3;
	s0 =	sor.u32 $0x1C20, s1  }
0x206: {  	v3 =	vld [tilespmem:s0+$0x100]  }
0x207: {  	v58 =	vld [tilespmem:s0+$0x8100];
	_ =	sdelay $0x4  }
0x208: {  	v3 =	vadd.f32 v58, v3;
	_ =	sdelay $0x1  }
0x209: {  	[tilespmem:s0+$0x10100] =	vst v3;
	s0 =	sor.u32 $0x1C30, s1  }
0x20a: {  	v3 =	vld [tilespmem:s0+$0x100]  }
0x20b: {  	v59 =	vld [tilespmem:s0+$0x8100];
	_ =	sdelay $0x4  }
0x20c: {  	v3 =	vadd.f32 v59, v3;
	_ =	sdelay $0x1  }
0x20d: {  	[tilespmem:s0+$0x10100] =	vst v3;
	s0 =	sor.u32 $0x1C40, s1  }
0x20e: {  	v3 =	vld [tilespmem:s0+$0x100]  }
0x20f: {  	v60 =	vld [tilespmem:s0+$0x8100];
	_ =	sdelay $0x4  }
0x210: {  	v3 =	vadd.f32 v60, v3;
	_ =	sdelay $0x1  }
0x211: {  	[tilespmem:s0+$0x10100] =	vst v3;
	s0 =	sor.u32 $0x1C50, s1  }
0x212: {  	v3 =	vld [tilespmem:s0+$0x100]  }
0x213: {  	v61 =	vld [tilespmem:s0+$0x8100];
	_ =	sdelay $0x4  }
0x214: {  	v3 =	vadd.f32 v61, v3;
	_ =	sdelay $0x1  }
0x215: {  	[tilespmem:s0+$0x10100] =	vst v3;
	s0 =	sor.u32 $0x1C60, s1  }
0x216: {  	v3 =	vld [tilespmem:s0+$0x100]  }
0x217: {  	v62 =	vld [tilespmem:s0+$0x8100];
	_ =	sdelay $0x4  }
0x218: {  	v3 =	vadd.f32 v62, v3;
	_ =	sdelay $0x1  }
0x219: {  	s1 =	sor.u32 $0x1C70, s1;
	[tilespmem:s0+$0x10100] =	vst v3  }
0x21a: {  	v3 =	vld [tilespmem:s1+$0x100]  }
0x21b: {  	v63 =	vld [tilespmem:s1+$0x8100];
	_ =	sdelay $0x1  }
0x21c: {  	p0 =	sne.s32 s31, $0xF80  }
.Ltmp1:
0x21d: {  	_ = 	snop;
	(pc) =	sbr.rel @p0 .LBB2_4-.Ltmp1, $4  }
0x21e: {  	_ = 	snop  }
0x21f: {  	v3 =	vadd.f32 v63, v3  }
0x220: {  	s29 =	sadd.s32 $0x400, s29  }
0x221: {  	s31 =	sadd.s32 $0x80, s31;
	s28 =	sadd.s32 $0x1, s28;
	s30 =	sadd.s32 $0x400, s30;
	[tilespmem:s1+$0x10100] =	vst v3  }
0x222: {  	s0 =	rddreg [dreg:$0x8]  }
0x223: {  	[hbm4b:s0+s2] =	stream.linear.scatter [tilespmem:s13], [sflag:$0x3], $0x8000, $0x38;
	[tilespmem:$0x18100] =	vst v63  }
0x224: {  	_ =	swait.ge [sflag:s14], $0x8000  }
0x225: {  	s26 =	sadd.s32 $0x1, s26;
	s31 =	rddreg [dreg:$0x9]  }
0x226: {  	p0 =	sne.s32 s26, s31  }
.Ltmp2:
0x227: {  	_ = 	snop;
	(pc) =	sbr.rel @p0 .LBB2_1-.Ltmp2, $3  }
0x228: {  	_ =	sdelay $0x1  }
0x229: {  	[sflag:s14] =	ssyncset.done $0x0  }
0x22a: {  	[sflag:s14] =	ssyncadd.s32 $0xFFFF8000  }
0x22b: {  	_ =	sfence.sel $0x180000  }
0x22c: {  	[bflag:$0x0] =	sbarrier.arrive $0xFFFF  }
0x22d: {  	_ =	strace $0x9000004D  }
0x22e: {  	s0 =	stileid.u32;
	[bflag:$0x2] =	sbarrier.arrive $0xFFFF  }
0x22f: {  	p0 =	sne.s32 s0, $0x0;
	s0 =	rddreg [dreg:$0x2]  }
0x230: {  	s0 =	sadd.s32 @!p0 $0x100000, s0  }
0x231: {  	[sflag:s0] =	ssyncadd.tile.s32 @!p0 $0x1;
	_ =	shalt  }
.Lfunc_end2:
_tile_overlayer_lowered:
.L_overlay_start_2:
0x232: {  	(tag) =	ssettag $0x2  }
0x233: {  	s0 =	rddreg [dreg:$0x0];
	s2 =	stileid.u32  }
0x234: {  	s1 =	rddreg [dreg:$0x1];
	p0 =	sne.s32 s2, $0x0  }
0x235: {  	s3 =	rddreg [dreg:$0x2];
	[bflag:$0x3] =	sbarrier.arrive $0xFFFF;
	s2 =	simm.s32 @!p0 $0x1C03  }
0x236: {  	[timem:s3], [sflag:s2] =	dma.local @!p0 [hbm:s0], s1  }
0x237: {  	s0 =	simm.s32 @!p0 $0x3  }
0x238: {  	_ =	swait.ge @!p0 [sflag:s0], s1  }
0x239: {  	s1 =	ssub.s32 @!p0 $0x0, s1;
	[sflag:s0] =	ssyncset.done @!p0 $0x0  }
0x23a: {  	[sflag:s0] =	ssyncadd.s32 @!p0 s1  }
0x23b: {  	[bflag:$0x3] =	sbarrier.arrive $0xFFFF  }
0x23c: {  	_ =	shalt  }

// kernel: kernel.7.cloned.1.call-start
scs
__scs_entry_jumppad:
0x0: {  	(pc) =	sbr.rel $0x88, $3  }
0x1: {  	(tag) =	ssettag $0x0;
	lr =	simm.s32 $0x1  }
0x2: {  	[smem:$0x3F9C] =	sst lr;
	_ =	strace $0xD0000000  }
0x3: {  	_ = 	snop  }
0x4: {  	_ = 	snop  }
0x5: {  	_ = 	snop  }
0x6: {  	_ = 	snop  }
0x7: {  	_ = 	snop  }
__scs_overlays_trampoline_lowered:
0x8: {  	[smem:$0x3FAB] =	sst s0  }
0x9: {  	[smem:$0x3FAC] =	sst s1  }
0xa: {  	[smem:$0x3FAD] =	sst s2  }
0xb: {  	[smem:$0x3FAE] =	sst s3  }
0xc: {  	[smem:$0x3FAF] =	sst s4  }
0xd: {  	[smem:$0x3FB0] =	sst s5  }
0xe: {  	[smem:$0x3FB1] =	sst s6  }
0xf: {  	[smem:$0x3FB2] =	sst s7  }
0x10: {  	[smem:$0x3FB3] =	sst s8  }
0x11: {  	[smem:$0x3FB4] =	sst s9;
	s0 =	simm.s32 @!p0 $0x0  }
0x12: {  	s1 =	sld [smem:$0x3F9A];
	s0 =	simm.s32 @p0 $0x1  }
0x13: {  	[smem:$0x3FB5] =	sst s0;
	s0 =	simm.s32 @!p1 $0x0  }
0x14: {  	s2 =	sld [smem:$0x3F99];
	s0 =	simm.s32 @p1 $0x1  }
0x15: {  	[smem:$0x3FB6] =	sst s0;
	s0 =	simm.s32 @!p2 $0x0  }
0x16: {  	s3 =	sld [smem:$0x3FDB];
	s0 =	simm.s32 @p2 $0x1  }
0x17: {  	s4 =	simm.s32 $0x1BF5;
	[smem:$0x3FB8] =	sst s0  }
0x18: {  	s0 =	sld [smem:$0x3F9B];
	_ =	swait.ge [sflag:s4], $0x0  }
0x19: {  	s7 =	sld [smem:$0x3F9C]  }
0x1a: {  	s8 =	sadd.s32 $0xFFFFE003, lr  }
0x1b: {  	s9 =	sadd.s32 $0xFFFFFEF7, lr;
	s5 =	simm.s32 $0xFFFFFFFF;
	p2 =	slt.u32 s8, $0xFFFFF086  }
0x1c: {  	p1 =	slt.u32 s9, $0xF7A;
	s5 =	simm.s32 @!p2 $0x0  }
0x1d: {  	s5 =	simm.s32 @p1 $0x1;
	p0 =	seq.s32 s7, s2  }
0x1e: {  	s7 =	smul.u32 @!p0 $0xF7A, s2;
	p2 =	seq.s32 @!p0 s5, $0x0  }
0x1f: {  	s9 =	smul.u32 $0xF7A, s1;
	s8 =	simm.s32 @!p0 $0x1BF5;
	p2 =	por !p2, p0  }
0x20: {  	[sflag:s8] =	ssyncset.s32 @!p0 $0xFFFFF086;
	s6 =	sadd.s32 @!p0 s3, s7;
	s7 =	simm.s32 @!p0 $0x108  }
0x21: {  	s3 =	sadd.s32 s3, s9;
	s6 =	sadd.s32 @!p0 $0x88, s6;
	s7 =	simm.s32 @p2 $0x1082  }
0x22: {  	[simem:s7], [sflag:s8] =	dma.local @!p0 [hbm:s6], $0xF7A  }
0x23: {  	s9 =	sor.u32 $0xD0000000, s2;
	s6 =	simm.s32 $0x108;
	_ =	swait.ge @!p0 [sflag:s8], $0x0  }
0x24: {  	s3 =	sadd.s32 $0x88, s3;
	s6 =	simm.s32 @!p1 $0x1082;
	[sflag:s4] =	ssyncset.s32 $0xFFFFF086  }
0x25: {  	[simem:s6], [sflag:s4] =	dma.local [hbm:s3], $0xF7A  }
0x26: {  	[smem:$0x3F9C] =	sst s1;
	(tag) =	ssettag s2;
	_ =	strace s9  }
0x27: {  	s1 =	sld [smem:$0x3FAC]  }
0x28: {  	s2 =	sld [smem:$0x3FAD]  }
0x29: {  	s4 =	sld [smem:$0x3FAF]  }
0x2a: {  	p0 =	seq.s32 s5, $0x0;
	s5 =	sld [smem:$0x3FB0]  }
0x2b: {  	s6 =	sld [smem:$0x3FB1]  }
0x2c: {  	s7 =	sld [smem:$0x3FB2]  }
0x2d: {  	s3 =	simm.s32 $0x108;
	s8 =	sld [smem:$0x3FB3]  }
0x2e: {  	s3 =	simm.s32 @!p0 $0x1082;
	s9 =	sld [smem:$0x3FB4]  }
0x2f: {  	lr =	sadd.s32 s0, s3;
	s0 =	sld [smem:$0x3FAB]  }
0x30: {  	s3 =	sld [smem:$0x3FAE]  }
0x31: {  	[smem:$0x3FB7] =	sst s10  }
0x32: {  	s10 =	sld [smem:$0x3FB5];
	_ =	sdelay $0x3  }
0x33: {  	p0 =	seq.s32 s10, $0x1;
	s10 =	sld [smem:$0x3FB7];
	_ =	sdelay $0x3  }
0x34: {  	[smem:$0x3FB7] =	sst s10  }
0x35: {  	s10 =	sld [smem:$0x3FB6];
	_ =	sdelay $0x3  }
0x36: {  	p1 =	seq.s32 s10, $0x1;
	s10 =	sld [smem:$0x3FB7];
	_ =	sdelay $0x3  }
0x37: {  	[smem:$0x3FB7] =	sst s10  }
0x38: {  	s10 =	sld [smem:$0x3FB8]  }
0x39: {  	_ = 	snop;
	(pc) =	sbr.ind lr, $3  }
0x3a: {  	_ = 	snop  }
0x3b: {  	_ = 	snop  }
0x3c: {  	p2 =	seq.s32 s10, $0x1;
	s10 =	sld [smem:$0x3FB7]  }
0x3d: {  	_ =	shalt  }
0x3e: {  	_ =	shalt  }
0x3f: {  	_ =	shalt  }
0x40: {  	_ =	shalt  }
0x41: {  	_ =	shalt  }
0x42: {  	_ =	shalt  }
0x43: {  	_ =	shalt  }
0x44: {  	_ =	shalt  }
0x45: {  	_ =	shalt  }
0x46: {  	_ =	shalt  }
0x47: {  	_ =	shalt  }
0x48: {  	_ =	shalt  }
0x49: {  	_ =	shalt  }
0x4a: {  	_ =	shalt  }
0x4b: {  	_ =	shalt  }
0x4c: {  	_ =	shalt  }
0x4d: {  	_ =	shalt  }
0x4e: {  	_ =	shalt  }
0x4f: {  	_ =	shalt  }
0x50: {  	_ =	shalt  }
0x51: {  	_ =	shalt  }
0x52: {  	_ =	shalt  }
0x53: {  	_ =	shalt  }
0x54: {  	_ =	shalt  }
0x55: {  	_ =	shalt  }
0x56: {  	_ =	shalt  }
0x57: {  	_ =	shalt  }
0x58: {  	_ =	shalt  }
0x59: {  	_ =	shalt  }
0x5a: {  	_ =	shalt  }
0x5b: {  	_ =	shalt  }
0x5c: {  	_ =	shalt  }
0x5d: {  	_ =	shalt  }
0x5e: {  	_ =	shalt  }
0x5f: {  	_ =	shalt  }
0x60: {  	_ =	shalt  }
0x61: {  	_ =	shalt  }
0x62: {  	_ =	shalt  }
0x63: {  	_ =	shalt  }
0x64: {  	_ =	shalt  }
0x65: {  	_ =	shalt  }
0x66: {  	_ =	shalt  }
0x67: {  	_ =	shalt  }
0x68: {  	_ =	shalt  }
0x69: {  	_ =	shalt  }
0x6a: {  	_ =	shalt  }
0x6b: {  	_ =	shalt  }
0x6c: {  	_ =	shalt  }
0x6d: {  	_ =	shalt  }
0x6e: {  	_ =	shalt  }
0x6f: {  	_ =	shalt  }
0x70: {  	_ =	shalt  }
0x71: {  	_ =	shalt  }
0x72: {  	_ =	shalt  }
0x73: {  	_ =	shalt  }
0x74: {  	_ =	shalt  }
0x75: {  	_ =	shalt  }
0x76: {  	_ =	shalt  }
0x77: {  	_ =	shalt  }
0x78: {  	_ =	shalt  }
0x79: {  	_ =	shalt  }
0x7a: {  	_ =	shalt  }
0x7b: {  	_ =	shalt  }
0x7c: {  	_ =	shalt  }
0x7d: {  	_ =	shalt  }
0x7e: {  	_ =	shalt  }
0x7f: {  	_ =	shalt  }
0x80: {  	_ =	shalt  }
0x81: {  	_ =	shalt  }
0x82: {  	_ =	shalt  }
0x83: {  	_ =	shalt  }
0x84: {  	_ =	shalt  }
0x85: {  	_ =	shalt  }
0x86: {  	_ =	shalt  }
0x87: {  	_ =	shalt  }
.Lfunc_end0:
.L_simem_size_0:
called_computation_lowered:
.L_overlay_start_0:
0x88: {  	s2 =	sld [smem:$0x3FD9]  }
0x89: {  	s3 =	sld [smem:$0x3FFE];
	_ =	sdelay $0x1  }
0x8a: {  	s1 =	srdreg.scid  }
0x8b: {  	s0 =	sand.u32 $0x1, s1  }
0x8c: {  	s16 =	sshll.u32 s0, $0xA;
	s2 =	sadd.s32 s3, s2  }
0x8d: {  	s2 =	sadd.s32 s2, s16  }
0x8e: {  	[smem:$0x3FC3] =	sst s2  }
0x8f: {  	_ = 	snop  }
0x90: {  	(tm) =	ssettm $0x1  }
0x91: {  	s17 =	sld [smem:$0x3FFB];
	_ =	sdelay $0x3  }
0x92: {  	_ =	strace s17  }
0x93: {  	s2 =	sld [smem:$0x3FFC];
	_ =	sdelay $0x3  }
0x94: {  	_ =	strace s2  }
0x95: {  	s2 =	sld [smem:$0x3FFD];
	_ =	sdelay $0x3  }
0x96: {  	_ =	strace s2  }
0x97: {  	_ =	strace $0x8FFFFFFF  }
0x98: {  	s18 =	sld [smem:$0x3FDB];
	_ =	sdelay $0x1  }
0x99: {  	s19 =	simm.s32 $_scs_section_size  }
0x9a: {  	s4 =	simm.s32 $_size__tile_overlayer_lowered;
	s5 =	simm.s32 $_tile_overlayer_lowered  }
0x9b: {  	s22 =	simm.s32 $0x1BFF;
	s21 =	sshll.u32 s5, $0x1;
	s2 =	sadd.s32 s19, s18  }
0x9c: {  	s6 =	simm.s32 $0x0;
	s20 =	sshll.u32 s4, $0x1;
	s4 =	sadd.s32 s21, s2  }
0x9d: {  	[timem:s6], [sflag:s22] =	dma.local [hbm:s4], s20  }
0x9e: {  	_ =	swait.ge [sflag:s22], s20  }
0x9f: {  	s3 =	ssub.s32 $0x0, s20;
	[sflag:s22] =	ssyncset.done $0x0  }
0xa0: {  	[sflag:s22] =	ssyncadd.s32 s3;
	_ =	sdelay $0x1  }
0xa1: {  	s23 =	simm.s32 $0x1B8B  }
0xa2: {  	_ =	swait.ge [sflag:s23], $0x1  }
0xa3: {  	[sflag:s23] =	ssyncset.done $0x0  }
0xa4: {  	s25 =	simm.s32 $0x1B8E;
	s24 =	sld [smem:$0x3FFE];
	[sflag:s23] =	ssyncadd.s32 $0xFFFFFFFF  }
0xa5: {  	s26 =	simm.s32 $execute0_lowered;
	[smem:$0x3FD2] =	sst s25  }
0xa6: {  	s4 =	sshll.u32 s26, $0x1;
	_ =	strace $0x80000046;
	[dreg:$0x1] =	wrdreg $0xFFFFFFFF  }
0xa7: {  	s28 =	simm.s32 $_size_execute0_lowered;
	s2 =	sadd.s32 s2, s4;
	[dreg:$0x0] =	wrdreg $0x0  }
0xa8: {  	s4 =	sshll.u32 s28, $0x1;
	[dreg:$0x2] =	wrdreg s2  }
0xa9: {  	[dreg:$0x3] =	wrdreg s4  }
0xaa: {  	[dreg:$0x4] =	wrdreg $0xC0  }
0xab: {  	_ =	task [dreg:s6], $0x5FFFF  }
0xac: {  	[dreg:$0x1] =	wrdreg $0xFFFFFFFF  }
0xad: {  	[dreg:$0x0] =	wrdreg $0x60  }
0xae: {  	[dreg:$0x2] =	wrdreg s24  }
0xaf: {  	[dreg:$0x3] =	wrdreg $0x9  }
0xb0: {  	_ =	task.clear_ibuf [dreg:s6], $0x4FFFF;
	_ =	strace $0x90000046  }
0xb1: {  	s29 =	simm.s32 $0x9;
	_ =	strace $0x80000048  }
0xb2: {  	_ =	swait.ge [sflag:s29], $0x1  }
0xb3: {  	[sflag:s29] =	ssyncadd.s32 $0xFFFFFFFF  }
0xb4: {  	_ =	strace $0x90000048  }
0xb5: {  	_ =	sfence  }
0xb6: {  	s30 =	sld [smem:$0x0];
	_ =	sdelay $0x2  }
0xb7: {  	s31 =	sshll.u32 s1, $0xD;
	s1 =	sshrl.u32 s1, $0x2  }
0xb8: {  	s3 =	sand.u32 $0x4000, s31;
	s1 =	sadd.s32 s1, s30  }
0xb9: {  	s0 =	sor.u32 s3, s0;
	s1 =	sshll.u32 s1, $0x11  }
0xba: {  	s0 =	sor.u32 s1, s0  }
0xbb: {  	s0 =	sadd.s32 $0x8F2B, s0  }
0xbc: {  	[sflag:s0] =	ssyncadd.remote.s32 $0x1  }
0xbd: {  	_ =	sfence.sel $0xFFFF  }
0xbe: {  	[dreg:$0x0] =	wrdreg $0xFFFFFFFF;
	(pc) =	sbr.abs _section_cstart, $3  }
0xbf: {  	[dreg:$0x1] =	wrdreg $0xFFFFFFFF  }
0xc0: {  	_ =	task.clear_ibuf [dreg:s6], $0x2FFFF;
	_ =	strace $0x9FFFFFFF  }
0xc1: {  	(tm) =	ssettm $0x7FFFFFFF  }
tec
execute0_lowered:
.L_overlay_start_1:
0x0: {  	(tag) =	ssettag $0x1  }
0x1: {  	s0 =	srdreg.scid  }
0x2: {  	s8 =	sand.u32 $0x1, s0;
	s0 =	stileid.u32  }
0x3: {  	s3 =	sshll.u32 s0, $0x1;
	s4 =	ssub.s32 $0x0, s8  }
0x4: {  	p0 =	sne.s32 s3, s4  }
.Ltmp0:
0x5: {  	_ = 	snop;
	(pc) =	sbr.rel @p0 .LBB2_7-.Ltmp0, $3  }
0x6: {  	_ =	sdelay $0x1  }
0x7: {  	s2 =	rddreg [dreg:$0x0]  }
0x8: {  	s1 =	rddreg [dreg:$0x1];
	_ =	strace $0x80000047  }
0x9: {  	s3 =	sadd.s32 $0x400, s2;
	s4 =	sadd.s32 $0x600, s2;
	s5 =	sadd.s32 $0x800, s2  }
0xa: {  	s6 =	sadd.s32 $0xA00, s2;
	s7 =	sadd.s32 $0xC00, s2;
	s12 =	ssub.s32 $0x2, s8  }
0xb: {  	s8 =	sadd.s32 $0x200, s2;
	s9 =	sadd.s32 $0x1200, s2;
	s10 =	sadd.s32 $0xE00, s2  }
0xc: {  	s11 =	sadd.s32 $0x1600, s2;
	s14 =	simm.s32 $0x0;
	s15 =	simm.s32 $0x1  }
0xd: {  	s16 =	simm.s32 $0x800;
	s17 =	simm.s32 $0x1000;
	s18 =	simm.s32 $0x1800  }
0xe: {  	s19 =	simm.s32 $0x2000;
	s20 =	simm.s32 $0x2800;
	s21 =	simm.s32 $0x3000  }
0xf: {  	s22 =	simm.s32 $0x3080;
	s23 =	simm.s32 $0x4880;
	s13 =	sshrl.u32 s12, $0x1  }
0x10: {  	s24 =	simm.s32 $0x6080;
	s25 =	simm.s32 $0x6880;
	s13 =	ssub.s32 s12, s13  }
0x11: {  	v0 =	vimm.s32 $0x0;
	v1 =	vimm.f32 $0.0e+00;
	v2 =	vlaneseq.u32;
	s26 =	simm.s32 $0x0;
	s12 =	sadd.s32 $0x1800, s2;
	s13 =	smax.u32 s13, $0x1  }
.LBB2_2:
0x12: {  	[tilespmem:s14], [sflag:$0x1] =	stream.linear.gather [hbm4b:s2+s14], $0x800, $0x38;
	[tilespmem:$0x7080] =	vst v63  }
0x13: {  	_ =	swait.ge [sflag:s15], $0x800  }
0x14: {  	[sflag:s15] =	ssyncset.done $0x0  }
0x15: {  	[sflag:s15] =	ssyncadd.s32 $0xFFFFF800  }
0x16: {  	[tilespmem:s16], [sflag:$0x1] =	stream.linear.gather [hbm4b:s3+s14], $0x800, $0x38;
	[tilespmem:$0x7080] =	vst v63  }
0x17: {  	_ =	swait.ge [sflag:s15], $0x800  }
0x18: {  	[sflag:s15] =	ssyncset.done $0x0  }
0x19: {  	[sflag:s15] =	ssyncadd.s32 $0xFFFFF800  }
0x1a: {  	[tilespmem:s17], [sflag:$0x1] =	stream.linear.gather [hbm4b:s4+s14], $0x800, $0x38;
	[tilespmem:$0x7080] =	vst v63  }
0x1b: {  	_ =	swait.ge [sflag:s15], $0x800  }
0x1c: {  	[sflag:s15] =	ssyncset.done $0x0  }
0x1d: {  	[sflag:s15] =	ssyncadd.s32 $0xFFFFF800  }
0x1e: {  	[tilespmem:s18], [sflag:$0x1] =	stream.linear.gather [hbm4b:s5+s14], $0x800, $0x38;
	[tilespmem:$0x7080] =	vst v63  }
0x1f: {  	_ =	swait.ge [sflag:s15], $0x800  }
0x20: {  	[sflag:s15] =	ssyncset.done $0x0  }
0x21: {  	[sflag:s15] =	ssyncadd.s32 $0xFFFFF800  }
0x22: {  	[tilespmem:s19], [sflag:$0x1] =	stream.linear.gather [hbm4b:s6+s14], $0x800, $0x38;
	[tilespmem:$0x7080] =	vst v63  }
0x23: {  	_ =	swait.ge [sflag:s15], $0x800  }
0x24: {  	[sflag:s15] =	ssyncset.done $0x0  }
0x25: {  	[sflag:s15] =	ssyncadd.s32 $0xFFFFF800  }
0x26: {  	[tilespmem:s20], [sflag:$0x1] =	stream.linear.gather [hbm4b:s7+s14], $0x800, $0x38;
	[tilespmem:$0x7080] =	vst v63  }
0x27: {  	_ =	swait.ge [sflag:s15], $0x800  }
0x28: {  	[sflag:s15] =	ssyncset.done $0x0  }
0x29: {  	[sflag:s15] =	ssyncadd.s32 $0xFFFFF800  }
0x2a: {  	[tilespmem:s21], [sflag:$0x1] =	stream.linear.gather [hbm4b:s8+s14], $0x80, $0x38;
	[tilespmem:$0x7080] =	vst v63  }
0x2b: {  	_ =	swait.ge [sflag:s15], $0x80  }
0x2c: {  	[sflag:s15] =	ssyncset.done $0x0  }
0x2d: {  	s28 =	simm.s32 $0x0;
	[sflag:s15] =	ssyncadd.s32 $0xFFFFFF80  }
.LBB2_3:
0x2e: {  	p0 =	sne.s32 s28, $0x5FC0  }
.Ltmp1:
0x2f: {  	_ = 	snop;
	(pc) =	sbr.rel @p0 .LBB2_3-.Ltmp1, $4  }
0x30: {  	_ = 	snop  }
0x31: {  	s29 =	sshra.s32 s28, $0x2  }
0x32: {  	[tilespmem:s29+$0x3080] =	vst v0  }
0x33: {  	s28 =	sadd.s32 $0x40, s28;
	[tilespmem:s29+$0x4880] =	vst v1  }
0x34: {  	s28 =	simm.s32 $0x0;
	s29 =	simm.s32 $0x0  }
.LBB2_5:
0x35: {  	s30 =	sshra.s32 s29, $0x2  }
0x36: {  	v3 =	vld [tilespmem:s30+$0x0];
	_ =	sdelay $0x6  }
0x37: {  	v4 =	vld [tilespmem:s30+$0x1000]  }
0x38: {  	v3 =	vld.idx.msk [tilespmem:v3+s21+$0x0], $0xffff;
	_ =	sdelay $0x4  }
0x39: {  	v3 =	vadd.s32 v3, v4;
	_ =	sdelay $0x3  }
0x3a: {  	v62 =	vor.u32 s28, v2  }
0x3b: {  	[tilespmem:v3+s22+$0x0] =	vst.idx.msk $0xffff, v62  }
0x3c: {  	v5 =	vld [tilespmem:s30+$0x2000];
	_ =	sdelay $0x4  }
0x3d: {  	[tilespmem:v3+s23+$0x0] =	vst.idx.msk $0xffff, v5  }
0x3e: {  	v5 =	vld [tilespmem:s30+$0x800];
	_ =	sdelay $0x6  }
0x3f: {  	[tilespmem:s30+$0x6080] =	vst v3;
	v63 =	vld [tilespmem:s30+$0x1800]  }
0x40: {  	v3 =	vld.idx.msk [tilespmem:v5+s21+$0x0], $0xffff;
	_ =	sdelay $0x4  }
0x41: {  	v3 =	vadd.s32 v3, v63;
	_ =	sdelay $0x4  }
0x42: {  	[tilespmem:v3+s22+$0x0] =	vst.idx.msk $0xffff, v62  }
0x43: {  	v4 =	vld [tilespmem:s30+$0x2800]  }
0x44: {  	p0 =	sne.s32 s29, $0x1FC0  }
.Ltmp2:
0x45: {  	_ = 	snop;
	(pc) =	sbr.rel @p0 .LBB2_5-.Ltmp2, $3  }
0x46: {  	_ =	sdelay $0x1  }
0x47: {  	[tilespmem:v3+s23+$0x0] =	vst.idx.msk $0xffff, v4  }
0x48: {  	s28 =	sadd.s32 $0x10, s28;
	s29 =	sadd.s32 $0x40, s29;
	[tilespmem:s30+$0x6880] =	vst v3  }
0x49: {  	[hbm4b:s9+s14] =	stream.linear.scatter [tilespmem:s22], [sflag:$0x1], $0x1800, $0x38;
	[tilespmem:$0x7080] =	vst v63  }
0x4a: {  	_ =	swait.ge [sflag:s15], $0x1800  }
0x4b: {  	[sflag:s15] =	ssyncset.done $0x0  }
0x4c: {  	[sflag:s15] =	ssyncadd.s32 $0xFFFFE800  }
0x4d: {  	[hbm4b:s10+s14] =	stream.linear.scatter [tilespmem:s23], [sflag:$0x1], $0x1800, $0x38;
	[tilespmem:$0x7080] =	vst v63  }
0x4e: {  	_ =	swait.ge [sflag:s15], $0x1800  }
0x4f: {  	[sflag:s15] =	ssyncset.done $0x0  }
0x50: {  	[sflag:s15] =	ssyncadd.s32 $0xFFFFE800  }
0x51: {  	[hbm4b:s11+s14] =	stream.linear.scatter [tilespmem:s24], [sflag:$0x1], $0x800, $0x38;
	[tilespmem:$0x7080] =	vst v63  }
0x52: {  	s26 =	sadd.s32 $0x1, s26;
	_ =	swait.ge [sflag:s15], $0x800  }
0x53: {  	p0 =	sne.s32 s26, s13;
	[sflag:s15] =	ssyncset.done $0x0  }
.Ltmp3:
0x54: {  	[sflag:s15] =	ssyncadd.s32 $0xFFFFF800;
	(pc) =	sbr.rel @p0 .LBB2_2-.Ltmp3, $4  }
0x55: {  	[hbm4b:s12+s14] =	stream.linear.scatter [tilespmem:s25], [sflag:$0x1], $0x800, $0x38;
	[tilespmem:$0x7080] =	vst v63  }
0x56: {  	_ =	swait.ge [sflag:s15], $0x800  }
0x57: {  	[sflag:s15] =	ssyncset.done $0x0  }
0x58: {  	[sflag:s15] =	ssyncadd.s32 $0xFFFFF800  }
.LBB2_7:
0x59: {  	_ =	sfence.sel $0x180000  }
0x5a: {  	[bflag:$0x0] =	sbarrier.arrive $0xFFFF  }
0x5b: {  	p0 =	sne.s32 s0, $0x0;
	_ =	strace $0x90000047  }
0x5c: {  	s0 =	sadd.s32 @!p0 $0x100000, s1;
	[bflag:$0x2] =	sbarrier.arrive $0xFFFF  }
0x5d: {  	[sflag:s0] =	ssyncadd.tile.s32 @!p0 $0x1;
	_ =	shalt  }
.Lfunc_end2:
_tile_overlayer_lowered:
.L_overlay_start_2:
0x5e: {  	(tag) =	ssettag $0x2  }
0x5f: {  	s0 =	rddreg [dreg:$0x0];
	s2 =	stileid.u32  }
0x60: {  	s1 =	rddreg [dreg:$0x1];
	p0 =	sne.s32 s2, $0x0  }
0x61: {  	s3 =	rddreg [dreg:$0x2];
	[bflag:$0x3] =	sbarrier.arrive $0xFFFF;
	s2 =	simm.s32 @!p0 $0x1C01  }
0x62: {  	[timem:s3], [sflag:s2] =	dma.local @!p0 [hbm:s0], s1  }
0x63: {  	s0 =	simm.s32 @!p0 $0x1  }
0x64: {  	_ =	swait.ge @!p0 [sflag:s0], s1  }
0x65: {  	s1 =	ssub.s32 @!p0 $0x0, s1;
	[sflag:s0] =	ssyncset.done @!p0 $0x0  }
0x66: {  	[sflag:s0] =	ssyncadd.s32 @!p0 s1  }
0x67: {  	[bflag:$0x3] =	sbarrier.arrive $0xFFFF  }
0x68: {  	_ =	shalt  }

</sc_bundles>
